<compile_context>
chip_gen: v7x
topology: tpu7x:2x2x1
jax: 0.10.2.dev20260603
libtpu: 0.0.44.dev20260713+nightly
codegen_flags: <defaults>
</compile_context>

<pallas_src>
import functools

import jax
import jax.numpy as jnp
from jax import lax
from jax.experimental import pallas as pl
from jax.experimental.pallas import tpu as pltpu
from jax.experimental.pallas import tpu_sc as plsc

N = 10000
D = 128
E = 320000

NC = 2
NS = 16
NW = NC * NS
LANES = 16

NPAD = 10112
DUMMY = N
CH = 128
NCH = 80
EPT = NCH * CH
EPAD = NW * EPT
ZROWS = NPAD // NS

_mesh = plsc.VectorSubcoreMesh(
    core_axis_name="c", subcore_axis_name="s", num_cores=NC, num_subcores=NS)
_sc_params = pltpu.CompilerParams(needs_layout_passes=False)


@functools.partial(
    pl.kernel,
    out_type=jax.ShapeDtypeStruct((NW, NPAD), jnp.float32),
    mesh=_mesh,
    scratch_types=[
        pltpu.VMEM((EPT,), jnp.int32),
        pltpu.VMEM((NPAD,), jnp.float32),
    ],
    compiler_params=_sc_params,
)
def _deg_kernel(dst_hbm, out_hbm, dst_v, hist_v):
    c = lax.axis_index("c")
    s = lax.axis_index("s")
    wid = s * NC + c
    pltpu.sync_copy(dst_hbm.at[wid], dst_v)
    zeros16 = jnp.zeros((LANES,), jnp.float32)
    ones16 = jnp.ones((LANES,), jnp.float32)

    def zbody(i, carry):
        hist_v[pl.ds(i * LANES, LANES)] = zeros16
        return carry

    lax.fori_loop(0, NPAD // LANES, zbody, 0)

    def ebody(i, carry):
        idx = dst_v[pl.ds(i * LANES, LANES)]
        plsc.addupdate_scatter(hist_v, [idx], ones16)
        return carry

    lax.fori_loop(0, EPT // LANES, ebody, 0)
    pltpu.sync_copy(hist_v, out_hbm.at[wid])


@functools.partial(
    pl.kernel,
    out_type=jax.ShapeDtypeStruct((NC, NPAD, D), jnp.float32),
    mesh=_mesh,
    scratch_types=[
        pltpu.VMEM((NCH, CH), jnp.int32),
        pltpu.VMEM((2, CH), jnp.int32),
        pltpu.VMEM((2, CH), jnp.int32),
        pltpu.VMEM((2, CH, D), jnp.float32),
        pltpu.VMEM_SHARED((NPAD, D), jnp.float32),
        pltpu.SemaphoreType.DMA,
    ],
    compiler_params=_sc_params,
)
def _prop_kernel(table_hbm, packed_hbm, out_hbm,
                 packed_v, sidx, didx, rows_v, accum, sem):
    c = lax.axis_index("c")
    s = lax.axis_index("s")
    wid = s * NC + c
    pltpu.sync_copy(packed_hbm.at[wid], packed_v)

    def unpack(jn, bn):
        for i in range(CH // LANES):
            v = packed_v[jn, pl.ds(i * LANES, LANES)]
            sidx[bn, pl.ds(i * LANES, LANES)] = v & 0xFFFF
            didx[bn, pl.ds(i * LANES, LANES)] = lax.shift_right_logical(v, 16)

    zeros16 = jnp.zeros((LANES,), jnp.float32)

    def zbody(i, carry):
        rows_v[0, i // (D // LANES), pl.ds((i % (D // LANES)) * LANES, LANES)] = zeros16
        return carry

    lax.fori_loop(0, CH * (D // LANES), zbody, 0)
    for z in range(ZROWS // CH):
        pltpu.sync_copy(rows_v.at[0], accum.at[pl.ds(s * ZROWS + z * CH, CH)])
    rem = ZROWS % CH
    if rem:
        pltpu.sync_copy(rows_v.at[0].at[pl.ds(0, rem)],
                        accum.at[pl.ds(s * ZROWS + (ZROWS // CH) * CH, rem)])
    unpack(0, 0)
    pltpu.async_copy(table_hbm.at[sidx.at[0]], rows_v.at[0], sem)
    plsc.subcore_barrier()

    def ebody(j, carry):
        b = lax.rem(j, 2)

        @pl.when(j + 1 < NCH)
        def _():
            unpack(j + 1, 1 - b)

        pltpu.make_async_copy(table_hbm.at[sidx.at[b]], rows_v.at[b], sem).wait()

        @pl.when(j + 1 < NCH)
        def _():
            pltpu.async_copy(table_hbm.at[sidx.at[1 - b]], rows_v.at[1 - b], sem)

        pltpu.sync_copy(rows_v.at[b], accum.at[didx.at[b]], add=True)
        return carry

    lax.fori_loop(0, NCH, ebody, 0)
    plsc.subcore_barrier()
    pltpu.sync_copy(accum.at[pl.ds(s * ZROWS, ZROWS)],
                    out_hbm.at[c].at[pl.ds(s * ZROWS, ZROWS)])


BLK = 128
GRID = NPAD // BLK


def _dis_body(pd_ref, disT_ref):
    deg = jnp.sum(pd_ref[...], axis=0)
    dis = jnp.where(deg > 0.0, lax.rsqrt(jnp.maximum(deg, 1.0)), 0.0)
    disp = jnp.concatenate([dis, jnp.zeros((GPAD - GRID, BLK), jnp.float32)], 0)
    disT_ref[...] = jnp.transpose(disp)


def _col(disT, i):
    ci = lax.broadcasted_iota(jnp.int32, (BLK, GPAD), 1)
    return jnp.sum(jnp.where(ci == i, disT, 0.0), axis=1, keepdims=True)


def _scale1_body(x_ref, disT_ref, w_ref, h_ref):
    dis = _col(disT_ref[...], pl.program_id(0))
    h_ref[...] = jnp.dot(x_ref[...] * dis, w_ref[...],
                         preferred_element_type=jnp.float32)


def _scale2_body(p_ref, disT_ref, w_ref, b_ref, h_ref):
    p = p_ref[...]
    dis = _col(disT_ref[...], pl.program_id(0))
    h1 = (p[0] + p[1]) * dis + b_ref[...]
    h_ref[...] = jnp.dot(h1 * dis, w_ref[...],
                         preferred_element_type=jnp.float32)


def _final_body(p_ref, disT_ref, b_ref, out_ref):
    p = p_ref[...]
    dis = _col(disT_ref[...], pl.program_id(0))
    out_ref[...] = (p[0] + p[1]) * dis + b_ref[...]


GPAD = 80


def kernel(x, edge_index, W1, b1, W2, b2):
    src = edge_index[0]
    dst = edge_index[1]
    ppw = EPT - E // NW
    padv = (N + (jnp.arange(ppw) % (NPAD - N))).astype(jnp.int32)
    pads = jnp.broadcast_to(padv, (NW, ppw))
    srcm = jnp.concatenate([src.reshape(NW, E // NW), pads], axis=1)
    dstm = jnp.concatenate([dst.reshape(NW, E // NW), pads], axis=1)
    packed3 = (srcm | (dstm << 16)).reshape(NW, NCH, CH)
    dst2 = dstm.reshape(NW, EPT)
    x_pad = jnp.pad(x, ((0, NPAD - N), (0, 0)))
    b1r = b1.reshape(1, D)
    b2r = b2.reshape(1, D)

    pd = _deg_kernel(dst2)
    pd3 = pd.reshape(NW, GRID, BLK)

    disT = pl.pallas_call(
        _dis_body,
        out_shape=jax.ShapeDtypeStruct((BLK, GPAD), jnp.float32),
    )(pd3)

    h1s = pl.pallas_call(
        _scale1_body,
        grid=(GRID,),
        in_specs=[
            pl.BlockSpec((BLK, D), lambda i: (i, 0)),
            pl.BlockSpec((BLK, GPAD), lambda i: (0, 0)),
            pl.BlockSpec((D, D), lambda i: (0, 0)),
        ],
        out_specs=pl.BlockSpec((BLK, D), lambda i: (i, 0)),
        out_shape=jax.ShapeDtypeStruct((NPAD, D), jnp.float32),
    )(x_pad, disT, W1)

    p1 = _prop_kernel(h1s, packed3)

    h2s = pl.pallas_call(
        _scale2_body,
        grid=(GRID,),
        in_specs=[
            pl.BlockSpec((NC, BLK, D), lambda i: (0, i, 0)),
            pl.BlockSpec((BLK, GPAD), lambda i: (0, 0)),
            pl.BlockSpec((D, D), lambda i: (0, 0)),
            pl.BlockSpec((1, D), lambda i: (0, 0)),
        ],
        out_specs=pl.BlockSpec((BLK, D), lambda i: (i, 0)),
        out_shape=jax.ShapeDtypeStruct((NPAD, D), jnp.float32),
    )(p1, disT, W2, b1r)

    p2 = _prop_kernel(h2s, packed3)

    out = pl.pallas_call(
        _final_body,
        grid=(GRID,),
        in_specs=[
            pl.BlockSpec((NC, BLK, D), lambda i: (0, i, 0)),
            pl.BlockSpec((BLK, GPAD), lambda i: (0, 0)),
            pl.BlockSpec((1, D), lambda i: (0, 0)),
        ],
        out_specs=pl.BlockSpec((BLK, D), lambda i: (i, 0)),
        out_shape=jax.ShapeDtypeStruct((NPAD, D), jnp.float32),
    )(p2, disT, b2r)

    return out[:N]

# --- scband reference (transcript-rebuilt; emitter-appended) ---
"""Pipeline reference for scband-mrtcf-5488968204390 (READ-ONLY COPY).

The authoritative reference and input builder live on the scoring server;
editing this copy changes nothing except your own understanding.
"""

import jax, jax.numpy as jnp
import numpy as np

N_NODES = 10000
D = 128
N_EDGES = 320000
LAYERS = 2


def _gcn_layer(x, src, dst, W, b):
    # PyG GCNConv with add_self_loops=False:
    # deg computed over dst with unit edge weights; norm = d^-1/2[src]*d^-1/2[dst]
    n = x.shape[0]
    ones = jnp.ones(src.shape[0], dtype=x.dtype)
    deg = jnp.zeros((n,), dtype=x.dtype).at[dst].add(ones)
    dis = jnp.where(deg > 0, 1.0 / jnp.sqrt(jnp.maximum(deg, 1.0)), 0.0)
    norm = dis[src] * dis[dst]
    h = x @ W  # linear, no bias inside PyG GCNConv's Linear
    msg = h[src] * norm[:, None]
    out = jnp.zeros_like(h).at[dst].add(msg)
    return out + b  # GCNConv bias


def setup_inputs(seed: int = 0) -> dict:
    key = jax.random.key(seed)
    k_x, k_e, k_w1, k_w2 = jax.random.split(key, 4)
    x = jax.random.normal(k_x, (N_NODES, D), dtype=jnp.float32)
    # int64 per spec; jax on default config stores as int32, values identical/in-range
    edge_index = jax.random.randint(k_e, (2, N_EDGES), 0, N_NODES, dtype=jnp.int32)
    # Xavier-uniform-like init for GCN weights
    limit = np.sqrt(6.0 / (D + D)).astype(np.float32)
    W1 = jax.random.uniform(k_w1, (D, D), minval=-limit, maxval=limit, dtype=jnp.float32)
    W2 = jax.random.uniform(k_w2, (D, D), minval=-limit, maxval=limit, dtype=jnp.float32)
    b1 = jnp.zeros((D,), dtype=jnp.float32)
    b2 = jnp.zeros((D,), dtype=jnp.float32)
    return {"x": x, "edge_index": edge_index, "W1": W1, "b1": b1, "W2": W2, "b2": b2}


def reference(x, edge_index, W1, b1, W2, b2):
    # GraphEncoder.forward: sequential GCNConv layers (dropout module is unused in forward;
    # node_dropout is only held, not applied -> identity here)
    src = edge_index[0]
    dst = edge_index[1]
    h = _gcn_layer(x, src, dst, W1, b1)
    h = _gcn_layer(h, src, dst, W2, b2)
    return h

if __name__ == "__main__":
    import jax
    _d = setup_inputs()
    print(jax.jit(kernel)(*tuple(_d.values())))

</pallas_src>

<mosaic_0001>
#map = affine_map<(d0, d1) -> (0, 0)>
#map1 = affine_map<(d0, d1) -> (0, 0, 0)>
module attributes {stable_mosaic.version = 14 : i64} {
  func.func @_prop_kernel(%arg0: i32, %arg1: i32, %arg2: memref<10112x128xf32, #tpu.memory_space<hbm>>, %arg3: memref<32x80x128xi32, #tpu.memory_space<hbm>>, %arg4: memref<2x10112x128xf32, #tpu.memory_space<hbm>>, %arg5: memref<80x128xi32, #tpu.memory_space<vmem>>, %arg6: memref<2x128xi32, #tpu.memory_space<vmem>>, %arg7: memref<2x128xi32, #tpu.memory_space<vmem>>, %arg8: memref<2x128x128xf32, #tpu.memory_space<vmem>>, %arg9: memref<10112x128xf32, #tpu.memory_space<vmem_shared>>, %arg10: memref<!tpu.dma_semaphore, #tpu.memory_space<semaphore_mem>>) attributes {dimension_semantics = [#tpu.dimension_semantics<core_parallel>, #tpu.dimension_semantics<subcore_parallel>], iteration_bounds = array<i64: 2, 16>, scalar_prefetch = 0 : i64, scratch_operands = 6 : i64, tpu.core_type = #tpu.core_type<sc_vector_subcore>, window_params = [{transform_indices = #map}, {transform_indices = #map1}, {transform_indices = #map1}]} {
    %mul3A = arith.constant 2 : i32
    %mul3A_0 = arith.muli %arg1, %mul3A : i32
    %add3A = arith.addi %mul3A_0, %arg0 : i32
    "tpu.region"() ({
      %run_scoped3A_193 = tpu.sem_alloc : memref<!tpu.dma_semaphore, #tpu.memory_space<semaphore_mem>>
      %dma_start3A_194 = arith.constant 0 : i32
      %dma_start3A_195 = arith.constant 0 : i32
      %dma_start3A_196 = tpu.memref_slice %arg3[%add3A, %dma_start3A_194, %dma_start3A_195] : memref<32x80x128xi32, #tpu.memory_space<hbm>> -> memref<1x80x128xi32, #tpu.memory_space<hbm>>
      %dma_start3A_197 = tpu.memref_squeeze %dma_start3A_196 : memref<1x80x128xi32, #tpu.memory_space<hbm>> -> memref<80x128xi32, #tpu.memory_space<hbm>>
      %dma_start3A_198 = arith.constant 0 : i32
      %dma_start3A_199 = arith.constant 0 : i32
      %dma_start3A_200 = tpu.memref_slice %arg3[%add3A, %dma_start3A_198, %dma_start3A_199] : memref<32x80x128xi32, #tpu.memory_space<hbm>> -> memref<1x80x128xi32, #tpu.memory_space<hbm>>
      %dma_start3A_201 = tpu.memref_squeeze %dma_start3A_200 : memref<1x80x128xi32, #tpu.memory_space<hbm>> -> memref<80x128xi32, #tpu.memory_space<hbm>>
      tpu.enqueue_dma source(%dma_start3A_201 : memref<80x128xi32, #tpu.memory_space<hbm>>) target(%arg5 : memref<80x128xi32, #tpu.memory_space<vmem>>) target_semaphore(%run_scoped3A_193 : memref<!tpu.dma_semaphore, #tpu.memory_space<semaphore_mem>>)
      %dma_wait3A = arith.constant 0 : i32
      %dma_wait3A_202 = arith.constant 0 : i32
      %dma_wait3A_203 = tpu.memref_slice %arg3[%add3A, %dma_wait3A, %dma_wait3A_202] : memref<32x80x128xi32, #tpu.memory_space<hbm>> -> memref<1x80x128xi32, #tpu.memory_space<hbm>>
      %dma_wait3A_204 = tpu.memref_squeeze %dma_wait3A_203 : memref<1x80x128xi32, #tpu.memory_space<hbm>> -> memref<80x128xi32, #tpu.memory_space<hbm>>
      %dma_wait3A_205 = arith.constant 0 : i32
      %dma_wait3A_206 = arith.constant 0 : i32
      %dma_wait3A_207 = tpu.memref_slice %arg3[%add3A, %dma_wait3A_205, %dma_wait3A_206] : memref<32x80x128xi32, #tpu.memory_space<hbm>> -> memref<1x80x128xi32, #tpu.memory_space<hbm>>
      %dma_wait3A_208 = tpu.memref_squeeze %dma_wait3A_207 : memref<1x80x128xi32, #tpu.memory_space<hbm>> -> memref<80x128xi32, #tpu.memory_space<hbm>>
      tpu.wait_dma2 semaphore(%run_scoped3A_193 : memref<!tpu.dma_semaphore, #tpu.memory_space<semaphore_mem>>) src(%dma_wait3A_208 : memref<80x128xi32, #tpu.memory_space<hbm>>) dst(%arg5 : memref<80x128xi32, #tpu.memory_space<vmem>>)
      tpu.yield
    }) : () -> ()
    %broadcast_in_dim3A = arith.constant 0.000000e+00 : f32
    %broadcast_in_dim3A_1 = vector.broadcast %broadcast_in_dim3A : f32 to vector<16xf32>
    %scan3A = arith.constant 0 : i32
    %scan3A_2 = arith.constant 0 : i32
    %scan3A_3 = arith.constant 1024 : i32
    %scan3A_4 = arith.addi %scan3A_2, %scan3A_3 : i32
    %scan3A_5 = arith.constant 1 : i32
    scf.for %scan3A_193 = %scan3A_2 to %scan3A_4 step %scan3A_5  : i32 {
      %jit3A = arith.constant 8 : i32
      %div3A = arith.divsi %scan3A_193, %jit3A : i32
      %sign3A = arith.constant 0 : i32
      %sign3A_194 = arith.cmpi sgt, %scan3A_193, %sign3A : i32
      %sign3A_195 = arith.extui %sign3A_194 : i1 to i32
      %sign3A_196 = arith.constant 0 : i32
      %sign3A_197 = arith.cmpi slt, %scan3A_193, %sign3A_196 : i32
      %sign3A_198 = arith.extui %sign3A_197 : i1 to i32
      %sign3A_199 = arith.subi %sign3A_195, %sign3A_198 : i32
      %sign3A_200 = arith.constant 0 : i32
      %sign3A_201 = arith.cmpi sgt, %jit3A, %sign3A_200 : i32
      %sign3A_202 = arith.extui %sign3A_201 : i1 to i32
      %sign3A_203 = arith.constant 0 : i32
      %sign3A_204 = arith.cmpi slt, %jit3A, %sign3A_203 : i32
      %sign3A_205 = arith.extui %sign3A_204 : i1 to i32
      %sign3A_206 = arith.subi %sign3A_202, %sign3A_205 : i32
      %ne3A = arith.cmpi ne, %sign3A_199, %sign3A_206 : i32
      %rem3A = arith.remsi %scan3A_193, %jit3A : i32
      %ne3A_207 = arith.constant 0 : i32
      %ne3A_208 = arith.cmpi ne, %rem3A, %ne3A_207 : i32
      %and3A_209 = arith.andi %ne3A, %ne3A_208 : i1
      %sub3A = arith.constant 1 : i32
      %sub3A_210 = arith.subi %div3A, %sub3A : i32
      %select_n3A = arith.select %and3A_209, %sub3A_210, %div3A : i32
      %jit3A_211 = arith.constant 8 : i32
      %eq3A = arith.constant 0 : i32
      %eq3A_212 = arith.cmpi eq, %jit3A_211, %eq3A : i32
      %jit3A_213 = arith.constant 1 : i32
      %select_n3A_214 = arith.select %eq3A_212, %jit3A_213, %jit3A_211 : i32
      %rem3A_215 = arith.remsi %scan3A_193, %select_n3A_214 : i32
      %ne3A_216 = arith.constant 0 : i32
      %ne3A_217 = arith.cmpi ne, %rem3A_215, %ne3A_216 : i32
      %lt3A = arith.constant 0 : i32
      %lt3A_218 = arith.cmpi slt, %rem3A_215, %lt3A : i32
      %lt3A_219 = arith.constant 0 : i32
      %lt3A_220 = arith.cmpi slt, %select_n3A_214, %lt3A_219 : i32
      %ne3A_221 = arith.xori %lt3A_218, %lt3A_220 : i1
      %and3A_222 = arith.andi %ne3A_221, %ne3A_217 : i1
      %add3A_223 = arith.addi %rem3A_215, %select_n3A_214 : i32
      %select_n3A_224 = arith.select %and3A_222, %add3A_223, %rem3A_215 : i32
      %mul3A_225 = arith.constant 16 : i32
      %mul3A_226 = arith.muli %select_n3A_224, %mul3A_225 : i32
      %swap3A_227 = arith.constant 0 : i32
      %swap3A_228 = arith.index_cast %swap3A_227 : i32 to index
      %swap3A_229 = arith.index_cast %select_n3A : i32 to index
      %swap3A_230 = arith.index_cast %mul3A_226 : i32 to index
      %swap3A_231 = tpu.vector_load %arg8[%swap3A_228, %swap3A_229, %swap3A_230] {strides = array<i32>} : memref<2x128x128xf32, #tpu.memory_space<vmem>>, vector<16xf32>,
      tpu.vector_store %arg8[%swap3A_228, %swap3A_229, %swap3A_230], %broadcast_in_dim3A_1 {strides = array<i32>} : memref<2x128x128xf32, #tpu.memory_space<vmem>>, vector<16xf32>,
    }
    %scan3A_6 = arith.constant 1024 : i32
    %mul3A_7 = arith.constant 632 : i32
    %mul3A_8 = arith.muli %arg1, %mul3A_7 : i32
    %add3A_9 = arith.constant 0 : i32
    %add3A_10 = arith.addi %mul3A_8, %add3A_9 : i32
    %run_scoped3A = arith.constant 0 : i32
    "tpu.region"() ({
      %run_scoped3A_193 = tpu.sem_alloc : memref<!tpu.dma_semaphore, #tpu.memory_space<semaphore_mem>>
      %dma_start3A_194 = arith.constant 0 : i32
      %dma_start3A_195 = arith.constant 0 : i32
      %dma_start3A_196 = tpu.memref_slice %arg8[%run_scoped3A, %dma_start3A_194, %dma_start3A_195] : memref<2x128x128xf32, #tpu.memory_space<vmem>> -> memref<1x128x128xf32, #tpu.memory_space<vmem>>
      %dma_start3A_197 = tpu.memref_squeeze %dma_start3A_196 : memref<1x128x128xf32, #tpu.memory_space<vmem>> -> memref<128x128xf32, #tpu.memory_space<vmem>>
      %dma_start3A_198 = arith.constant 0 : i32
      %dma_start3A_199 = tpu.memref_slice %arg9[%add3A_10, %dma_start3A_198] : memref<10112x128xf32, #tpu.memory_space<vmem_shared>> -> memref<128x128xf32, #tpu.memory_space<vmem_shared>>
      %dma_start3A_200 = arith.constant 0 : i32
      %dma_start3A_201 = tpu.memref_slice %arg9[%add3A_10, %dma_start3A_200] : memref<10112x128xf32, #tpu.memory_space<vmem_shared>> -> memref<128x128xf32, #tpu.memory_space<vmem_shared>>
      %dma_start3A_202 = arith.constant 0 : i32
      %dma_start3A_203 = arith.constant 0 : i32
      %dma_start3A_204 = tpu.memref_slice %arg8[%run_scoped3A, %dma_start3A_202, %dma_start3A_203] : memref<2x128x128xf32, #tpu.memory_space<vmem>> -> memref<1x128x128xf32, #tpu.memory_space<vmem>>
      %dma_start3A_205 = tpu.memref_squeeze %dma_start3A_204 : memref<1x128x128xf32, #tpu.memory_space<vmem>> -> memref<128x128xf32, #tpu.memory_space<vmem>>
      tpu.enqueue_dma source(%dma_start3A_205 : memref<128x128xf32, #tpu.memory_space<vmem>>) target(%dma_start3A_201 : memref<128x128xf32, #tpu.memory_space<vmem_shared>>) target_semaphore(%run_scoped3A_193 : memref<!tpu.dma_semaphore, #tpu.memory_space<semaphore_mem>>)
      %dma_wait3A = arith.constant 0 : i32
      %dma_wait3A_206 = arith.constant 0 : i32
      %dma_wait3A_207 = tpu.memref_slice %arg8[%run_scoped3A, %dma_wait3A, %dma_wait3A_206] : memref<2x128x128xf32, #tpu.memory_space<vmem>> -> memref<1x128x128xf32, #tpu.memory_space<vmem>>
      %dma_wait3A_208 = tpu.memref_squeeze %dma_wait3A_207 : memref<1x128x128xf32, #tpu.memory_space<vmem>> -> memref<128x128xf32, #tpu.memory_space<vmem>>
      %dma_wait3A_209 = arith.constant 0 : i32
      %dma_wait3A_210 = tpu.memref_slice %arg9[%add3A_10, %dma_wait3A_209] : memref<10112x128xf32, #tpu.memory_space<vmem_shared>> -> memref<128x128xf32, #tpu.memory_space<vmem_shared>>
      %dma_wait3A_211 = arith.constant 0 : i32
      %dma_wait3A_212 = tpu.memref_slice %arg9[%add3A_10, %dma_wait3A_211] : memref<10112x128xf32, #tpu.memory_space<vmem_shared>> -> memref<128x128xf32, #tpu.memory_space<vmem_shared>>
      %dma_wait3A_213 = arith.constant 0 : i32
      %dma_wait3A_214 = arith.constant 0 : i32
      %dma_wait3A_215 = tpu.memref_slice %arg8[%run_scoped3A, %dma_wait3A_213, %dma_wait3A_214] : memref<2x128x128xf32, #tpu.memory_space<vmem>> -> memref<1x128x128xf32, #tpu.memory_space<vmem>>
      %dma_wait3A_216 = tpu.memref_squeeze %dma_wait3A_215 : memref<1x128x128xf32, #tpu.memory_space<vmem>> -> memref<128x128xf32, #tpu.memory_space<vmem>>
      tpu.wait_dma2 semaphore(%run_scoped3A_193 : memref<!tpu.dma_semaphore, #tpu.memory_space<semaphore_mem>>) src(%dma_wait3A_216 : memref<128x128xf32, #tpu.memory_space<vmem>>) dst(%dma_wait3A_212 : memref<128x128xf32, #tpu.memory_space<vmem_shared>>)
      tpu.yield
    }) : () -> ()
    %mul3A_11 = arith.constant 632 : i32
    %mul3A_12 = arith.muli %arg1, %mul3A_11 : i32
    %add3A_13 = arith.constant 128 : i32
    %add3A_14 = arith.addi %mul3A_12, %add3A_13 : i32
    %run_scoped3A_15 = arith.constant 0 : i32
    "tpu.region"() ({
      %run_scoped3A_193 = tpu.sem_alloc : memref<!tpu.dma_semaphore, #tpu.memory_space<semaphore_mem>>
      %dma_start3A_194 = arith.constant 0 : i32
      %dma_start3A_195 = arith.constant 0 : i32
      %dma_start3A_196 = tpu.memref_slice %arg8[%run_scoped3A_15, %dma_start3A_194, %dma_start3A_195] : memref<2x128x128xf32, #tpu.memory_space<vmem>> -> memref<1x128x128xf32, #tpu.memory_space<vmem>>
      %dma_start3A_197 = tpu.memref_squeeze %dma_start3A_196 : memref<1x128x128xf32, #tpu.memory_space<vmem>> -> memref<128x128xf32, #tpu.memory_space<vmem>>
      %dma_start3A_198 = arith.constant 0 : i32
      %dma_start3A_199 = tpu.memref_slice %arg9[%add3A_14, %dma_start3A_198] : memref<10112x128xf32, #tpu.memory_space<vmem_shared>> -> memref<128x128xf32, #tpu.memory_space<vmem_shared>>
      %dma_start3A_200 = arith.constant 0 : i32
      %dma_start3A_201 = tpu.memref_slice %arg9[%add3A_14, %dma_start3A_200] : memref<10112x128xf32, #tpu.memory_space<vmem_shared>> -> memref<128x128xf32, #tpu.memory_space<vmem_shared>>
      %dma_start3A_202 = arith.constant 0 : i32
      %dma_start3A_203 = arith.constant 0 : i32
      %dma_start3A_204 = tpu.memref_slice %arg8[%run_scoped3A_15, %dma_start3A_202, %dma_start3A_203] : memref<2x128x128xf32, #tpu.memory_space<vmem>> -> memref<1x128x128xf32, #tpu.memory_space<vmem>>
      %dma_start3A_205 = tpu.memref_squeeze %dma_start3A_204 : memref<1x128x128xf32, #tpu.memory_space<vmem>> -> memref<128x128xf32, #tpu.memory_space<vmem>>
      tpu.enqueue_dma source(%dma_start3A_205 : memref<128x128xf32, #tpu.memory_space<vmem>>) target(%dma_start3A_201 : memref<128x128xf32, #tpu.memory_space<vmem_shared>>) target_semaphore(%run_scoped3A_193 : memref<!tpu.dma_semaphore, #tpu.memory_space<semaphore_mem>>)
      %dma_wait3A = arith.constant 0 : i32
      %dma_wait3A_206 = arith.constant 0 : i32
      %dma_wait3A_207 = tpu.memref_slice %arg8[%run_scoped3A_15, %dma_wait3A, %dma_wait3A_206] : memref<2x128x128xf32, #tpu.memory_space<vmem>> -> memref<1x128x128xf32, #tpu.memory_space<vmem>>
      %dma_wait3A_208 = tpu.memref_squeeze %dma_wait3A_207 : memref<1x128x128xf32, #tpu.memory_space<vmem>> -> memref<128x128xf32, #tpu.memory_space<vmem>>
      %dma_wait3A_209 = arith.constant 0 : i32
      %dma_wait3A_210 = tpu.memref_slice %arg9[%add3A_14, %dma_wait3A_209] : memref<10112x128xf32, #tpu.memory_space<vmem_shared>> -> memref<128x128xf32, #tpu.memory_space<vmem_shared>>
      %dma_wait3A_211 = arith.constant 0 : i32
      %dma_wait3A_212 = tpu.memref_slice %arg9[%add3A_14, %dma_wait3A_211] : memref<10112x128xf32, #tpu.memory_space<vmem_shared>> -> memref<128x128xf32, #tpu.memory_space<vmem_shared>>
      %dma_wait3A_213 = arith.constant 0 : i32
      %dma_wait3A_214 = arith.constant 0 : i32
      %dma_wait3A_215 = tpu.memref_slice %arg8[%run_scoped3A_15, %dma_wait3A_213, %dma_wait3A_214] : memref<2x128x128xf32, #tpu.memory_space<vmem>> -> memref<1x128x128xf32, #tpu.memory_space<vmem>>
      %dma_wait3A_216 = tpu.memref_squeeze %dma_wait3A_215 : memref<1x128x128xf32, #tpu.memory_space<vmem>> -> memref<128x128xf32, #tpu.memory_space<vmem>>
      tpu.wait_dma2 semaphore(%run_scoped3A_193 : memref<!tpu.dma_semaphore, #tpu.memory_space<semaphore_mem>>) src(%dma_wait3A_216 : memref<128x128xf32, #tpu.memory_space<vmem>>) dst(%dma_wait3A_212 : memref<128x128xf32, #tpu.memory_space<vmem_shared>>)
      tpu.yield
    }) : () -> ()
    %mul3A_16 = arith.constant 632 : i32
    %mul3A_17 = arith.muli %arg1, %mul3A_16 : i32
    %add3A_18 = arith.constant 256 : i32
    %add3A_19 = arith.addi %mul3A_17, %add3A_18 : i32
    %run_scoped3A_20 = arith.constant 0 : i32
    "tpu.region"() ({
      %run_scoped3A_193 = tpu.sem_alloc : memref<!tpu.dma_semaphore, #tpu.memory_space<semaphore_mem>>
      %dma_start3A_194 = arith.constant 0 : i32
      %dma_start3A_195 = arith.constant 0 : i32
      %dma_start3A_196 = tpu.memref_slice %arg8[%run_scoped3A_20, %dma_start3A_194, %dma_start3A_195] : memref<2x128x128xf32, #tpu.memory_space<vmem>> -> memref<1x128x128xf32, #tpu.memory_space<vmem>>
      %dma_start3A_197 = tpu.memref_squeeze %dma_start3A_196 : memref<1x128x128xf32, #tpu.memory_space<vmem>> -> memref<128x128xf32, #tpu.memory_space<vmem>>
      %dma_start3A_198 = arith.constant 0 : i32
      %dma_start3A_199 = tpu.memref_slice %arg9[%add3A_19, %dma_start3A_198] : memref<10112x128xf32, #tpu.memory_space<vmem_shared>> -> memref<128x128xf32, #tpu.memory_space<vmem_shared>>
      %dma_start3A_200 = arith.constant 0 : i32
      %dma_start3A_201 = tpu.memref_slice %arg9[%add3A_19, %dma_start3A_200] : memref<10112x128xf32, #tpu.memory_space<vmem_shared>> -> memref<128x128xf32, #tpu.memory_space<vmem_shared>>
      %dma_start3A_202 = arith.constant 0 : i32
      %dma_start3A_203 = arith.constant 0 : i32
      %dma_start3A_204 = tpu.memref_slice %arg8[%run_scoped3A_20, %dma_start3A_202, %dma_start3A_203] : memref<2x128x128xf32, #tpu.memory_space<vmem>> -> memref<1x128x128xf32, #tpu.memory_space<vmem>>
      %dma_start3A_205 = tpu.memref_squeeze %dma_start3A_204 : memref<1x128x128xf32, #tpu.memory_space<vmem>> -> memref<128x128xf32, #tpu.memory_space<vmem>>
      tpu.enqueue_dma source(%dma_start3A_205 : memref<128x128xf32, #tpu.memory_space<vmem>>) target(%dma_start3A_201 : memref<128x128xf32, #tpu.memory_space<vmem_shared>>) target_semaphore(%run_scoped3A_193 : memref<!tpu.dma_semaphore, #tpu.memory_space<semaphore_mem>>)
      %dma_wait3A = arith.constant 0 : i32
      %dma_wait3A_206 = arith.constant 0 : i32
      %dma_wait3A_207 = tpu.memref_slice %arg8[%run_scoped3A_20, %dma_wait3A, %dma_wait3A_206] : memref<2x128x128xf32, #tpu.memory_space<vmem>> -> memref<1x128x128xf32, #tpu.memory_space<vmem>>
      %dma_wait3A_208 = tpu.memref_squeeze %dma_wait3A_207 : memref<1x128x128xf32, #tpu.memory_space<vmem>> -> memref<128x128xf32, #tpu.memory_space<vmem>>
      %dma_wait3A_209 = arith.constant 0 : i32
      %dma_wait3A_210 = tpu.memref_slice %arg9[%add3A_19, %dma_wait3A_209] : memref<10112x128xf32, #tpu.memory_space<vmem_shared>> -> memref<128x128xf32, #tpu.memory_space<vmem_shared>>
      %dma_wait3A_211 = arith.constant 0 : i32
      %dma_wait3A_212 = tpu.memref_slice %arg9[%add3A_19, %dma_wait3A_211] : memref<10112x128xf32, #tpu.memory_space<vmem_shared>> -> memref<128x128xf32, #tpu.memory_space<vmem_shared>>
      %dma_wait3A_213 = arith.constant 0 : i32
      %dma_wait3A_214 = arith.constant 0 : i32
      %dma_wait3A_215 = tpu.memref_slice %arg8[%run_scoped3A_20, %dma_wait3A_213, %dma_wait3A_214] : memref<2x128x128xf32, #tpu.memory_space<vmem>> -> memref<1x128x128xf32, #tpu.memory_space<vmem>>
      %dma_wait3A_216 = tpu.memref_squeeze %dma_wait3A_215 : memref<1x128x128xf32, #tpu.memory_space<vmem>> -> memref<128x128xf32, #tpu.memory_space<vmem>>
      tpu.wait_dma2 semaphore(%run_scoped3A_193 : memref<!tpu.dma_semaphore, #tpu.memory_space<semaphore_mem>>) src(%dma_wait3A_216 : memref<128x128xf32, #tpu.memory_space<vmem>>) dst(%dma_wait3A_212 : memref<128x128xf32, #tpu.memory_space<vmem_shared>>)
      tpu.yield
    }) : () -> ()
    %mul3A_21 = arith.constant 632 : i32
    %mul3A_22 = arith.muli %arg1, %mul3A_21 : i32
    %add3A_23 = arith.constant 384 : i32
    %add3A_24 = arith.addi %mul3A_22, %add3A_23 : i32
    %run_scoped3A_25 = arith.constant 0 : i32
    "tpu.region"() ({
      %run_scoped3A_193 = tpu.sem_alloc : memref<!tpu.dma_semaphore, #tpu.memory_space<semaphore_mem>>
      %dma_start3A_194 = arith.constant 0 : i32
      %dma_start3A_195 = arith.constant 0 : i32
      %dma_start3A_196 = tpu.memref_slice %arg8[%run_scoped3A_25, %dma_start3A_194, %dma_start3A_195] : memref<2x128x128xf32, #tpu.memory_space<vmem>> -> memref<1x128x128xf32, #tpu.memory_space<vmem>>
      %dma_start3A_197 = tpu.memref_squeeze %dma_start3A_196 : memref<1x128x128xf32, #tpu.memory_space<vmem>> -> memref<128x128xf32, #tpu.memory_space<vmem>>
      %dma_start3A_198 = arith.constant 0 : i32
      %dma_start3A_199 = tpu.memref_slice %arg9[%add3A_24, %dma_start3A_198] : memref<10112x128xf32, #tpu.memory_space<vmem_shared>> -> memref<128x128xf32, #tpu.memory_space<vmem_shared>>
      %dma_start3A_200 = arith.constant 0 : i32
      %dma_start3A_201 = tpu.memref_slice %arg9[%add3A_24, %dma_start3A_200] : memref<10112x128xf32, #tpu.memory_space<vmem_shared>> -> memref<128x128xf32, #tpu.memory_space<vmem_shared>>
      %dma_start3A_202 = arith.constant 0 : i32
      %dma_start3A_203 = arith.constant 0 : i32
      %dma_start3A_204 = tpu.memref_slice %arg8[%run_scoped3A_25, %dma_start3A_202, %dma_start3A_203] : memref<2x128x128xf32, #tpu.memory_space<vmem>> -> memref<1x128x128xf32, #tpu.memory_space<vmem>>
      %dma_start3A_205 = tpu.memref_squeeze %dma_start3A_204 : memref<1x128x128xf32, #tpu.memory_space<vmem>> -> memref<128x128xf32, #tpu.memory_space<vmem>>
      tpu.enqueue_dma source(%dma_start3A_205 : memref<128x128xf32, #tpu.memory_space<vmem>>) target(%dma_start3A_201 : memref<128x128xf32, #tpu.memory_space<vmem_shared>>) target_semaphore(%run_scoped3A_193 : memref<!tpu.dma_semaphore, #tpu.memory_space<semaphore_mem>>)
      %dma_wait3A = arith.constant 0 : i32
      %dma_wait3A_206 = arith.constant 0 : i32
      %dma_wait3A_207 = tpu.memref_slice %arg8[%run_scoped3A_25, %dma_wait3A, %dma_wait3A_206] : memref<2x128x128xf32, #tpu.memory_space<vmem>> -> memref<1x128x128xf32, #tpu.memory_space<vmem>>
      %dma_wait3A_208 = tpu.memref_squeeze %dma_wait3A_207 : memref<1x128x128xf32, #tpu.memory_space<vmem>> -> memref<128x128xf32, #tpu.memory_space<vmem>>
      %dma_wait3A_209 = arith.constant 0 : i32
      %dma_wait3A_210 = tpu.memref_slice %arg9[%add3A_24, %dma_wait3A_209] : memref<10112x128xf32, #tpu.memory_space<vmem_shared>> -> memref<128x128xf32, #tpu.memory_space<vmem_shared>>
      %dma_wait3A_211 = arith.constant 0 : i32
      %dma_wait3A_212 = tpu.memref_slice %arg9[%add3A_24, %dma_wait3A_211] : memref<10112x128xf32, #tpu.memory_space<vmem_shared>> -> memref<128x128xf32, #tpu.memory_space<vmem_shared>>
      %dma_wait3A_213 = arith.constant 0 : i32
      %dma_wait3A_214 = arith.constant 0 : i32
      %dma_wait3A_215 = tpu.memref_slice %arg8[%run_scoped3A_25, %dma_wait3A_213, %dma_wait3A_214] : memref<2x128x128xf32, #tpu.memory_space<vmem>> -> memref<1x128x128xf32, #tpu.memory_space<vmem>>
      %dma_wait3A_216 = tpu.memref_squeeze %dma_wait3A_215 : memref<1x128x128xf32, #tpu.memory_space<vmem>> -> memref<128x128xf32, #tpu.memory_space<vmem>>
      tpu.wait_dma2 semaphore(%run_scoped3A_193 : memref<!tpu.dma_semaphore, #tpu.memory_space<semaphore_mem>>) src(%dma_wait3A_216 : memref<128x128xf32, #tpu.memory_space<vmem>>) dst(%dma_wait3A_212 : memref<128x128xf32, #tpu.memory_space<vmem_shared>>)
      tpu.yield
    }) : () -> ()
    %mul3A_26 = arith.constant 632 : i32
    %mul3A_27 = arith.muli %arg1, %mul3A_26 : i32
    %add3A_28 = arith.constant 512 : i32
    %add3A_29 = arith.addi %mul3A_27, %add3A_28 : i32
    %run_scoped3A_30 = arith.constant 0 : i32
    "tpu.region"() ({
      %run_scoped3A_193 = tpu.sem_alloc : memref<!tpu.dma_semaphore, #tpu.memory_space<semaphore_mem>>
      %dma_start3A_194 = arith.constant 0 : i32
      %dma_start3A_195 = arith.constant 0 : i32
      %dma_start3A_196 = tpu.memref_slice %arg8[%run_scoped3A_30, %dma_start3A_194, %dma_start3A_195] : memref<2x128x128xf32, #tpu.memory_space<vmem>> -> memref<1x128x128xf32, #tpu.memory_space<vmem>>
      %dma_start3A_197 = tpu.memref_squeeze %dma_start3A_196 : memref<1x128x128xf32, #tpu.memory_space<vmem>> -> memref<128x128xf32, #tpu.memory_space<vmem>>
      %dma_start3A_198 = arith.constant 0 : i32
      %dma_start3A_199 = arith.constant 0 : i32
      %dma_start3A_200 = tpu.memref_slice %dma_start3A_197[%dma_start3A_198, %dma_start3A_199] : memref<128x128xf32, #tpu.memory_space<vmem>> -> memref<120x128xf32, #tpu.memory_space<vmem>>
      %dma_start3A_201 = arith.constant 0 : i32
      %dma_start3A_202 = tpu.memref_slice %arg9[%add3A_29, %dma_start3A_201] : memref<10112x128xf32, #tpu.memory_space<vmem_shared>> -> memref<120x128xf32, #tpu.memory_space<vmem_shared>>
      %dma_start3A_203 = arith.constant 0 : i32
      %dma_start3A_204 = tpu.memref_slice %arg9[%add3A_29, %dma_start3A_203] : memref<10112x128xf32, #tpu.memory_space<vmem_shared>> -> memref<120x128xf32, #tpu.memory_space<vmem_shared>>
      %dma_start3A_205 = arith.constant 0 : i32
      %dma_start3A_206 = arith.constant 0 : i32
      %dma_start3A_207 = tpu.memref_slice %arg8[%run_scoped3A_30, %dma_start3A_205, %dma_start3A_206] : memref<2x128x128xf32, #tpu.memory_space<vmem>> -> memref<1x128x128xf32, #tpu.memory_space<vmem>>
      %dma_start3A_208 = tpu.memref_squeeze %dma_start3A_207 : memref<1x128x128xf32, #tpu.memory_space<vmem>> -> memref<128x128xf32, #tpu.memory_space<vmem>>
      %dma_start3A_209 = arith.constant 0 : i32
      %dma_start3A_210 = arith.constant 0 : i32
      %dma_start3A_211 = tpu.memref_slice %dma_start3A_208[%dma_start3A_209, %dma_start3A_210] : memref<128x128xf32, #tpu.memory_space<vmem>> -> memref<120x128xf32, #tpu.memory_space<vmem>>
      tpu.enqueue_dma source(%dma_start3A_211 : memref<120x128xf32, #tpu.memory_space<vmem>>) target(%dma_start3A_204 : memref<120x128xf32, #tpu.memory_space<vmem_shared>>) target_semaphore(%run_scoped3A_193 : memref<!tpu.dma_semaphore, #tpu.memory_space<semaphore_mem>>)
      %dma_wait3A = arith.constant 0 : i32
      %dma_wait3A_212 = arith.constant 0 : i32
      %dma_wait3A_213 = tpu.memref_slice %arg8[%run_scoped3A_30, %dma_wait3A, %dma_wait3A_212] : memref<2x128x128xf32, #tpu.memory_space<vmem>> -> memref<1x128x128xf32, #tpu.memory_space<vmem>>
      %dma_wait3A_214 = tpu.memref_squeeze %dma_wait3A_213 : memref<1x128x128xf32, #tpu.memory_space<vmem>> -> memref<128x128xf32, #tpu.memory_space<vmem>>
      %dma_wait3A_215 = arith.constant 0 : i32
      %dma_wait3A_216 = arith.constant 0 : i32
      %dma_wait3A_217 = tpu.memref_slice %dma_wait3A_214[%dma_wait3A_215, %dma_wait3A_216] : memref<128x128xf32, #tpu.memory_space<vmem>> -> memref<120x128xf32, #tpu.memory_space<vmem>>
      %dma_wait3A_218 = arith.constant 0 : i32
      %dma_wait3A_219 = tpu.memref_slice %arg9[%add3A_29, %dma_wait3A_218] : memref<10112x128xf32, #tpu.memory_space<vmem_shared>> -> memref<120x128xf32, #tpu.memory_space<vmem_shared>>
      %dma_wait3A_220 = arith.constant 0 : i32
      %dma_wait3A_221 = tpu.memref_slice %arg9[%add3A_29, %dma_wait3A_220] : memref<10112x128xf32, #tpu.memory_space<vmem_shared>> -> memref<120x128xf32, #tpu.memory_space<vmem_shared>>
      %dma_wait3A_222 = arith.constant 0 : i32
      %dma_wait3A_223 = arith.constant 0 : i32
      %dma_wait3A_224 = tpu.memref_slice %arg8[%run_scoped3A_30, %dma_wait3A_222, %dma_wait3A_223] : memref<2x128x128xf32, #tpu.memory_space<vmem>> -> memref<1x128x128xf32, #tpu.memory_space<vmem>>
      %dma_wait3A_225 = tpu.memref_squeeze %dma_wait3A_224 : memref<1x128x128xf32, #tpu.memory_space<vmem>> -> memref<128x128xf32, #tpu.memory_space<vmem>>
      %dma_wait3A_226 = arith.constant 0 : i32
      %dma_wait3A_227 = arith.constant 0 : i32
      %dma_wait3A_228 = tpu.memref_slice %dma_wait3A_225[%dma_wait3A_226, %dma_wait3A_227] : memref<128x128xf32, #tpu.memory_space<vmem>> -> memref<120x128xf32, #tpu.memory_space<vmem>>
      tpu.wait_dma2 semaphore(%run_scoped3A_193 : memref<!tpu.dma_semaphore, #tpu.memory_space<semaphore_mem>>) src(%dma_wait3A_228 : memref<120x128xf32, #tpu.memory_space<vmem>>) dst(%dma_wait3A_221 : memref<120x128xf32, #tpu.memory_space<vmem_shared>>)
      tpu.yield
    }) : () -> ()
    %get3A = arith.constant 0 : i32
    %get3A_31 = arith.index_cast %get3A : i32 to index
    %get3A_32 = arith.constant 0 : index
    %get3A_33 = tpu.vector_load %arg5[%get3A_31, %get3A_32] {strides = array<i32>} : memref<80x128xi32, #tpu.memory_space<vmem>>, vector<16xi32>,
    %and3A = arith.constant 65535 : i32
    %and3A_34 = vector.broadcast %and3A : i32 to vector<16xi32>
    %and3A_35 = arith.andi %get3A_33, %and3A_34 : vector<16xi32>
    %swap3A = arith.constant 0 : i32
    %swap3A_36 = arith.index_cast %swap3A : i32 to index
    %swap3A_37 = arith.constant 0 : index
    %swap3A_38 = tpu.vector_load %arg6[%swap3A_36, %swap3A_37] {strides = array<i32>} : memref<2x128xi32, #tpu.memory_space<vmem>>, vector<16xi32>,
    tpu.vector_store %arg6[%swap3A_36, %swap3A_37], %and3A_35 {strides = array<i32>} : memref<2x128xi32, #tpu.memory_space<vmem>>, vector<16xi32>,
    %shift_right_logical3A = arith.constant 16 : i32
    %shift_right_logical3A_39 = vector.broadcast %shift_right_logical3A : i32 to vector<16xi32>
    %shift_right_logical3A_40 = arith.shrui %get3A_33, %shift_right_logical3A_39 : vector<16xi32>
    %swap3A_41 = arith.constant 0 : i32
    %swap3A_42 = arith.index_cast %swap3A_41 : i32 to index
    %swap3A_43 = arith.constant 0 : index
    %swap3A_44 = tpu.vector_load %arg7[%swap3A_42, %swap3A_43] {strides = array<i32>} : memref<2x128xi32, #tpu.memory_space<vmem>>, vector<16xi32>,
    tpu.vector_store %arg7[%swap3A_42, %swap3A_43], %shift_right_logical3A_40 {strides = array<i32>} : memref<2x128xi32, #tpu.memory_space<vmem>>, vector<16xi32>,
    %get3A_45 = arith.constant 0 : i32
    %get3A_46 = arith.index_cast %get3A_45 : i32 to index
    %get3A_47 = arith.constant 16 : index
    %get3A_48 = tpu.vector_load %arg5[%get3A_46, %get3A_47] {strides = array<i32>} : memref<80x128xi32, #tpu.memory_space<vmem>>, vector<16xi32>,
    %and3A_49 = arith.constant 65535 : i32
    %and3A_50 = vector.broadcast %and3A_49 : i32 to vector<16xi32>
    %and3A_51 = arith.andi %get3A_48, %and3A_50 : vector<16xi32>
    %swap3A_52 = arith.constant 0 : i32
    %swap3A_53 = arith.index_cast %swap3A_52 : i32 to index
    %swap3A_54 = arith.constant 16 : index
    %swap3A_55 = tpu.vector_load %arg6[%swap3A_53, %swap3A_54] {strides = array<i32>} : memref<2x128xi32, #tpu.memory_space<vmem>>, vector<16xi32>,
    tpu.vector_store %arg6[%swap3A_53, %swap3A_54], %and3A_51 {strides = array<i32>} : memref<2x128xi32, #tpu.memory_space<vmem>>, vector<16xi32>,
    %shift_right_logical3A_56 = arith.constant 16 : i32
    %shift_right_logical3A_57 = vector.broadcast %shift_right_logical3A_56 : i32 to vector<16xi32>
    %shift_right_logical3A_58 = arith.shrui %get3A_48, %shift_right_logical3A_57 : vector<16xi32>
    %swap3A_59 = arith.constant 0 : i32
    %swap3A_60 = arith.index_cast %swap3A_59 : i32 to index
    %swap3A_61 = arith.constant 16 : index
    %swap3A_62 = tpu.vector_load %arg7[%swap3A_60, %swap3A_61] {strides = array<i32>} : memref<2x128xi32, #tpu.memory_space<vmem>>, vector<16xi32>,
    tpu.vector_store %arg7[%swap3A_60, %swap3A_61], %shift_right_logical3A_58 {strides = array<i32>} : memref<2x128xi32, #tpu.memory_space<vmem>>, vector<16xi32>,
    %get3A_63 = arith.constant 0 : i32
    %get3A_64 = arith.index_cast %get3A_63 : i32 to index
    %get3A_65 = arith.constant 32 : index
    %get3A_66 = tpu.vector_load %arg5[%get3A_64, %get3A_65] {strides = array<i32>} : memref<80x128xi32, #tpu.memory_space<vmem>>, vector<16xi32>,
    %and3A_67 = arith.constant 65535 : i32
    %and3A_68 = vector.broadcast %and3A_67 : i32 to vector<16xi32>
    %and3A_69 = arith.andi %get3A_66, %and3A_68 : vector<16xi32>
    %swap3A_70 = arith.constant 0 : i32
    %swap3A_71 = arith.index_cast %swap3A_70 : i32 to index
    %swap3A_72 = arith.constant 32 : index
    %swap3A_73 = tpu.vector_load %arg6[%swap3A_71, %swap3A_72] {strides = array<i32>} : memref<2x128xi32, #tpu.memory_space<vmem>>, vector<16xi32>,
    tpu.vector_store %arg6[%swap3A_71, %swap3A_72], %and3A_69 {strides = array<i32>} : memref<2x128xi32, #tpu.memory_space<vmem>>, vector<16xi32>,
    %shift_right_logical3A_74 = arith.constant 16 : i32
    %shift_right_logical3A_75 = vector.broadcast %shift_right_logical3A_74 : i32 to vector<16xi32>
    %shift_right_logical3A_76 = arith.shrui %get3A_66, %shift_right_logical3A_75 : vector<16xi32>
    %swap3A_77 = arith.constant 0 : i32
    %swap3A_78 = arith.index_cast %swap3A_77 : i32 to index
    %swap3A_79 = arith.constant 32 : index
    %swap3A_80 = tpu.vector_load %arg7[%swap3A_78, %swap3A_79] {strides = array<i32>} : memref<2x128xi32, #tpu.memory_space<vmem>>, vector<16xi32>,
    tpu.vector_store %arg7[%swap3A_78, %swap3A_79], %shift_right_logical3A_76 {strides = array<i32>} : memref<2x128xi32, #tpu.memory_space<vmem>>, vector<16xi32>,
    %get3A_81 = arith.constant 0 : i32
    %get3A_82 = arith.index_cast %get3A_81 : i32 to index
    %get3A_83 = arith.constant 48 : index
    %get3A_84 = tpu.vector_load %arg5[%get3A_82, %get3A_83] {strides = array<i32>} : memref<80x128xi32, #tpu.memory_space<vmem>>, vector<16xi32>,
    %and3A_85 = arith.constant 65535 : i32
    %and3A_86 = vector.broadcast %and3A_85 : i32 to vector<16xi32>
    %and3A_87 = arith.andi %get3A_84, %and3A_86 : vector<16xi32>
    %swap3A_88 = arith.constant 0 : i32
    %swap3A_89 = arith.index_cast %swap3A_88 : i32 to index
    %swap3A_90 = arith.constant 48 : index
    %swap3A_91 = tpu.vector_load %arg6[%swap3A_89, %swap3A_90] {strides = array<i32>} : memref<2x128xi32, #tpu.memory_space<vmem>>, vector<16xi32>,
    tpu.vector_store %arg6[%swap3A_89, %swap3A_90], %and3A_87 {strides = array<i32>} : memref<2x128xi32, #tpu.memory_space<vmem>>, vector<16xi32>,
    %shift_right_logical3A_92 = arith.constant 16 : i32
    %shift_right_logical3A_93 = vector.broadcast %shift_right_logical3A_92 : i32 to vector<16xi32>
    %shift_right_logical3A_94 = arith.shrui %get3A_84, %shift_right_logical3A_93 : vector<16xi32>
    %swap3A_95 = arith.constant 0 : i32
    %swap3A_96 = arith.index_cast %swap3A_95 : i32 to index
    %swap3A_97 = arith.constant 48 : index
    %swap3A_98 = tpu.vector_load %arg7[%swap3A_96, %swap3A_97] {strides = array<i32>} : memref<2x128xi32, #tpu.memory_space<vmem>>, vector<16xi32>,
    tpu.vector_store %arg7[%swap3A_96, %swap3A_97], %shift_right_logical3A_94 {strides = array<i32>} : memref<2x128xi32, #tpu.memory_space<vmem>>, vector<16xi32>,
    %get3A_99 = arith.constant 0 : i32
    %get3A_100 = arith.index_cast %get3A_99 : i32 to index
    %get3A_101 = arith.constant 64 : index
    %get3A_102 = tpu.vector_load %arg5[%get3A_100, %get3A_101] {strides = array<i32>} : memref<80x128xi32, #tpu.memory_space<vmem>>, vector<16xi32>,
    %and3A_103 = arith.constant 65535 : i32
    %and3A_104 = vector.broadcast %and3A_103 : i32 to vector<16xi32>
    %and3A_105 = arith.andi %get3A_102, %and3A_104 : vector<16xi32>
    %swap3A_106 = arith.constant 0 : i32
    %swap3A_107 = arith.index_cast %swap3A_106 : i32 to index
    %swap3A_108 = arith.constant 64 : index
    %swap3A_109 = tpu.vector_load %arg6[%swap3A_107, %swap3A_108] {strides = array<i32>} : memref<2x128xi32, #tpu.memory_space<vmem>>, vector<16xi32>,
    tpu.vector_store %arg6[%swap3A_107, %swap3A_108], %and3A_105 {strides = array<i32>} : memref<2x128xi32, #tpu.memory_space<vmem>>, vector<16xi32>,
    %shift_right_logical3A_110 = arith.constant 16 : i32
    %shift_right_logical3A_111 = vector.broadcast %shift_right_logical3A_110 : i32 to vector<16xi32>
    %shift_right_logical3A_112 = arith.shrui %get3A_102, %shift_right_logical3A_111 : vector<16xi32>
    %swap3A_113 = arith.constant 0 : i32
    %swap3A_114 = arith.index_cast %swap3A_113 : i32 to index
    %swap3A_115 = arith.constant 64 : index
    %swap3A_116 = tpu.vector_load %arg7[%swap3A_114, %swap3A_115] {strides = array<i32>} : memref<2x128xi32, #tpu.memory_space<vmem>>, vector<16xi32>,
    tpu.vector_store %arg7[%swap3A_114, %swap3A_115], %shift_right_logical3A_112 {strides = array<i32>} : memref<2x128xi32, #tpu.memory_space<vmem>>, vector<16xi32>,
    %get3A_117 = arith.constant 0 : i32
    %get3A_118 = arith.index_cast %get3A_117 : i32 to index
    %get3A_119 = arith.constant 80 : index
    %get3A_120 = tpu.vector_load %arg5[%get3A_118, %get3A_119] {strides = array<i32>} : memref<80x128xi32, #tpu.memory_space<vmem>>, vector<16xi32>,
    %and3A_121 = arith.constant 65535 : i32
    %and3A_122 = vector.broadcast %and3A_121 : i32 to vector<16xi32>
    %and3A_123 = arith.andi %get3A_120, %and3A_122 : vector<16xi32>
    %swap3A_124 = arith.constant 0 : i32
    %swap3A_125 = arith.index_cast %swap3A_124 : i32 to index
    %swap3A_126 = arith.constant 80 : index
    %swap3A_127 = tpu.vector_load %arg6[%swap3A_125, %swap3A_126] {strides = array<i32>} : memref<2x128xi32, #tpu.memory_space<vmem>>, vector<16xi32>,
    tpu.vector_store %arg6[%swap3A_125, %swap3A_126], %and3A_123 {strides = array<i32>} : memref<2x128xi32, #tpu.memory_space<vmem>>, vector<16xi32>,
    %shift_right_logical3A_128 = arith.constant 16 : i32
    %shift_right_logical3A_129 = vector.broadcast %shift_right_logical3A_128 : i32 to vector<16xi32>
    %shift_right_logical3A_130 = arith.shrui %get3A_120, %shift_right_logical3A_129 : vector<16xi32>
    %swap3A_131 = arith.constant 0 : i32
    %swap3A_132 = arith.index_cast %swap3A_131 : i32 to index
    %swap3A_133 = arith.constant 80 : index
    %swap3A_134 = tpu.vector_load %arg7[%swap3A_132, %swap3A_133] {strides = array<i32>} : memref<2x128xi32, #tpu.memory_space<vmem>>, vector<16xi32>,
    tpu.vector_store %arg7[%swap3A_132, %swap3A_133], %shift_right_logical3A_130 {strides = array<i32>} : memref<2x128xi32, #tpu.memory_space<vmem>>, vector<16xi32>,
    %get3A_135 = arith.constant 0 : i32
    %get3A_136 = arith.index_cast %get3A_135 : i32 to index
    %get3A_137 = arith.constant 96 : index
    %get3A_138 = tpu.vector_load %arg5[%get3A_136, %get3A_137] {strides = array<i32>} : memref<80x128xi32, #tpu.memory_space<vmem>>, vector<16xi32>,
    %and3A_139 = arith.constant 65535 : i32
    %and3A_140 = vector.broadcast %and3A_139 : i32 to vector<16xi32>
    %and3A_141 = arith.andi %get3A_138, %and3A_140 : vector<16xi32>
    %swap3A_142 = arith.constant 0 : i32
    %swap3A_143 = arith.index_cast %swap3A_142 : i32 to index
    %swap3A_144 = arith.constant 96 : index
    %swap3A_145 = tpu.vector_load %arg6[%swap3A_143, %swap3A_144] {strides = array<i32>} : memref<2x128xi32, #tpu.memory_space<vmem>>, vector<16xi32>,
    tpu.vector_store %arg6[%swap3A_143, %swap3A_144], %and3A_141 {strides = array<i32>} : memref<2x128xi32, #tpu.memory_space<vmem>>, vector<16xi32>,
    %shift_right_logical3A_146 = arith.constant 16 : i32
    %shift_right_logical3A_147 = vector.broadcast %shift_right_logical3A_146 : i32 to vector<16xi32>
    %shift_right_logical3A_148 = arith.shrui %get3A_138, %shift_right_logical3A_147 : vector<16xi32>
    %swap3A_149 = arith.constant 0 : i32
    %swap3A_150 = arith.index_cast %swap3A_149 : i32 to index
    %swap3A_151 = arith.constant 96 : index
    %swap3A_152 = tpu.vector_load %arg7[%swap3A_150, %swap3A_151] {strides = array<i32>} : memref<2x128xi32, #tpu.memory_space<vmem>>, vector<16xi32>,
    tpu.vector_store %arg7[%swap3A_150, %swap3A_151], %shift_right_logical3A_148 {strides = array<i32>} : memref<2x128xi32, #tpu.memory_space<vmem>>, vector<16xi32>,
    %get3A_153 = arith.constant 0 : i32
    %get3A_154 = arith.index_cast %get3A_153 : i32 to index
    %get3A_155 = arith.constant 112 : index
    %get3A_156 = tpu.vector_load %arg5[%get3A_154, %get3A_155] {strides = array<i32>} : memref<80x128xi32, #tpu.memory_space<vmem>>, vector<16xi32>,
    %and3A_157 = arith.constant 65535 : i32
    %and3A_158 = vector.broadcast %and3A_157 : i32 to vector<16xi32>
    %and3A_159 = arith.andi %get3A_156, %and3A_158 : vector<16xi32>
    %swap3A_160 = arith.constant 0 : i32
    %swap3A_161 = arith.index_cast %swap3A_160 : i32 to index
    %swap3A_162 = arith.constant 112 : index
    %swap3A_163 = tpu.vector_load %arg6[%swap3A_161, %swap3A_162] {strides = array<i32>} : memref<2x128xi32, #tpu.memory_space<vmem>>, vector<16xi32>,
    tpu.vector_store %arg6[%swap3A_161, %swap3A_162], %and3A_159 {strides = array<i32>} : memref<2x128xi32, #tpu.memory_space<vmem>>, vector<16xi32>,
    %shift_right_logical3A_164 = arith.constant 16 : i32
    %shift_right_logical3A_165 = vector.broadcast %shift_right_logical3A_164 : i32 to vector<16xi32>
    %shift_right_logical3A_166 = arith.shrui %get3A_156, %shift_right_logical3A_165 : vector<16xi32>
    %swap3A_167 = arith.constant 0 : i32
    %swap3A_168 = arith.index_cast %swap3A_167 : i32 to index
    %swap3A_169 = arith.constant 112 : index
    %swap3A_170 = tpu.vector_load %arg7[%swap3A_168, %swap3A_169] {strides = array<i32>} : memref<2x128xi32, #tpu.memory_space<vmem>>, vector<16xi32>,
    tpu.vector_store %arg7[%swap3A_168, %swap3A_169], %shift_right_logical3A_166 {strides = array<i32>} : memref<2x128xi32, #tpu.memory_space<vmem>>, vector<16xi32>,
    %dma_start3A = arith.constant 0 : i32
    %dma_start3A_171 = arith.constant 0 : i32
    %dma_start3A_172 = arith.constant 0 : i32
    %dma_start3A_173 = arith.constant 0 : i32
    %dma_start3A_174 = tpu.memref_slice %arg8[%dma_start3A_171, %dma_start3A_172, %dma_start3A_173] : memref<2x128x128xf32, #tpu.memory_space<vmem>> -> memref<1x128x128xf32, #tpu.memory_space<vmem>>
    %dma_start3A_175 = tpu.memref_squeeze %dma_start3A_174 : memref<1x128x128xf32, #tpu.memory_space<vmem>> -> memref<128x128xf32, #tpu.memory_space<vmem>>
    %dma_start3A_176 = arith.constant 0 : i32
    %dma_start3A_177 = tpu.memref_slice %arg6[%dma_start3A, %dma_start3A_176] : memref<2x128xi32, #tpu.memory_space<vmem>> -> memref<1x128xi32, #tpu.memory_space<vmem>>
    %dma_start3A_178 = tpu.memref_squeeze %dma_start3A_177 : memref<1x128xi32, #tpu.memory_space<vmem>> -> memref<128xi32, #tpu.memory_space<vmem>>
    %dma_start3A_179 = arith.constant 0 : i32
    %dma_start3A_180 = arith.constant 0 : i32
    %dma_start3A_181 = tpu.memref_slice %arg2[%dma_start3A_179, %dma_start3A_180] : memref<10112x128xf32, #tpu.memory_space<hbm>> -> memref<10112x128xf32, #tpu.memory_space<hbm>>
    tpu.enqueue_indirect_dma source(%dma_start3A_181 : memref<10112x128xf32, #tpu.memory_space<hbm>>) target(%dma_start3A_175 : memref<128x128xf32, #tpu.memory_space<vmem>>) offsets(%dma_start3A_178 : memref<128xi32, #tpu.memory_space<vmem>>) semaphore(%arg10 : memref<!tpu.dma_semaphore, #tpu.memory_space<semaphore_mem>>)
    %barrier3A = arith.constant 0 : index
    tpu.barrier barrier_id(%barrier3A)
    %scan3A_182 = arith.constant 0 : i32
    %scan3A_183 = arith.constant 0 : i32
    %scan3A_184 = arith.constant 80 : i32
    %scan3A_185 = arith.addi %scan3A_183, %scan3A_184 : i32
    %scan3A_186 = arith.constant 1 : i32
    scf.for %scan3A_193 = %scan3A_183 to %scan3A_185 step %scan3A_186  : i32 {
      %rem3A = arith.constant 2 : i32
      %rem3A_194 = arith.remsi %scan3A_193, %rem3A : i32
      %add3A_195 = arith.constant 1 : i32
      %add3A_196 = arith.addi %scan3A_193, %add3A_195 : i32
      %lt3A = arith.constant 80 : i32
      %lt3A_197 = arith.cmpi slt, %add3A_196, %lt3A : i32
      %convert_element_type3A = arith.extui %lt3A_197 : i1 to i32
      %cond3A = arith.constant 0 : i32
      %cond3A_198 = arith.cmpi ne, %convert_element_type3A, %cond3A : i32
      scf.if %cond3A_198 {
        %add3A_215 = arith.constant 1 : i32
        %add3A_216 = arith.addi %scan3A_193, %add3A_215 : i32
        %sub3A = arith.constant 1 : i32
        %sub3A_217 = arith.subi %sub3A, %rem3A_194 : i32
        %get3A_218 = arith.index_cast %add3A_216 : i32 to index
        %get3A_219 = arith.constant 0 : index
        %get3A_220 = tpu.vector_load %arg5[%get3A_218, %get3A_219] {strides = array<i32>} : memref<80x128xi32, #tpu.memory_space<vmem>>, vector<16xi32>,
        %and3A_221 = arith.constant 65535 : i32
        %and3A_222 = vector.broadcast %and3A_221 : i32 to vector<16xi32>
        %and3A_223 = arith.andi %get3A_220, %and3A_222 : vector<16xi32>
        %swap3A_224 = arith.index_cast %sub3A_217 : i32 to index
        %swap3A_225 = arith.constant 0 : index
        %swap3A_226 = tpu.vector_load %arg6[%swap3A_224, %swap3A_225] {strides = array<i32>} : memref<2x128xi32, #tpu.memory_space<vmem>>, vector<16xi32>,
        tpu.vector_store %arg6[%swap3A_224, %swap3A_225], %and3A_223 {strides = array<i32>} : memref<2x128xi32, #tpu.memory_space<vmem>>, vector<16xi32>,
        %shift_right_logical3A_227 = arith.constant 16 : i32
        %shift_right_logical3A_228 = vector.broadcast %shift_right_logical3A_227 : i32 to vector<16xi32>
        %shift_right_logical3A_229 = arith.shrui %get3A_220, %shift_right_logical3A_228 : vector<16xi32>
        %swap3A_230 = arith.index_cast %sub3A_217 : i32 to index
        %swap3A_231 = arith.constant 0 : index
        %swap3A_232 = tpu.vector_load %arg7[%swap3A_230, %swap3A_231] {strides = array<i32>} : memref<2x128xi32, #tpu.memory_space<vmem>>, vector<16xi32>,
        tpu.vector_store %arg7[%swap3A_230, %swap3A_231], %shift_right_logical3A_229 {strides = array<i32>} : memref<2x128xi32, #tpu.memory_space<vmem>>, vector<16xi32>,
        %get3A_233 = arith.index_cast %add3A_216 : i32 to index
        %get3A_234 = arith.constant 16 : index
        %get3A_235 = tpu.vector_load %arg5[%get3A_233, %get3A_234] {strides = array<i32>} : memref<80x128xi32, #tpu.memory_space<vmem>>, vector<16xi32>,
        %and3A_236 = arith.constant 65535 : i32
        %and3A_237 = vector.broadcast %and3A_236 : i32 to vector<16xi32>
        %and3A_238 = arith.andi %get3A_235, %and3A_237 : vector<16xi32>
        %swap3A_239 = arith.index_cast %sub3A_217 : i32 to index
        %swap3A_240 = arith.constant 16 : index
        %swap3A_241 = tpu.vector_load %arg6[%swap3A_239, %swap3A_240] {strides = array<i32>} : memref<2x128xi32, #tpu.memory_space<vmem>>, vector<16xi32>,
        tpu.vector_store %arg6[%swap3A_239, %swap3A_240], %and3A_238 {strides = array<i32>} : memref<2x128xi32, #tpu.memory_space<vmem>>, vector<16xi32>,
        %shift_right_logical3A_242 = arith.constant 16 : i32
        %shift_right_logical3A_243 = vector.broadcast %shift_right_logical3A_242 : i32 to vector<16xi32>
        %shift_right_logical3A_244 = arith.shrui %get3A_235, %shift_right_logical3A_243 : vector<16xi32>
        %swap3A_245 = arith.index_cast %sub3A_217 : i32 to index
        %swap3A_246 = arith.constant 16 : index
        %swap3A_247 = tpu.vector_load %arg7[%swap3A_245, %swap3A_246] {strides = array<i32>} : memref<2x128xi32, #tpu.memory_space<vmem>>, vector<16xi32>,
        tpu.vector_store %arg7[%swap3A_245, %swap3A_246], %shift_right_logical3A_244 {strides = array<i32>} : memref<2x128xi32, #tpu.memory_space<vmem>>, vector<16xi32>,
        %get3A_248 = arith.index_cast %add3A_216 : i32 to index
        %get3A_249 = arith.constant 32 : index
        %get3A_250 = tpu.vector_load %arg5[%get3A_248, %get3A_249] {strides = array<i32>} : memref<80x128xi32, #tpu.memory_space<vmem>>, vector<16xi32>,
        %and3A_251 = arith.constant 65535 : i32
        %and3A_252 = vector.broadcast %and3A_251 : i32 to vector<16xi32>
        %and3A_253 = arith.andi %get3A_250, %and3A_252 : vector<16xi32>
        %swap3A_254 = arith.index_cast %sub3A_217 : i32 to index
        %swap3A_255 = arith.constant 32 : index
        %swap3A_256 = tpu.vector_load %arg6[%swap3A_254, %swap3A_255] {strides = array<i32>} : memref<2x128xi32, #tpu.memory_space<vmem>>, vector<16xi32>,
        tpu.vector_store %arg6[%swap3A_254, %swap3A_255], %and3A_253 {strides = array<i32>} : memref<2x128xi32, #tpu.memory_space<vmem>>, vector<16xi32>,
        %shift_right_logical3A_257 = arith.constant 16 : i32
        %shift_right_logical3A_258 = vector.broadcast %shift_right_logical3A_257 : i32 to vector<16xi32>
        %shift_right_logical3A_259 = arith.shrui %get3A_250, %shift_right_logical3A_258 : vector<16xi32>
        %swap3A_260 = arith.index_cast %sub3A_217 : i32 to index
        %swap3A_261 = arith.constant 32 : index
        %swap3A_262 = tpu.vector_load %arg7[%swap3A_260, %swap3A_261] {strides = array<i32>} : memref<2x128xi32, #tpu.memory_space<vmem>>, vector<16xi32>,
        tpu.vector_store %arg7[%swap3A_260, %swap3A_261], %shift_right_logical3A_259 {strides = array<i32>} : memref<2x128xi32, #tpu.memory_space<vmem>>, vector<16xi32>,
        %get3A_263 = arith.index_cast %add3A_216 : i32 to index
        %get3A_264 = arith.constant 48 : index
        %get3A_265 = tpu.vector_load %arg5[%get3A_263, %get3A_264] {strides = array<i32>} : memref<80x128xi32, #tpu.memory_space<vmem>>, vector<16xi32>,
        %and3A_266 = arith.constant 65535 : i32
        %and3A_267 = vector.broadcast %and3A_266 : i32 to vector<16xi32>
        %and3A_268 = arith.andi %get3A_265, %and3A_267 : vector<16xi32>
        %swap3A_269 = arith.index_cast %sub3A_217 : i32 to index
        %swap3A_270 = arith.constant 48 : index
        %swap3A_271 = tpu.vector_load %arg6[%swap3A_269, %swap3A_270] {strides = array<i32>} : memref<2x128xi32, #tpu.memory_space<vmem>>, vector<16xi32>,
        tpu.vector_store %arg6[%swap3A_269, %swap3A_270], %and3A_268 {strides = array<i32>} : memref<2x128xi32, #tpu.memory_space<vmem>>, vector<16xi32>,
        %shift_right_logical3A_272 = arith.constant 16 : i32
        %shift_right_logical3A_273 = vector.broadcast %shift_right_logical3A_272 : i32 to vector<16xi32>
        %shift_right_logical3A_274 = arith.shrui %get3A_265, %shift_right_logical3A_273 : vector<16xi32>
        %swap3A_275 = arith.index_cast %sub3A_217 : i32 to index
        %swap3A_276 = arith.constant 48 : index
        %swap3A_277 = tpu.vector_load %arg7[%swap3A_275, %swap3A_276] {strides = array<i32>} : memref<2x128xi32, #tpu.memory_space<vmem>>, vector<16xi32>,
        tpu.vector_store %arg7[%swap3A_275, %swap3A_276], %shift_right_logical3A_274 {strides = array<i32>} : memref<2x128xi32, #tpu.memory_space<vmem>>, vector<16xi32>,
        %get3A_278 = arith.index_cast %add3A_216 : i32 to index
        %get3A_279 = arith.constant 64 : index
        %get3A_280 = tpu.vector_load %arg5[%get3A_278, %get3A_279] {strides = array<i32>} : memref<80x128xi32, #tpu.memory_space<vmem>>, vector<16xi32>,
        %and3A_281 = arith.constant 65535 : i32
        %and3A_282 = vector.broadcast %and3A_281 : i32 to vector<16xi32>
        %and3A_283 = arith.andi %get3A_280, %and3A_282 : vector<16xi32>
        %swap3A_284 = arith.index_cast %sub3A_217 : i32 to index
        %swap3A_285 = arith.constant 64 : index
        %swap3A_286 = tpu.vector_load %arg6[%swap3A_284, %swap3A_285] {strides = array<i32>} : memref<2x128xi32, #tpu.memory_space<vmem>>, vector<16xi32>,
        tpu.vector_store %arg6[%swap3A_284, %swap3A_285], %and3A_283 {strides = array<i32>} : memref<2x128xi32, #tpu.memory_space<vmem>>, vector<16xi32>,
        %shift_right_logical3A_287 = arith.constant 16 : i32
        %shift_right_logical3A_288 = vector.broadcast %shift_right_logical3A_287 : i32 to vector<16xi32>
        %shift_right_logical3A_289 = arith.shrui %get3A_280, %shift_right_logical3A_288 : vector<16xi32>
        %swap3A_290 = arith.index_cast %sub3A_217 : i32 to index
        %swap3A_291 = arith.constant 64 : index
        %swap3A_292 = tpu.vector_load %arg7[%swap3A_290, %swap3A_291] {strides = array<i32>} : memref<2x128xi32, #tpu.memory_space<vmem>>, vector<16xi32>,
        tpu.vector_store %arg7[%swap3A_290, %swap3A_291], %shift_right_logical3A_289 {strides = array<i32>} : memref<2x128xi32, #tpu.memory_space<vmem>>, vector<16xi32>,
        %get3A_293 = arith.index_cast %add3A_216 : i32 to index
        %get3A_294 = arith.constant 80 : index
        %get3A_295 = tpu.vector_load %arg5[%get3A_293, %get3A_294] {strides = array<i32>} : memref<80x128xi32, #tpu.memory_space<vmem>>, vector<16xi32>,
        %and3A_296 = arith.constant 65535 : i32
        %and3A_297 = vector.broadcast %and3A_296 : i32 to vector<16xi32>
        %and3A_298 = arith.andi %get3A_295, %and3A_297 : vector<16xi32>
        %swap3A_299 = arith.index_cast %sub3A_217 : i32 to index
        %swap3A_300 = arith.constant 80 : index
        %swap3A_301 = tpu.vector_load %arg6[%swap3A_299, %swap3A_300] {strides = array<i32>} : memref<2x128xi32, #tpu.memory_space<vmem>>, vector<16xi32>,
        tpu.vector_store %arg6[%swap3A_299, %swap3A_300], %and3A_298 {strides = array<i32>} : memref<2x128xi32, #tpu.memory_space<vmem>>, vector<16xi32>,
        %shift_right_logical3A_302 = arith.constant 16 : i32
        %shift_right_logical3A_303 = vector.broadcast %shift_right_logical3A_302 : i32 to vector<16xi32>
        %shift_right_logical3A_304 = arith.shrui %get3A_295, %shift_right_logical3A_303 : vector<16xi32>
        %swap3A_305 = arith.index_cast %sub3A_217 : i32 to index
        %swap3A_306 = arith.constant 80 : index
        %swap3A_307 = tpu.vector_load %arg7[%swap3A_305, %swap3A_306] {strides = array<i32>} : memref<2x128xi32, #tpu.memory_space<vmem>>, vector<16xi32>,
        tpu.vector_store %arg7[%swap3A_305, %swap3A_306], %shift_right_logical3A_304 {strides = array<i32>} : memref<2x128xi32, #tpu.memory_space<vmem>>, vector<16xi32>,
        %get3A_308 = arith.index_cast %add3A_216 : i32 to index
        %get3A_309 = arith.constant 96 : index
        %get3A_310 = tpu.vector_load %arg5[%get3A_308, %get3A_309] {strides = array<i32>} : memref<80x128xi32, #tpu.memory_space<vmem>>, vector<16xi32>,
        %and3A_311 = arith.constant 65535 : i32
        %and3A_312 = vector.broadcast %and3A_311 : i32 to vector<16xi32>
        %and3A_313 = arith.andi %get3A_310, %and3A_312 : vector<16xi32>
        %swap3A_314 = arith.index_cast %sub3A_217 : i32 to index
        %swap3A_315 = arith.constant 96 : index
        %swap3A_316 = tpu.vector_load %arg6[%swap3A_314, %swap3A_315] {strides = array<i32>} : memref<2x128xi32, #tpu.memory_space<vmem>>, vector<16xi32>,
        tpu.vector_store %arg6[%swap3A_314, %swap3A_315], %and3A_313 {strides = array<i32>} : memref<2x128xi32, #tpu.memory_space<vmem>>, vector<16xi32>,
        %shift_right_logical3A_317 = arith.constant 16 : i32
        %shift_right_logical3A_318 = vector.broadcast %shift_right_logical3A_317 : i32 to vector<16xi32>
        %shift_right_logical3A_319 = arith.shrui %get3A_310, %shift_right_logical3A_318 : vector<16xi32>
        %swap3A_320 = arith.index_cast %sub3A_217 : i32 to index
        %swap3A_321 = arith.constant 96 : index
        %swap3A_322 = tpu.vector_load %arg7[%swap3A_320, %swap3A_321] {strides = array<i32>} : memref<2x128xi32, #tpu.memory_space<vmem>>, vector<16xi32>,
        tpu.vector_store %arg7[%swap3A_320, %swap3A_321], %shift_right_logical3A_319 {strides = array<i32>} : memref<2x128xi32, #tpu.memory_space<vmem>>, vector<16xi32>,
        %get3A_323 = arith.index_cast %add3A_216 : i32 to index
        %get3A_324 = arith.constant 112 : index
        %get3A_325 = tpu.vector_load %arg5[%get3A_323, %get3A_324] {strides = array<i32>} : memref<80x128xi32, #tpu.memory_space<vmem>>, vector<16xi32>,
        %and3A_326 = arith.constant 65535 : i32
        %and3A_327 = vector.broadcast %and3A_326 : i32 to vector<16xi32>
        %and3A_328 = arith.andi %get3A_325, %and3A_327 : vector<16xi32>
        %swap3A_329 = arith.index_cast %sub3A_217 : i32 to index
        %swap3A_330 = arith.constant 112 : index
        %swap3A_331 = tpu.vector_load %arg6[%swap3A_329, %swap3A_330] {strides = array<i32>} : memref<2x128xi32, #tpu.memory_space<vmem>>, vector<16xi32>,
        tpu.vector_store %arg6[%swap3A_329, %swap3A_330], %and3A_328 {strides = array<i32>} : memref<2x128xi32, #tpu.memory_space<vmem>>, vector<16xi32>,
        %shift_right_logical3A_332 = arith.constant 16 : i32
        %shift_right_logical3A_333 = vector.broadcast %shift_right_logical3A_332 : i32 to vector<16xi32>
        %shift_right_logical3A_334 = arith.shrui %get3A_325, %shift_right_logical3A_333 : vector<16xi32>
        %swap3A_335 = arith.index_cast %sub3A_217 : i32 to index
        %swap3A_336 = arith.constant 112 : index
        %swap3A_337 = tpu.vector_load %arg7[%swap3A_335, %swap3A_336] {strides = array<i32>} : memref<2x128xi32, #tpu.memory_space<vmem>>, vector<16xi32>,
        tpu.vector_store %arg7[%swap3A_335, %swap3A_336], %shift_right_logical3A_334 {strides = array<i32>} : memref<2x128xi32, #tpu.memory_space<vmem>>, vector<16xi32>,
      } else {
      }
      %dma_wait3A = arith.constant 0 : i32
      %dma_wait3A_199 = arith.constant 0 : i32
      %dma_wait3A_200 = tpu.memref_slice %arg8[%rem3A_194, %dma_wait3A, %dma_wait3A_199] : memref<2x128x128xf32, #tpu.memory_space<vmem>> -> memref<1x128x128xf32, #tpu.memory_space<vmem>>
      %dma_wait3A_201 = tpu.memref_squeeze %dma_wait3A_200 : memref<1x128x128xf32, #tpu.memory_space<vmem>> -> memref<128x128xf32, #tpu.memory_space<vmem>>
      %dma_wait3A_202 = arith.constant 0 : i32
      %dma_wait3A_203 = tpu.memref_slice %arg6[%rem3A_194, %dma_wait3A_202] : memref<2x128xi32, #tpu.memory_space<vmem>> -> memref<1x128xi32, #tpu.memory_space<vmem>>
      %dma_wait3A_204 = tpu.memref_squeeze %dma_wait3A_203 : memref<1x128xi32, #tpu.memory_space<vmem>> -> memref<128xi32, #tpu.memory_space<vmem>>
      %dma_wait3A_205 = arith.constant 0 : i32
      %dma_wait3A_206 = arith.constant 0 : i32
      %dma_wait3A_207 = tpu.memref_slice %arg2[%dma_wait3A_205, %dma_wait3A_206] : memref<10112x128xf32, #tpu.memory_space<hbm>> -> memref<10112x128xf32, #tpu.memory_space<hbm>>
      tpu.wait_indirect_dma semaphore(%arg10 : memref<!tpu.dma_semaphore, #tpu.memory_space<semaphore_mem>>) src(%dma_wait3A_207 : memref<10112x128xf32, #tpu.memory_space<hbm>>) dst(%dma_wait3A_201 : memref<128x128xf32, #tpu.memory_space<vmem>>)
      %add3A_208 = arith.constant 1 : i32
      %add3A_209 = arith.addi %scan3A_193, %add3A_208 : i32
      %lt3A_210 = arith.constant 80 : i32
      %lt3A_211 = arith.cmpi slt, %add3A_209, %lt3A_210 : i32
      %convert_element_type3A_212 = arith.extui %lt3A_211 : i1 to i32
      %cond3A_213 = arith.constant 0 : i32
      %cond3A_214 = arith.cmpi ne, %convert_element_type3A_212, %cond3A_213 : i32
      scf.if %cond3A_214 {
        %sub3A = arith.constant 1 : i32
        %sub3A_215 = arith.subi %sub3A, %rem3A_194 : i32
        %sub3A_216 = arith.constant 1 : i32
        %sub3A_217 = arith.subi %sub3A_216, %rem3A_194 : i32
        %dma_start3A_218 = arith.constant 0 : i32
        %dma_start3A_219 = arith.constant 0 : i32
        %dma_start3A_220 = tpu.memref_slice %arg8[%sub3A_217, %dma_start3A_218, %dma_start3A_219] : memref<2x128x128xf32, #tpu.memory_space<vmem>> -> memref<1x128x128xf32, #tpu.memory_space<vmem>>
        %dma_start3A_221 = tpu.memref_squeeze %dma_start3A_220 : memref<1x128x128xf32, #tpu.memory_space<vmem>> -> memref<128x128xf32, #tpu.memory_space<vmem>>
        %dma_start3A_222 = arith.constant 0 : i32
        %dma_start3A_223 = tpu.memref_slice %arg6[%sub3A_215, %dma_start3A_222] : memref<2x128xi32, #tpu.memory_space<vmem>> -> memref<1x128xi32, #tpu.memory_space<vmem>>
        %dma_start3A_224 = tpu.memref_squeeze %dma_start3A_223 : memref<1x128xi32, #tpu.memory_space<vmem>> -> memref<128xi32, #tpu.memory_space<vmem>>
        %dma_start3A_225 = arith.constant 0 : i32
        %dma_start3A_226 = arith.constant 0 : i32
        %dma_start3A_227 = tpu.memref_slice %arg2[%dma_start3A_225, %dma_start3A_226] : memref<10112x128xf32, #tpu.memory_space<hbm>> -> memref<10112x128xf32, #tpu.memory_space<hbm>>
        tpu.enqueue_indirect_dma source(%dma_start3A_227 : memref<10112x128xf32, #tpu.memory_space<hbm>>) target(%dma_start3A_221 : memref<128x128xf32, #tpu.memory_space<vmem>>) offsets(%dma_start3A_224 : memref<128xi32, #tpu.memory_space<vmem>>) semaphore(%arg10 : memref<!tpu.dma_semaphore, #tpu.memory_space<semaphore_mem>>)
      } else {
      }
      "tpu.region"() ({
        %run_scoped3A_215 = tpu.sem_alloc : memref<!tpu.dma_semaphore, #tpu.memory_space<semaphore_mem>>
        %dma_start3A_216 = arith.constant 0 : i32
        %dma_start3A_217 = arith.constant 0 : i32
        %dma_start3A_218 = tpu.memref_slice %arg8[%rem3A_194, %dma_start3A_216, %dma_start3A_217] : memref<2x128x128xf32, #tpu.memory_space<vmem>> -> memref<1x128x128xf32, #tpu.memory_space<vmem>>
        %dma_start3A_219 = tpu.memref_squeeze %dma_start3A_218 : memref<1x128x128xf32, #tpu.memory_space<vmem>> -> memref<128x128xf32, #tpu.memory_space<vmem>>
        %dma_start3A_220 = arith.constant 0 : i32
        %dma_start3A_221 = tpu.memref_slice %arg7[%rem3A_194, %dma_start3A_220] : memref<2x128xi32, #tpu.memory_space<vmem>> -> memref<1x128xi32, #tpu.memory_space<vmem>>
        %dma_start3A_222 = tpu.memref_squeeze %dma_start3A_221 : memref<1x128xi32, #tpu.memory_space<vmem>> -> memref<128xi32, #tpu.memory_space<vmem>>
        %dma_start3A_223 = arith.constant 0 : i32
        %dma_start3A_224 = arith.constant 0 : i32
        %dma_start3A_225 = tpu.memref_slice %arg9[%dma_start3A_223, %dma_start3A_224] : memref<10112x128xf32, #tpu.memory_space<vmem_shared>> -> memref<10112x128xf32, #tpu.memory_space<vmem_shared>>
        tpu.enqueue_indirect_dma source(%dma_start3A_219 : memref<128x128xf32, #tpu.memory_space<vmem>>) target(%dma_start3A_225 : memref<10112x128xf32, #tpu.memory_space<vmem_shared>>) offsets(%dma_start3A_222 : memref<128xi32, #tpu.memory_space<vmem>>) semaphore(%run_scoped3A_215 : memref<!tpu.dma_semaphore, #tpu.memory_space<semaphore_mem>>) {add = true}
        %dma_wait3A_226 = arith.constant 0 : i32
        %dma_wait3A_227 = arith.constant 0 : i32
        %dma_wait3A_228 = tpu.memref_slice %arg8[%rem3A_194, %dma_wait3A_226, %dma_wait3A_227] : memref<2x128x128xf32, #tpu.memory_space<vmem>> -> memref<1x128x128xf32, #tpu.memory_space<vmem>>
        %dma_wait3A_229 = tpu.memref_squeeze %dma_wait3A_228 : memref<1x128x128xf32, #tpu.memory_space<vmem>> -> memref<128x128xf32, #tpu.memory_space<vmem>>
        %dma_wait3A_230 = arith.constant 0 : i32
        %dma_wait3A_231 = tpu.memref_slice %arg7[%rem3A_194, %dma_wait3A_230] : memref<2x128xi32, #tpu.memory_space<vmem>> -> memref<1x128xi32, #tpu.memory_space<vmem>>
        %dma_wait3A_232 = tpu.memref_squeeze %dma_wait3A_231 : memref<1x128xi32, #tpu.memory_space<vmem>> -> memref<128xi32, #tpu.memory_space<vmem>>
        %dma_wait3A_233 = arith.constant 0 : i32
        %dma_wait3A_234 = arith.constant 0 : i32
        %dma_wait3A_235 = tpu.memref_slice %arg9[%dma_wait3A_233, %dma_wait3A_234] : memref<10112x128xf32, #tpu.memory_space<vmem_shared>> -> memref<10112x128xf32, #tpu.memory_space<vmem_shared>>
        tpu.wait_indirect_dma semaphore(%run_scoped3A_215 : memref<!tpu.dma_semaphore, #tpu.memory_space<semaphore_mem>>) src(%dma_wait3A_229 : memref<128x128xf32, #tpu.memory_space<vmem>>) dst(%dma_wait3A_235 : memref<10112x128xf32, #tpu.memory_space<vmem_shared>>)
        tpu.yield
      }) : () -> ()
    }
    %scan3A_187 = arith.constant 80 : i32
    %barrier3A_188 = arith.constant 0 : index
    tpu.barrier barrier_id(%barrier3A_188)
    %mul3A_189 = arith.constant 632 : i32
    %mul3A_190 = arith.muli %arg1, %mul3A_189 : i32
    %mul3A_191 = arith.constant 632 : i32
    %mul3A_192 = arith.muli %arg1, %mul3A_191 : i32
    "tpu.region"() ({
      %run_scoped3A_193 = tpu.sem_alloc : memref<!tpu.dma_semaphore, #tpu.memory_space<semaphore_mem>>
      %dma_start3A_194 = arith.constant 0 : i32
      %dma_start3A_195 = arith.constant 0 : i32
      %dma_start3A_196 = tpu.memref_slice %arg4[%arg0, %dma_start3A_194, %dma_start3A_195] : memref<2x10112x128xf32, #tpu.memory_space<hbm>> -> memref<1x10112x128xf32, #tpu.memory_space<hbm>>
      %dma_start3A_197 = tpu.memref_squeeze %dma_start3A_196 : memref<1x10112x128xf32, #tpu.memory_space<hbm>> -> memref<10112x128xf32, #tpu.memory_space<hbm>>
      %dma_start3A_198 = arith.constant 0 : i32
      %dma_start3A_199 = tpu.memref_slice %dma_start3A_197[%mul3A_192, %dma_start3A_198] : memref<10112x128xf32, #tpu.memory_space<hbm>> -> memref<632x128xf32, #tpu.memory_space<hbm>>
      %dma_start3A_200 = arith.constant 0 : i32
      %dma_start3A_201 = tpu.memref_slice %arg9[%mul3A_190, %dma_start3A_200] : memref<10112x128xf32, #tpu.memory_space<vmem_shared>> -> memref<632x128xf32, #tpu.memory_space<vmem_shared>>
      tpu.enqueue_dma source(%dma_start3A_201 : memref<632x128xf32, #tpu.memory_space<vmem_shared>>) target(%dma_start3A_199 : memref<632x128xf32, #tpu.memory_space<hbm>>) target_semaphore(%run_scoped3A_193 : memref<!tpu.dma_semaphore, #tpu.memory_space<semaphore_mem>>)
      %dma_wait3A = arith.constant 0 : i32
      %dma_wait3A_202 = arith.constant 0 : i32
      %dma_wait3A_203 = tpu.memref_slice %arg4[%arg0, %dma_wait3A, %dma_wait3A_202] : memref<2x10112x128xf32, #tpu.memory_space<hbm>> -> memref<1x10112x128xf32, #tpu.memory_space<hbm>>
      %dma_wait3A_204 = tpu.memref_squeeze %dma_wait3A_203 : memref<1x10112x128xf32, #tpu.memory_space<hbm>> -> memref<10112x128xf32, #tpu.memory_space<hbm>>
      %dma_wait3A_205 = arith.constant 0 : i32
      %dma_wait3A_206 = tpu.memref_slice %dma_wait3A_204[%mul3A_192, %dma_wait3A_205] : memref<10112x128xf32, #tpu.memory_space<hbm>> -> memref<632x128xf32, #tpu.memory_space<hbm>>
      %dma_wait3A_207 = arith.constant 0 : i32
      %dma_wait3A_208 = tpu.memref_slice %arg9[%mul3A_190, %dma_wait3A_207] : memref<10112x128xf32, #tpu.memory_space<vmem_shared>> -> memref<632x128xf32, #tpu.memory_space<vmem_shared>>
      tpu.wait_dma2 semaphore(%run_scoped3A_193 : memref<!tpu.dma_semaphore, #tpu.memory_space<semaphore_mem>>) src(%dma_wait3A_208 : memref<632x128xf32, #tpu.memory_space<vmem_shared>>) dst(%dma_wait3A_206 : memref<632x128xf32, #tpu.memory_space<hbm>>)
      tpu.yield
    }) : () -> ()
    return
  }
}

#map = affine_map<(d0, d1) -> (0, 0)>
module attributes {stable_mosaic.version = 14 : i64} {
  func.func @_deg_kernel(%arg0: i32, %arg1: i32, %arg2: memref<32x10240xi32, #tpu.memory_space<hbm>>, %arg3: memref<32x10112xf32, #tpu.memory_space<hbm>>, %arg4: memref<10240xi32, #tpu.memory_space<vmem>>, %arg5: memref<10112xf32, #tpu.memory_space<vmem>>) attributes {dimension_semantics = [#tpu.dimension_semantics<core_parallel>, #tpu.dimension_semantics<subcore_parallel>], iteration_bounds = array<i64: 2, 16>, scalar_prefetch = 0 : i64, scratch_operands = 2 : i64, tpu.core_type = #tpu.core_type<sc_vector_subcore>, window_params = [{transform_indices = #map}, {transform_indices = #map}]} {
    %mul3A = arith.constant 2 : i32
    %mul3A_0 = arith.muli %arg1, %mul3A : i32
    %add3A = arith.addi %mul3A_0, %arg0 : i32
    "tpu.region"() ({
      %run_scoped3A = tpu.sem_alloc : memref<!tpu.dma_semaphore, #tpu.memory_space<semaphore_mem>>
      %dma_start3A = arith.constant 0 : i32
      %dma_start3A_15 = tpu.memref_slice %arg2[%add3A, %dma_start3A] : memref<32x10240xi32, #tpu.memory_space<hbm>> -> memref<1x10240xi32, #tpu.memory_space<hbm>>
      %dma_start3A_16 = tpu.memref_squeeze %dma_start3A_15 : memref<1x10240xi32, #tpu.memory_space<hbm>> -> memref<10240xi32, #tpu.memory_space<hbm>>
      %dma_start3A_17 = arith.constant 0 : i32
      %dma_start3A_18 = tpu.memref_slice %arg2[%add3A, %dma_start3A_17] : memref<32x10240xi32, #tpu.memory_space<hbm>> -> memref<1x10240xi32, #tpu.memory_space<hbm>>
      %dma_start3A_19 = tpu.memref_squeeze %dma_start3A_18 : memref<1x10240xi32, #tpu.memory_space<hbm>> -> memref<10240xi32, #tpu.memory_space<hbm>>
      tpu.enqueue_dma source(%dma_start3A_19 : memref<10240xi32, #tpu.memory_space<hbm>>) target(%arg4 : memref<10240xi32, #tpu.memory_space<vmem>>) target_semaphore(%run_scoped3A : memref<!tpu.dma_semaphore, #tpu.memory_space<semaphore_mem>>)
      %dma_wait3A = arith.constant 0 : i32
      %dma_wait3A_20 = tpu.memref_slice %arg2[%add3A, %dma_wait3A] : memref<32x10240xi32, #tpu.memory_space<hbm>> -> memref<1x10240xi32, #tpu.memory_space<hbm>>
      %dma_wait3A_21 = tpu.memref_squeeze %dma_wait3A_20 : memref<1x10240xi32, #tpu.memory_space<hbm>> -> memref<10240xi32, #tpu.memory_space<hbm>>
      %dma_wait3A_22 = arith.constant 0 : i32
      %dma_wait3A_23 = tpu.memref_slice %arg2[%add3A, %dma_wait3A_22] : memref<32x10240xi32, #tpu.memory_space<hbm>> -> memref<1x10240xi32, #tpu.memory_space<hbm>>
      %dma_wait3A_24 = tpu.memref_squeeze %dma_wait3A_23 : memref<1x10240xi32, #tpu.memory_space<hbm>> -> memref<10240xi32, #tpu.memory_space<hbm>>
      tpu.wait_dma2 semaphore(%run_scoped3A : memref<!tpu.dma_semaphore, #tpu.memory_space<semaphore_mem>>) src(%dma_wait3A_24 : memref<10240xi32, #tpu.memory_space<hbm>>) dst(%arg4 : memref<10240xi32, #tpu.memory_space<vmem>>)
      tpu.yield
    }) : () -> ()
    %broadcast_in_dim3A = arith.constant 0.000000e+00 : f32
    %broadcast_in_dim3A_1 = vector.broadcast %broadcast_in_dim3A : f32 to vector<16xf32>
    %broadcast_in_dim3A_2 = arith.constant 1.000000e+00 : f32
    %broadcast_in_dim3A_3 = vector.broadcast %broadcast_in_dim3A_2 : f32 to vector<16xf32>
    %scan3A = arith.constant 0 : i32
    %scan3A_4 = arith.constant 0 : i32
    %scan3A_5 = arith.constant 632 : i32
    %scan3A_6 = arith.addi %scan3A_4, %scan3A_5 : i32
    %scan3A_7 = arith.constant 1 : i32
    scf.for %scan3A_15 = %scan3A_4 to %scan3A_6 step %scan3A_7  : i32 {
      %mul3A_16 = arith.constant 16 : i32
      %mul3A_17 = arith.muli %scan3A_15, %mul3A_16 : i32
      %swap3A = arith.index_cast %mul3A_17 : i32 to index
      %swap3A_18 = tpu.vector_load %arg5[%swap3A] {strides = array<i32>} : memref<10112xf32, #tpu.memory_space<vmem>>, vector<16xf32>,
      tpu.vector_store %arg5[%swap3A], %broadcast_in_dim3A_1 {strides = array<i32>} : memref<10112xf32, #tpu.memory_space<vmem>>, vector<16xf32>,
    }
    %scan3A_8 = arith.constant 632 : i32
    %scan3A_9 = arith.constant 0 : i32
    %scan3A_10 = arith.constant 0 : i32
    %scan3A_11 = arith.constant 640 : i32
    %scan3A_12 = arith.addi %scan3A_10, %scan3A_11 : i32
    %scan3A_13 = arith.constant 1 : i32
    scf.for %scan3A_15 = %scan3A_10 to %scan3A_12 step %scan3A_13  : i32 {
      %mul3A_16 = arith.constant 16 : i32
      %mul3A_17 = arith.muli %scan3A_15, %mul3A_16 : i32
      %get3A = arith.index_cast %mul3A_17 : i32 to index
      %get3A_18 = tpu.vector_load %arg4[%get3A] {strides = array<i32>} : memref<10240xi32, #tpu.memory_space<vmem>>, vector<16xi32>,
      tpu.vector_store_idx %arg5[%get3A_18], %broadcast_in_dim3A_3 {add = true} : memref<10112xf32, #tpu.memory_space<vmem>>[vector<16xi32>], vector<16xf32>,
    }
    %scan3A_14 = arith.constant 640 : i32
    "tpu.region"() ({
      %run_scoped3A = tpu.sem_alloc : memref<!tpu.dma_semaphore, #tpu.memory_space<semaphore_mem>>
      %dma_start3A = arith.constant 0 : i32
      %dma_start3A_15 = tpu.memref_slice %arg3[%add3A, %dma_start3A] : memref<32x10112xf32, #tpu.memory_space<hbm>> -> memref<1x10112xf32, #tpu.memory_space<hbm>>
      %dma_start3A_16 = tpu.memref_squeeze %dma_start3A_15 : memref<1x10112xf32, #tpu.memory_space<hbm>> -> memref<10112xf32, #tpu.memory_space<hbm>>
      %dma_start3A_17 = arith.constant 0 : i32
      %dma_start3A_18 = tpu.memref_slice %arg3[%add3A, %dma_start3A_17] : memref<32x10112xf32, #tpu.memory_space<hbm>> -> memref<1x10112xf32, #tpu.memory_space<hbm>>
      %dma_start3A_19 = tpu.memref_squeeze %dma_start3A_18 : memref<1x10112xf32, #tpu.memory_space<hbm>> -> memref<10112xf32, #tpu.memory_space<hbm>>
      tpu.enqueue_dma source(%arg5 : memref<10112xf32, #tpu.memory_space<vmem>>) target(%dma_start3A_19 : memref<10112xf32, #tpu.memory_space<hbm>>) target_semaphore(%run_scoped3A : memref<!tpu.dma_semaphore, #tpu.memory_space<semaphore_mem>>)
      %dma_wait3A = arith.constant 0 : i32
      %dma_wait3A_20 = tpu.memref_slice %arg3[%add3A, %dma_wait3A] : memref<32x10112xf32, #tpu.memory_space<hbm>> -> memref<1x10112xf32, #tpu.memory_space<hbm>>
      %dma_wait3A_21 = tpu.memref_squeeze %dma_wait3A_20 : memref<1x10112xf32, #tpu.memory_space<hbm>> -> memref<10112xf32, #tpu.memory_space<hbm>>
      %dma_wait3A_22 = arith.constant 0 : i32
      %dma_wait3A_23 = tpu.memref_slice %arg3[%add3A, %dma_wait3A_22] : memref<32x10112xf32, #tpu.memory_space<hbm>> -> memref<1x10112xf32, #tpu.memory_space<hbm>>
      %dma_wait3A_24 = tpu.memref_squeeze %dma_wait3A_23 : memref<1x10112xf32, #tpu.memory_space<hbm>> -> memref<10112xf32, #tpu.memory_space<hbm>>
      tpu.wait_dma2 semaphore(%run_scoped3A : memref<!tpu.dma_semaphore, #tpu.memory_space<semaphore_mem>>) src(%arg5 : memref<10112xf32, #tpu.memory_space<vmem>>) dst(%dma_wait3A_24 : memref<10112xf32, #tpu.memory_space<hbm>>)
      tpu.yield
    }) : () -> ()
    return
  }
}

#map = affine_map<(d0, d1) -> (0, 0)>
#map1 = affine_map<(d0, d1) -> (0, 0, 0)>
module attributes {stable_mosaic.version = 14 : i64} {
  func.func @_prop_kernel(%arg0: i32, %arg1: i32, %arg2: memref<10112x128xf32, #tpu.memory_space<hbm>>, %arg3: memref<32x80x128xi32, #tpu.memory_space<hbm>>, %arg4: memref<2x10112x128xf32, #tpu.memory_space<hbm>>, %arg5: memref<80x128xi32, #tpu.memory_space<vmem>>, %arg6: memref<2x128xi32, #tpu.memory_space<vmem>>, %arg7: memref<2x128xi32, #tpu.memory_space<vmem>>, %arg8: memref<2x128x128xf32, #tpu.memory_space<vmem>>, %arg9: memref<10112x128xf32, #tpu.memory_space<vmem_shared>>, %arg10: memref<!tpu.dma_semaphore, #tpu.memory_space<semaphore_mem>>) attributes {dimension_semantics = [#tpu.dimension_semantics<core_parallel>, #tpu.dimension_semantics<subcore_parallel>], iteration_bounds = array<i64: 2, 16>, scalar_prefetch = 0 : i64, scratch_operands = 6 : i64, tpu.core_type = #tpu.core_type<sc_vector_subcore>, window_params = [{transform_indices = #map}, {transform_indices = #map1}, {transform_indices = #map1}]} {
    %mul3A = arith.constant 2 : i32
    %mul3A_0 = arith.muli %arg1, %mul3A : i32
    %add3A = arith.addi %mul3A_0, %arg0 : i32
    "tpu.region"() ({
      %run_scoped3A_193 = tpu.sem_alloc : memref<!tpu.dma_semaphore, #tpu.memory_space<semaphore_mem>>
      %dma_start3A_194 = arith.constant 0 : i32
      %dma_start3A_195 = arith.constant 0 : i32
      %dma_start3A_196 = tpu.memref_slice %arg3[%add3A, %dma_start3A_194, %dma_start3A_195] : memref<32x80x128xi32, #tpu.memory_space<hbm>> -> memref<1x80x128xi32, #tpu.memory_space<hbm>>
      %dma_start3A_197 = tpu.memref_squeeze %dma_start3A_196 : memref<1x80x128xi32, #tpu.memory_space<hbm>> -> memref<80x128xi32, #tpu.memory_space<hbm>>
      %dma_start3A_198 = arith.constant 0 : i32
      %dma_start3A_199 = arith.constant 0 : i32
      %dma_start3A_200 = tpu.memref_slice %arg3[%add3A, %dma_start3A_198, %dma_start3A_199] : memref<32x80x128xi32, #tpu.memory_space<hbm>> -> memref<1x80x128xi32, #tpu.memory_space<hbm>>
      %dma_start3A_201 = tpu.memref_squeeze %dma_start3A_200 : memref<1x80x128xi32, #tpu.memory_space<hbm>> -> memref<80x128xi32, #tpu.memory_space<hbm>>
      tpu.enqueue_dma source(%dma_start3A_201 : memref<80x128xi32, #tpu.memory_space<hbm>>) target(%arg5 : memref<80x128xi32, #tpu.memory_space<vmem>>) target_semaphore(%run_scoped3A_193 : memref<!tpu.dma_semaphore, #tpu.memory_space<semaphore_mem>>)
      %dma_wait3A = arith.constant 0 : i32
      %dma_wait3A_202 = arith.constant 0 : i32
      %dma_wait3A_203 = tpu.memref_slice %arg3[%add3A, %dma_wait3A, %dma_wait3A_202] : memref<32x80x128xi32, #tpu.memory_space<hbm>> -> memref<1x80x128xi32, #tpu.memory_space<hbm>>
      %dma_wait3A_204 = tpu.memref_squeeze %dma_wait3A_203 : memref<1x80x128xi32, #tpu.memory_space<hbm>> -> memref<80x128xi32, #tpu.memory_space<hbm>>
      %dma_wait3A_205 = arith.constant 0 : i32
      %dma_wait3A_206 = arith.constant 0 : i32
      %dma_wait3A_207 = tpu.memref_slice %arg3[%add3A, %dma_wait3A_205, %dma_wait3A_206] : memref<32x80x128xi32, #tpu.memory_space<hbm>> -> memref<1x80x128xi32, #tpu.memory_space<hbm>>
      %dma_wait3A_208 = tpu.memref_squeeze %dma_wait3A_207 : memref<1x80x128xi32, #tpu.memory_space<hbm>> -> memref<80x128xi32, #tpu.memory_space<hbm>>
      tpu.wait_dma2 semaphore(%run_scoped3A_193 : memref<!tpu.dma_semaphore, #tpu.memory_space<semaphore_mem>>) src(%dma_wait3A_208 : memref<80x128xi32, #tpu.memory_space<hbm>>) dst(%arg5 : memref<80x128xi32, #tpu.memory_space<vmem>>)
      tpu.yield
    }) : () -> ()
    %broadcast_in_dim3A = arith.constant 0.000000e+00 : f32
    %broadcast_in_dim3A_1 = vector.broadcast %broadcast_in_dim3A : f32 to vector<16xf32>
    %scan3A = arith.constant 0 : i32
    %scan3A_2 = arith.constant 0 : i32
    %scan3A_3 = arith.constant 1024 : i32
    %scan3A_4 = arith.addi %scan3A_2, %scan3A_3 : i32
    %scan3A_5 = arith.constant 1 : i32
    scf.for %scan3A_193 = %scan3A_2 to %scan3A_4 step %scan3A_5  : i32 {
      %jit3A = arith.constant 8 : i32
      %div3A = arith.divsi %scan3A_193, %jit3A : i32
      %sign3A = arith.constant 0 : i32
      %sign3A_194 = arith.cmpi sgt, %scan3A_193, %sign3A : i32
      %sign3A_195 = arith.extui %sign3A_194 : i1 to i32
      %sign3A_196 = arith.constant 0 : i32
      %sign3A_197 = arith.cmpi slt, %scan3A_193, %sign3A_196 : i32
      %sign3A_198 = arith.extui %sign3A_197 : i1 to i32
      %sign3A_199 = arith.subi %sign3A_195, %sign3A_198 : i32
      %sign3A_200 = arith.constant 0 : i32
      %sign3A_201 = arith.cmpi sgt, %jit3A, %sign3A_200 : i32
      %sign3A_202 = arith.extui %sign3A_201 : i1 to i32
      %sign3A_203 = arith.constant 0 : i32
      %sign3A_204 = arith.cmpi slt, %jit3A, %sign3A_203 : i32
      %sign3A_205 = arith.extui %sign3A_204 : i1 to i32
      %sign3A_206 = arith.subi %sign3A_202, %sign3A_205 : i32
      %ne3A = arith.cmpi ne, %sign3A_199, %sign3A_206 : i32
      %rem3A = arith.remsi %scan3A_193, %jit3A : i32
      %ne3A_207 = arith.constant 0 : i32
      %ne3A_208 = arith.cmpi ne, %rem3A, %ne3A_207 : i32
      %and3A_209 = arith.andi %ne3A, %ne3A_208 : i1
      %sub3A = arith.constant 1 : i32
      %sub3A_210 = arith.subi %div3A, %sub3A : i32
      %select_n3A = arith.select %and3A_209, %sub3A_210, %div3A : i32
      %jit3A_211 = arith.constant 8 : i32
      %eq3A = arith.constant 0 : i32
      %eq3A_212 = arith.cmpi eq, %jit3A_211, %eq3A : i32
      %jit3A_213 = arith.constant 1 : i32
      %select_n3A_214 = arith.select %eq3A_212, %jit3A_213, %jit3A_211 : i32
      %rem3A_215 = arith.remsi %scan3A_193, %select_n3A_214 : i32
      %ne3A_216 = arith.constant 0 : i32
      %ne3A_217 = arith.cmpi ne, %rem3A_215, %ne3A_216 : i32
      %lt3A = arith.constant 0 : i32
      %lt3A_218 = arith.cmpi slt, %rem3A_215, %lt3A : i32
      %lt3A_219 = arith.constant 0 : i32
      %lt3A_220 = arith.cmpi slt, %select_n3A_214, %lt3A_219 : i32
      %ne3A_221 = arith.xori %lt3A_218, %lt3A_220 : i1
      %and3A_222 = arith.andi %ne3A_221, %ne3A_217 : i1
      %add3A_223 = arith.addi %rem3A_215, %select_n3A_214 : i32
      %select_n3A_224 = arith.select %and3A_222, %add3A_223, %rem3A_215 : i32
      %mul3A_225 = arith.constant 16 : i32
      %mul3A_226 = arith.muli %select_n3A_224, %mul3A_225 : i32
      %swap3A_227 = arith.constant 0 : i32
      %swap3A_228 = arith.index_cast %swap3A_227 : i32 to index
      %swap3A_229 = arith.index_cast %select_n3A : i32 to index
      %swap3A_230 = arith.index_cast %mul3A_226 : i32 to index
      %swap3A_231 = tpu.vector_load %arg8[%swap3A_228, %swap3A_229, %swap3A_230] {strides = array<i32>} : memref<2x128x128xf32, #tpu.memory_space<vmem>>, vector<16xf32>,
      tpu.vector_store %arg8[%swap3A_228, %swap3A_229, %swap3A_230], %broadcast_in_dim3A_1 {strides = array<i32>} : memref<2x128x128xf32, #tpu.memory_space<vmem>>, vector<16xf32>,
    }
    %scan3A_6 = arith.constant 1024 : i32
    %mul3A_7 = arith.constant 632 : i32
    %mul3A_8 = arith.muli %arg1, %mul3A_7 : i32
    %add3A_9 = arith.constant 0 : i32
    %add3A_10 = arith.addi %mul3A_8, %add3A_9 : i32
    %run_scoped3A = arith.constant 0 : i32
    "tpu.region"() ({
      %run_scoped3A_193 = tpu.sem_alloc : memref<!tpu.dma_semaphore, #tpu.memory_space<semaphore_mem>>
      %dma_start3A_194 = arith.constant 0 : i32
      %dma_start3A_195 = arith.constant 0 : i32
      %dma_start3A_196 = tpu.memref_slice %arg8[%run_scoped3A, %dma_start3A_194, %dma_start3A_195] : memref<2x128x128xf32, #tpu.memory_space<vmem>> -> memref<1x128x128xf32, #tpu.memory_space<vmem>>
      %dma_start3A_197 = tpu.memref_squeeze %dma_start3A_196 : memref<1x128x128xf32, #tpu.memory_space<vmem>> -> memref<128x128xf32, #tpu.memory_space<vmem>>
      %dma_start3A_198 = arith.constant 0 : i32
      %dma_start3A_199 = tpu.memref_slice %arg9[%add3A_10, %dma_start3A_198] : memref<10112x128xf32, #tpu.memory_space<vmem_shared>> -> memref<128x128xf32, #tpu.memory_space<vmem_shared>>
      %dma_start3A_200 = arith.constant 0 : i32
      %dma_start3A_201 = tpu.memref_slice %arg9[%add3A_10, %dma_start3A_200] : memref<10112x128xf32, #tpu.memory_space<vmem_shared>> -> memref<128x128xf32, #tpu.memory_space<vmem_shared>>
      %dma_start3A_202 = arith.constant 0 : i32
      %dma_start3A_203 = arith.constant 0 : i32
      %dma_start3A_204 = tpu.memref_slice %arg8[%run_scoped3A, %dma_start3A_202, %dma_start3A_203] : memref<2x128x128xf32, #tpu.memory_space<vmem>> -> memref<1x128x128xf32, #tpu.memory_space<vmem>>
      %dma_start3A_205 = tpu.memref_squeeze %dma_start3A_204 : memref<1x128x128xf32, #tpu.memory_space<vmem>> -> memref<128x128xf32, #tpu.memory_space<vmem>>
      tpu.enqueue_dma source(%dma_start3A_205 : memref<128x128xf32, #tpu.memory_space<vmem>>) target(%dma_start3A_201 : memref<128x128xf32, #tpu.memory_space<vmem_shared>>) target_semaphore(%run_scoped3A_193 : memref<!tpu.dma_semaphore, #tpu.memory_space<semaphore_mem>>)
      %dma_wait3A = arith.constant 0 : i32
      %dma_wait3A_206 = arith.constant 0 : i32
      %dma_wait3A_207 = tpu.memref_slice %arg8[%run_scoped3A, %dma_wait3A, %dma_wait3A_206] : memref<2x128x128xf32, #tpu.memory_space<vmem>> -> memref<1x128x128xf32, #tpu.memory_space<vmem>>
      %dma_wait3A_208 = tpu.memref_squeeze %dma_wait3A_207 : memref<1x128x128xf32, #tpu.memory_space<vmem>> -> memref<128x128xf32, #tpu.memory_space<vmem>>
      %dma_wait3A_209 = arith.constant 0 : i32
      %dma_wait3A_210 = tpu.memref_slice %arg9[%add3A_10, %dma_wait3A_209] : memref<10112x128xf32, #tpu.memory_space<vmem_shared>> -> memref<128x128xf32, #tpu.memory_space<vmem_shared>>
      %dma_wait3A_211 = arith.constant 0 : i32
      %dma_wait3A_212 = tpu.memref_slice %arg9[%add3A_10, %dma_wait3A_211] : memref<10112x128xf32, #tpu.memory_space<vmem_shared>> -> memref<128x128xf32, #tpu.memory_space<vmem_shared>>
      %dma_wait3A_213 = arith.constant 0 : i32
      %dma_wait3A_214 = arith.constant 0 : i32
      %dma_wait3A_215 = tpu.memref_slice %arg8[%run_scoped3A, %dma_wait3A_213, %dma_wait3A_214] : memref<2x128x128xf32, #tpu.memory_space<vmem>> -> memref<1x128x128xf32, #tpu.memory_space<vmem>>
      %dma_wait3A_216 = tpu.memref_squeeze %dma_wait3A_215 : memref<1x128x128xf32, #tpu.memory_space<vmem>> -> memref<128x128xf32, #tpu.memory_space<vmem>>
      tpu.wait_dma2 semaphore(%run_scoped3A_193 : memref<!tpu.dma_semaphore, #tpu.memory_space<semaphore_mem>>) src(%dma_wait3A_216 : memref<128x128xf32, #tpu.memory_space<vmem>>) dst(%dma_wait3A_212 : memref<128x128xf32, #tpu.memory_space<vmem_shared>>)
      tpu.yield
    }) : () -> ()
    %mul3A_11 = arith.constant 632 : i32
    %mul3A_12 = arith.muli %arg1, %mul3A_11 : i32
    %add3A_13 = arith.constant 128 : i32
    %add3A_14 = arith.addi %mul3A_12, %add3A_13 : i32
    %run_scoped3A_15 = arith.constant 0 : i32
    "tpu.region"() ({
      %run_scoped3A_193 = tpu.sem_alloc : memref<!tpu.dma_semaphore, #tpu.memory_space<semaphore_mem>>
      %dma_start3A_194 = arith.constant 0 : i32
      %dma_start3A_195 = arith.constant 0 : i32
      %dma_start3A_196 = tpu.memref_slice %arg8[%run_scoped3A_15, %dma_start3A_194, %dma_start3A_195] : memref<2x128x128xf32, #tpu.memory_space<vmem>> -> memref<1x128x128xf32, #tpu.memory_space<vmem>>
      %dma_start3A_197 = tpu.memref_squeeze %dma_start3A_196 : memref<1x128x128xf32, #tpu.memory_space<vmem>> -> memref<128x128xf32, #tpu.memory_space<vmem>>
      %dma_start3A_198 = arith.constant 0 : i32
      %dma_start3A_199 = tpu.memref_slice %arg9[%add3A_14, %dma_start3A_198] : memref<10112x128xf32, #tpu.memory_space<vmem_shared>> -> memref<128x128xf32, #tpu.memory_space<vmem_shared>>
      %dma_start3A_200 = arith.constant 0 : i32
      %dma_start3A_201 = tpu.memref_slice %arg9[%add3A_14, %dma_start3A_200] : memref<10112x128xf32, #tpu.memory_space<vmem_shared>> -> memref<128x128xf32, #tpu.memory_space<vmem_shared>>
      %dma_start3A_202 = arith.constant 0 : i32
      %dma_start3A_203 = arith.constant 0 : i32
      %dma_start3A_204 = tpu.memref_slice %arg8[%run_scoped3A_15, %dma_start3A_202, %dma_start3A_203] : memref<2x128x128xf32, #tpu.memory_space<vmem>> -> memref<1x128x128xf32, #tpu.memory_space<vmem>>
      %dma_start3A_205 = tpu.memref_squeeze %dma_start3A_204 : memref<1x128x128xf32, #tpu.memory_space<vmem>> -> memref<128x128xf32, #tpu.memory_space<vmem>>
      tpu.enqueue_dma source(%dma_start3A_205 : memref<128x128xf32, #tpu.memory_space<vmem>>) target(%dma_start3A_201 : memref<128x128xf32, #tpu.memory_space<vmem_shared>>) target_semaphore(%run_scoped3A_193 : memref<!tpu.dma_semaphore, #tpu.memory_space<semaphore_mem>>)
      %dma_wait3A = arith.constant 0 : i32
      %dma_wait3A_206 = arith.constant 0 : i32
      %dma_wait3A_207 = tpu.memref_slice %arg8[%run_scoped3A_15, %dma_wait3A, %dma_wait3A_206] : memref<2x128x128xf32, #tpu.memory_space<vmem>> -> memref<1x128x128xf32, #tpu.memory_space<vmem>>
      %dma_wait3A_208 = tpu.memref_squeeze %dma_wait3A_207 : memref<1x128x128xf32, #tpu.memory_space<vmem>> -> memref<128x128xf32, #tpu.memory_space<vmem>>
      %dma_wait3A_209 = arith.constant 0 : i32
      %dma_wait3A_210 = tpu.memref_slice %arg9[%add3A_14, %dma_wait3A_209] : memref<10112x128xf32, #tpu.memory_space<vmem_shared>> -> memref<128x128xf32, #tpu.memory_space<vmem_shared>>
      %dma_wait3A_211 = arith.constant 0 : i32
      %dma_wait3A_212 = tpu.memref_slice %arg9[%add3A_14, %dma_wait3A_211] : memref<10112x128xf32, #tpu.memory_space<vmem_shared>> -> memref<128x128xf32, #tpu.memory_space<vmem_shared>>
      %dma_wait3A_213 = arith.constant 0 : i32
      %dma_wait3A_214 = arith.constant 0 : i32
      %dma_wait3A_215 = tpu.memref_slice %arg8[%run_scoped3A_15, %dma_wait3A_213, %dma_wait3A_214] : memref<2x128x128xf32, #tpu.memory_space<vmem>> -> memref<1x128x128xf32, #tpu.memory_space<vmem>>
      %dma_wait3A_216 = tpu.memref_squeeze %dma_wait3A_215 : memref<1x128x128xf32, #tpu.memory_space<vmem>> -> memref<128x128xf32, #tpu.memory_space<vmem>>
      tpu.wait_dma2 semaphore(%run_scoped3A_193 : memref<!tpu.dma_semaphore, #tpu.memory_space<semaphore_mem>>) src(%dma_wait3A_216 : memref<128x128xf32, #tpu.memory_space<vmem>>) dst(%dma_wait3A_212 : memref<128x128xf32, #tpu.memory_space<vmem_shared>>)
      tpu.yield
    }) : () -> ()
    %mul3A_16 = arith.constant 632 : i32
    %mul3A_17 = arith.muli %arg1, %mul3A_16 : i32
    %add3A_18 = arith.constant 256 : i32
    %add3A_19 = arith.addi %mul3A_17, %add3A_18 : i32
    %run_scoped3A_20 = arith.constant 0 : i32
    "tpu.region"() ({
      %run_scoped3A_193 = tpu.sem_alloc : memref<!tpu.dma_semaphore, #tpu.memory_space<semaphore_mem>>
      %dma_start3A_194 = arith.constant 0 : i32
      %dma_start3A_195 = arith.constant 0 : i32
      %dma_start3A_196 = tpu.memref_slice %arg8[%run_scoped3A_20, %dma_start3A_194, %dma_start3A_195] : memref<2x128x128xf32, #tpu.memory_space<vmem>> -> memref<1x128x128xf32, #tpu.memory_space<vmem>>
      %dma_start3A_197 = tpu.memref_squeeze %dma_start3A_196 : memref<1x128x128xf32, #tpu.memory_space<vmem>> -> memref<128x128xf32, #tpu.memory_space<vmem>>
      %dma_start3A_198 = arith.constant 0 : i32
      %dma_start3A_199 = tpu.memref_slice %arg9[%add3A_19, %dma_start3A_198] : memref<10112x128xf32, #tpu.memory_space<vmem_shared>> -> memref<128x128xf32, #tpu.memory_space<vmem_shared>>
      %dma_start3A_200 = arith.constant 0 : i32
      %dma_start3A_201 = tpu.memref_slice %arg9[%add3A_19, %dma_start3A_200] : memref<10112x128xf32, #tpu.memory_space<vmem_shared>> -> memref<128x128xf32, #tpu.memory_space<vmem_shared>>
      %dma_start3A_202 = arith.constant 0 : i32
      %dma_start3A_203 = arith.constant 0 : i32
      %dma_start3A_204 = tpu.memref_slice %arg8[%run_scoped3A_20, %dma_start3A_202, %dma_start3A_203] : memref<2x128x128xf32, #tpu.memory_space<vmem>> -> memref<1x128x128xf32, #tpu.memory_space<vmem>>
      %dma_start3A_205 = tpu.memref_squeeze %dma_start3A_204 : memref<1x128x128xf32, #tpu.memory_space<vmem>> -> memref<128x128xf32, #tpu.memory_space<vmem>>
      tpu.enqueue_dma source(%dma_start3A_205 : memref<128x128xf32, #tpu.memory_space<vmem>>) target(%dma_start3A_201 : memref<128x128xf32, #tpu.memory_space<vmem_shared>>) target_semaphore(%run_scoped3A_193 : memref<!tpu.dma_semaphore, #tpu.memory_space<semaphore_mem>>)
      %dma_wait3A = arith.constant 0 : i32
      %dma_wait3A_206 = arith.constant 0 : i32
      %dma_wait3A_207 = tpu.memref_slice %arg8[%run_scoped3A_20, %dma_wait3A, %dma_wait3A_206] : memref<2x128x128xf32, #tpu.memory_space<vmem>> -> memref<1x128x128xf32, #tpu.memory_space<vmem>>
      %dma_wait3A_208 = tpu.memref_squeeze %dma_wait3A_207 : memref<1x128x128xf32, #tpu.memory_space<vmem>> -> memref<128x128xf32, #tpu.memory_space<vmem>>
      %dma_wait3A_209 = arith.constant 0 : i32
      %dma_wait3A_210 = tpu.memref_slice %arg9[%add3A_19, %dma_wait3A_209] : memref<10112x128xf32, #tpu.memory_space<vmem_shared>> -> memref<128x128xf32, #tpu.memory_space<vmem_shared>>
      %dma_wait3A_211 = arith.constant 0 : i32
      %dma_wait3A_212 = tpu.memref_slice %arg9[%add3A_19, %dma_wait3A_211] : memref<10112x128xf32, #tpu.memory_space<vmem_shared>> -> memref<128x128xf32, #tpu.memory_space<vmem_shared>>
      %dma_wait3A_213 = arith.constant 0 : i32
      %dma_wait3A_214 = arith.constant 0 : i32
      %dma_wait3A_215 = tpu.memref_slice %arg8[%run_scoped3A_20, %dma_wait3A_213, %dma_wait3A_214] : memref<2x128x128xf32, #tpu.memory_space<vmem>> -> memref<1x128x128xf32, #tpu.memory_space<vmem>>
      %dma_wait3A_216 = tpu.memref_squeeze %dma_wait3A_215 : memref<1x128x128xf32, #tpu.memory_space<vmem>> -> memref<128x128xf32, #tpu.memory_space<vmem>>
      tpu.wait_dma2 semaphore(%run_scoped3A_193 : memref<!tpu.dma_semaphore, #tpu.memory_space<semaphore_mem>>) src(%dma_wait3A_216 : memref<128x128xf32, #tpu.memory_space<vmem>>) dst(%dma_wait3A_212 : memref<128x128xf32, #tpu.memory_space<vmem_shared>>)
      tpu.yield
    }) : () -> ()
    %mul3A_21 = arith.constant 632 : i32
    %mul3A_22 = arith.muli %arg1, %mul3A_21 : i32
    %add3A_23 = arith.constant 384 : i32
    %add3A_24 = arith.addi %mul3A_22, %add3A_23 : i32
    %run_scoped3A_25 = arith.constant 0 : i32
    "tpu.region"() ({
      %run_scoped3A_193 = tpu.sem_alloc : memref<!tpu.dma_semaphore, #tpu.memory_space<semaphore_mem>>
      %dma_start3A_194 = arith.constant 0 : i32
      %dma_start3A_195 = arith.constant 0 : i32
      %dma_start3A_196 = tpu.memref_slice %arg8[%run_scoped3A_25, %dma_start3A_194, %dma_start3A_195] : memref<2x128x128xf32, #tpu.memory_space<vmem>> -> memref<1x128x128xf32, #tpu.memory_space<vmem>>
      %dma_start3A_197 = tpu.memref_squeeze %dma_start3A_196 : memref<1x128x128xf32, #tpu.memory_space<vmem>> -> memref<128x128xf32, #tpu.memory_space<vmem>>
      %dma_start3A_198 = arith.constant 0 : i32
      %dma_start3A_199 = tpu.memref_slice %arg9[%add3A_24, %dma_start3A_198] : memref<10112x128xf32, #tpu.memory_space<vmem_shared>> -> memref<128x128xf32, #tpu.memory_space<vmem_shared>>
      %dma_start3A_200 = arith.constant 0 : i32
      %dma_start3A_201 = tpu.memref_slice %arg9[%add3A_24, %dma_start3A_200] : memref<10112x128xf32, #tpu.memory_space<vmem_shared>> -> memref<128x128xf32, #tpu.memory_space<vmem_shared>>
      %dma_start3A_202 = arith.constant 0 : i32
      %dma_start3A_203 = arith.constant 0 : i32
      %dma_start3A_204 = tpu.memref_slice %arg8[%run_scoped3A_25, %dma_start3A_202, %dma_start3A_203] : memref<2x128x128xf32, #tpu.memory_space<vmem>> -> memref<1x128x128xf32, #tpu.memory_space<vmem>>
      %dma_start3A_205 = tpu.memref_squeeze %dma_start3A_204 : memref<1x128x128xf32, #tpu.memory_space<vmem>> -> memref<128x128xf32, #tpu.memory_space<vmem>>
      tpu.enqueue_dma source(%dma_start3A_205 : memref<128x128xf32, #tpu.memory_space<vmem>>) target(%dma_start3A_201 : memref<128x128xf32, #tpu.memory_space<vmem_shared>>) target_semaphore(%run_scoped3A_193 : memref<!tpu.dma_semaphore, #tpu.memory_space<semaphore_mem>>)
      %dma_wait3A = arith.constant 0 : i32
      %dma_wait3A_206 = arith.constant 0 : i32
      %dma_wait3A_207 = tpu.memref_slice %arg8[%run_scoped3A_25, %dma_wait3A, %dma_wait3A_206] : memref<2x128x128xf32, #tpu.memory_space<vmem>> -> memref<1x128x128xf32, #tpu.memory_space<vmem>>
      %dma_wait3A_208 = tpu.memref_squeeze %dma_wait3A_207 : memref<1x128x128xf32, #tpu.memory_space<vmem>> -> memref<128x128xf32, #tpu.memory_space<vmem>>
      %dma_wait3A_209 = arith.constant 0 : i32
      %dma_wait3A_210 = tpu.memref_slice %arg9[%add3A_24, %dma_wait3A_209] : memref<10112x128xf32, #tpu.memory_space<vmem_shared>> -> memref<128x128xf32, #tpu.memory_space<vmem_shared>>
      %dma_wait3A_211 = arith.constant 0 : i32
      %dma_wait3A_212 = tpu.memref_slice %arg9[%add3A_24, %dma_wait3A_211] : memref<10112x128xf32, #tpu.memory_space<vmem_shared>> -> memref<128x128xf32, #tpu.memory_space<vmem_shared>>
      %dma_wait3A_213 = arith.constant 0 : i32
      %dma_wait3A_214 = arith.constant 0 : i32
      %dma_wait3A_215 = tpu.memref_slice %arg8[%run_scoped3A_25, %dma_wait3A_213, %dma_wait3A_214] : memref<2x128x128xf32, #tpu.memory_space<vmem>> -> memref<1x128x128xf32, #tpu.memory_space<vmem>>
      %dma_wait3A_216 = tpu.memref_squeeze %dma_wait3A_215 : memref<1x128x128xf32, #tpu.memory_space<vmem>> -> memref<128x128xf32, #tpu.memory_space<vmem>>
      tpu.wait_dma2 semaphore(%run_scoped3A_193 : memref<!tpu.dma_semaphore, #tpu.memory_space<semaphore_mem>>) src(%dma_wait3A_216 : memref<128x128xf32, #tpu.memory_space<vmem>>) dst(%dma_wait3A_212 : memref<128x128xf32, #tpu.memory_space<vmem_shared>>)
      tpu.yield
    }) : () -> ()
    %mul3A_26 = arith.constant 632 : i32
    %mul3A_27 = arith.muli %arg1, %mul3A_26 : i32
    %add3A_28 = arith.constant 512 : i32
    %add3A_29 = arith.addi %mul3A_27, %add3A_28 : i32
    %run_scoped3A_30 = arith.constant 0 : i32
    "tpu.region"() ({
      %run_scoped3A_193 = tpu.sem_alloc : memref<!tpu.dma_semaphore, #tpu.memory_space<semaphore_mem>>
      %dma_start3A_194 = arith.constant 0 : i32
      %dma_start3A_195 = arith.constant 0 : i32
      %dma_start3A_196 = tpu.memref_slice %arg8[%run_scoped3A_30, %dma_start3A_194, %dma_start3A_195] : memref<2x128x128xf32, #tpu.memory_space<vmem>> -> memref<1x128x128xf32, #tpu.memory_space<vmem>>
      %dma_start3A_197 = tpu.memref_squeeze %dma_start3A_196 : memref<1x128x128xf32, #tpu.memory_space<vmem>> -> memref<128x128xf32, #tpu.memory_space<vmem>>
      %dma_start3A_198 = arith.constant 0 : i32
      %dma_start3A_199 = arith.constant 0 : i32
      %dma_start3A_200 = tpu.memref_slice %dma_start3A_197[%dma_start3A_198, %dma_start3A_199] : memref<128x128xf32, #tpu.memory_space<vmem>> -> memref<120x128xf32, #tpu.memory_space<vmem>>
      %dma_start3A_201 = arith.constant 0 : i32
      %dma_start3A_202 = tpu.memref_slice %arg9[%add3A_29, %dma_start3A_201] : memref<10112x128xf32, #tpu.memory_space<vmem_shared>> -> memref<120x128xf32, #tpu.memory_space<vmem_shared>>
      %dma_start3A_203 = arith.constant 0 : i32
      %dma_start3A_204 = tpu.memref_slice %arg9[%add3A_29, %dma_start3A_203] : memref<10112x128xf32, #tpu.memory_space<vmem_shared>> -> memref<120x128xf32, #tpu.memory_space<vmem_shared>>
      %dma_start3A_205 = arith.constant 0 : i32
      %dma_start3A_206 = arith.constant 0 : i32
      %dma_start3A_207 = tpu.memref_slice %arg8[%run_scoped3A_30, %dma_start3A_205, %dma_start3A_206] : memref<2x128x128xf32, #tpu.memory_space<vmem>> -> memref<1x128x128xf32, #tpu.memory_space<vmem>>
      %dma_start3A_208 = tpu.memref_squeeze %dma_start3A_207 : memref<1x128x128xf32, #tpu.memory_space<vmem>> -> memref<128x128xf32, #tpu.memory_space<vmem>>
      %dma_start3A_209 = arith.constant 0 : i32
      %dma_start3A_210 = arith.constant 0 : i32
      %dma_start3A_211 = tpu.memref_slice %dma_start3A_208[%dma_start3A_209, %dma_start3A_210] : memref<128x128xf32, #tpu.memory_space<vmem>> -> memref<120x128xf32, #tpu.memory_space<vmem>>
      tpu.enqueue_dma source(%dma_start3A_211 : memref<120x128xf32, #tpu.memory_space<vmem>>) target(%dma_start3A_204 : memref<120x128xf32, #tpu.memory_space<vmem_shared>>) target_semaphore(%run_scoped3A_193 : memref<!tpu.dma_semaphore, #tpu.memory_space<semaphore_mem>>)
      %dma_wait3A = arith.constant 0 : i32
      %dma_wait3A_212 = arith.constant 0 : i32
      %dma_wait3A_213 = tpu.memref_slice %arg8[%run_scoped3A_30, %dma_wait3A, %dma_wait3A_212] : memref<2x128x128xf32, #tpu.memory_space<vmem>> -> memref<1x128x128xf32, #tpu.memory_space<vmem>>
      %dma_wait3A_214 = tpu.memref_squeeze %dma_wait3A_213 : memref<1x128x128xf32, #tpu.memory_space<vmem>> -> memref<128x128xf32, #tpu.memory_space<vmem>>
      %dma_wait3A_215 = arith.constant 0 : i32
      %dma_wait3A_216 = arith.constant 0 : i32
      %dma_wait3A_217 = tpu.memref_slice %dma_wait3A_214[%dma_wait3A_215, %dma_wait3A_216] : memref<128x128xf32, #tpu.memory_space<vmem>> -> memref<120x128xf32, #tpu.memory_space<vmem>>
      %dma_wait3A_218 = arith.constant 0 : i32
      %dma_wait3A_219 = tpu.memref_slice %arg9[%add3A_29, %dma_wait3A_218] : memref<10112x128xf32, #tpu.memory_space<vmem_shared>> -> memref<120x128xf32, #tpu.memory_space<vmem_shared>>
      %dma_wait3A_220 = arith.constant 0 : i32
      %dma_wait3A_221 = tpu.memref_slice %arg9[%add3A_29, %dma_wait3A_220] : memref<10112x128xf32, #tpu.memory_space<vmem_shared>> -> memref<120x128xf32, #tpu.memory_space<vmem_shared>>
      %dma_wait3A_222 = arith.constant 0 : i32
      %dma_wait3A_223 = arith.constant 0 : i32
      %dma_wait3A_224 = tpu.memref_slice %arg8[%run_scoped3A_30, %dma_wait3A_222, %dma_wait3A_223] : memref<2x128x128xf32, #tpu.memory_space<vmem>> -> memref<1x128x128xf32, #tpu.memory_space<vmem>>
      %dma_wait3A_225 = tpu.memref_squeeze %dma_wait3A_224 : memref<1x128x128xf32, #tpu.memory_space<vmem>> -> memref<128x128xf32, #tpu.memory_space<vmem>>
      %dma_wait3A_226 = arith.constant 0 : i32
      %dma_wait3A_227 = arith.constant 0 : i32
      %dma_wait3A_228 = tpu.memref_slice %dma_wait3A_225[%dma_wait3A_226, %dma_wait3A_227] : memref<128x128xf32, #tpu.memory_space<vmem>> -> memref<120x128xf32, #tpu.memory_space<vmem>>
      tpu.wait_dma2 semaphore(%run_scoped3A_193 : memref<!tpu.dma_semaphore, #tpu.memory_space<semaphore_mem>>) src(%dma_wait3A_228 : memref<120x128xf32, #tpu.memory_space<vmem>>) dst(%dma_wait3A_221 : memref<120x128xf32, #tpu.memory_space<vmem_shared>>)
      tpu.yield
    }) : () -> ()
    %get3A = arith.constant 0 : i32
    %get3A_31 = arith.index_cast %get3A : i32 to index
    %get3A_32 = arith.constant 0 : index
    %get3A_33 = tpu.vector_load %arg5[%get3A_31, %get3A_32] {strides = array<i32>} : memref<80x128xi32, #tpu.memory_space<vmem>>, vector<16xi32>,
    %and3A = arith.constant 65535 : i32
    %and3A_34 = vector.broadcast %and3A : i32 to vector<16xi32>
    %and3A_35 = arith.andi %get3A_33, %and3A_34 : vector<16xi32>
    %swap3A = arith.constant 0 : i32
    %swap3A_36 = arith.index_cast %swap3A : i32 to index
    %swap3A_37 = arith.constant 0 : index
    %swap3A_38 = tpu.vector_load %arg6[%swap3A_36, %swap3A_37] {strides = array<i32>} : memref<2x128xi32, #tpu.memory_space<vmem>>, vector<16xi32>,
    tpu.vector_store %arg6[%swap3A_36, %swap3A_37], %and3A_35 {strides = array<i32>} : memref<2x128xi32, #tpu.memory_space<vmem>>, vector<16xi32>,
    %shift_right_logical3A = arith.constant 16 : i32
    %shift_right_logical3A_39 = vector.broadcast %shift_right_logical3A : i32 to vector<16xi32>
    %shift_right_logical3A_40 = arith.shrui %get3A_33, %shift_right_logical3A_39 : vector<16xi32>
    %swap3A_41 = arith.constant 0 : i32
    %swap3A_42 = arith.index_cast %swap3A_41 : i32 to index
    %swap3A_43 = arith.constant 0 : index
    %swap3A_44 = tpu.vector_load %arg7[%swap3A_42, %swap3A_43] {strides = array<i32>} : memref<2x128xi32, #tpu.memory_space<vmem>>, vector<16xi32>,
    tpu.vector_store %arg7[%swap3A_42, %swap3A_43], %shift_right_logical3A_40 {strides = array<i32>} : memref<2x128xi32, #tpu.memory_space<vmem>>, vector<16xi32>,
    %get3A_45 = arith.constant 0 : i32
    %get3A_46 = arith.index_cast %get3A_45 : i32 to index
    %get3A_47 = arith.constant 16 : index
    %get3A_48 = tpu.vector_load %arg5[%get3A_46, %get3A_47] {strides = array<i32>} : memref<80x128xi32, #tpu.memory_space<vmem>>, vector<16xi32>,
    %and3A_49 = arith.constant 65535 : i32
    %and3A_50 = vector.broadcast %and3A_49 : i32 to vector<16xi32>
    %and3A_51 = arith.andi %get3A_48, %and3A_50 : vector<16xi32>
    %swap3A_52 = arith.constant 0 : i32
    %swap3A_53 = arith.index_cast %swap3A_52 : i32 to index
    %swap3A_54 = arith.constant 16 : index
    %swap3A_55 = tpu.vector_load %arg6[%swap3A_53, %swap3A_54] {strides = array<i32>} : memref<2x128xi32, #tpu.memory_space<vmem>>, vector<16xi32>,
    tpu.vector_store %arg6[%swap3A_53, %swap3A_54], %and3A_51 {strides = array<i32>} : memref<2x128xi32, #tpu.memory_space<vmem>>, vector<16xi32>,
    %shift_right_logical3A_56 = arith.constant 16 : i32
    %shift_right_logical3A_57 = vector.broadcast %shift_right_logical3A_56 : i32 to vector<16xi32>
    %shift_right_logical3A_58 = arith.shrui %get3A_48, %shift_right_logical3A_57 : vector<16xi32>
    %swap3A_59 = arith.constant 0 : i32
    %swap3A_60 = arith.index_cast %swap3A_59 : i32 to index
    %swap3A_61 = arith.constant 16 : index
    %swap3A_62 = tpu.vector_load %arg7[%swap3A_60, %swap3A_61] {strides = array<i32>} : memref<2x128xi32, #tpu.memory_space<vmem>>, vector<16xi32>,
    tpu.vector_store %arg7[%swap3A_60, %swap3A_61], %shift_right_logical3A_58 {strides = array<i32>} : memref<2x128xi32, #tpu.memory_space<vmem>>, vector<16xi32>,
    %get3A_63 = arith.constant 0 : i32
    %get3A_64 = arith.index_cast %get3A_63 : i32 to index
    %get3A_65 = arith.constant 32 : index
    %get3A_66 = tpu.vector_load %arg5[%get3A_64, %get3A_65] {strides = array<i32>} : memref<80x128xi32, #tpu.memory_space<vmem>>, vector<16xi32>,
    %and3A_67 = arith.constant 65535 : i32
    %and3A_68 = vector.broadcast %and3A_67 : i32 to vector<16xi32>
    %and3A_69 = arith.andi %get3A_66, %and3A_68 : vector<16xi32>
    %swap3A_70 = arith.constant 0 : i32
    %swap3A_71 = arith.index_cast %swap3A_70 : i32 to index
    %swap3A_72 = arith.constant 32 : index
    %swap3A_73 = tpu.vector_load %arg6[%swap3A_71, %swap3A_72] {strides = array<i32>} : memref<2x128xi32, #tpu.memory_space<vmem>>, vector<16xi32>,
    tpu.vector_store %arg6[%swap3A_71, %swap3A_72], %and3A_69 {strides = array<i32>} : memref<2x128xi32, #tpu.memory_space<vmem>>, vector<16xi32>,
    %shift_right_logical3A_74 = arith.constant 16 : i32
    %shift_right_logical3A_75 = vector.broadcast %shift_right_logical3A_74 : i32 to vector<16xi32>
    %shift_right_logical3A_76 = arith.shrui %get3A_66, %shift_right_logical3A_75 : vector<16xi32>
    %swap3A_77 = arith.constant 0 : i32
    %swap3A_78 = arith.index_cast %swap3A_77 : i32 to index
    %swap3A_79 = arith.constant 32 : index
    %swap3A_80 = tpu.vector_load %arg7[%swap3A_78, %swap3A_79] {strides = array<i32>} : memref<2x128xi32, #tpu.memory_space<vmem>>, vector<16xi32>,
    tpu.vector_store %arg7[%swap3A_78, %swap3A_79], %shift_right_logical3A_76 {strides = array<i32>} : memref<2x128xi32, #tpu.memory_space<vmem>>, vector<16xi32>,
    %get3A_81 = arith.constant 0 : i32
    %get3A_82 = arith.index_cast %get3A_81 : i32 to index
    %get3A_83 = arith.constant 48 : index
    %get3A_84 = tpu.vector_load %arg5[%get3A_82, %get3A_83] {strides = array<i32>} : memref<80x128xi32, #tpu.memory_space<vmem>>, vector<16xi32>,
    %and3A_85 = arith.constant 65535 : i32
    %and3A_86 = vector.broadcast %and3A_85 : i32 to vector<16xi32>
    %and3A_87 = arith.andi %get3A_84, %and3A_86 : vector<16xi32>
    %swap3A_88 = arith.constant 0 : i32
    %swap3A_89 = arith.index_cast %swap3A_88 : i32 to index
    %swap3A_90 = arith.constant 48 : index
    %swap3A_91 = tpu.vector_load %arg6[%swap3A_89, %swap3A_90] {strides = array<i32>} : memref<2x128xi32, #tpu.memory_space<vmem>>, vector<16xi32>,
    tpu.vector_store %arg6[%swap3A_89, %swap3A_90], %and3A_87 {strides = array<i32>} : memref<2x128xi32, #tpu.memory_space<vmem>>, vector<16xi32>,
    %shift_right_logical3A_92 = arith.constant 16 : i32
    %shift_right_logical3A_93 = vector.broadcast %shift_right_logical3A_92 : i32 to vector<16xi32>
    %shift_right_logical3A_94 = arith.shrui %get3A_84, %shift_right_logical3A_93 : vector<16xi32>
    %swap3A_95 = arith.constant 0 : i32
    %swap3A_96 = arith.index_cast %swap3A_95 : i32 to index
    %swap3A_97 = arith.constant 48 : index
    %swap3A_98 = tpu.vector_load %arg7[%swap3A_96, %swap3A_97] {strides = array<i32>} : memref<2x128xi32, #tpu.memory_space<vmem>>, vector<16xi32>,
    tpu.vector_store %arg7[%swap3A_96, %swap3A_97], %shift_right_logical3A_94 {strides = array<i32>} : memref<2x128xi32, #tpu.memory_space<vmem>>, vector<16xi32>,
    %get3A_99 = arith.constant 0 : i32
    %get3A_100 = arith.index_cast %get3A_99 : i32 to index
    %get3A_101 = arith.constant 64 : index
    %get3A_102 = tpu.vector_load %arg5[%get3A_100, %get3A_101] {strides = array<i32>} : memref<80x128xi32, #tpu.memory_space<vmem>>, vector<16xi32>,
    %and3A_103 = arith.constant 65535 : i32
    %and3A_104 = vector.broadcast %and3A_103 : i32 to vector<16xi32>
    %and3A_105 = arith.andi %get3A_102, %and3A_104 : vector<16xi32>
    %swap3A_106 = arith.constant 0 : i32
    %swap3A_107 = arith.index_cast %swap3A_106 : i32 to index
    %swap3A_108 = arith.constant 64 : index
    %swap3A_109 = tpu.vector_load %arg6[%swap3A_107, %swap3A_108] {strides = array<i32>} : memref<2x128xi32, #tpu.memory_space<vmem>>, vector<16xi32>,
    tpu.vector_store %arg6[%swap3A_107, %swap3A_108], %and3A_105 {strides = array<i32>} : memref<2x128xi32, #tpu.memory_space<vmem>>, vector<16xi32>,
    %shift_right_logical3A_110 = arith.constant 16 : i32
    %shift_right_logical3A_111 = vector.broadcast %shift_right_logical3A_110 : i32 to vector<16xi32>
    %shift_right_logical3A_112 = arith.shrui %get3A_102, %shift_right_logical3A_111 : vector<16xi32>
    %swap3A_113 = arith.constant 0 : i32
    %swap3A_114 = arith.index_cast %swap3A_113 : i32 to index
    %swap3A_115 = arith.constant 64 : index
    %swap3A_116 = tpu.vector_load %arg7[%swap3A_114, %swap3A_115] {strides = array<i32>} : memref<2x128xi32, #tpu.memory_space<vmem>>, vector<16xi32>,
    tpu.vector_store %arg7[%swap3A_114, %swap3A_115], %shift_right_logical3A_112 {strides = array<i32>} : memref<2x128xi32, #tpu.memory_space<vmem>>, vector<16xi32>,
    %get3A_117 = arith.constant 0 : i32
    %get3A_118 = arith.index_cast %get3A_117 : i32 to index
    %get3A_119 = arith.constant 80 : index
    %get3A_120 = tpu.vector_load %arg5[%get3A_118, %get3A_119] {strides = array<i32>} : memref<80x128xi32, #tpu.memory_space<vmem>>, vector<16xi32>,
    %and3A_121 = arith.constant 65535 : i32
    %and3A_122 = vector.broadcast %and3A_121 : i32 to vector<16xi32>
    %and3A_123 = arith.andi %get3A_120, %and3A_122 : vector<16xi32>
    %swap3A_124 = arith.constant 0 : i32
    %swap3A_125 = arith.index_cast %swap3A_124 : i32 to index
    %swap3A_126 = arith.constant 80 : index
    %swap3A_127 = tpu.vector_load %arg6[%swap3A_125, %swap3A_126] {strides = array<i32>} : memref<2x128xi32, #tpu.memory_space<vmem>>, vector<16xi32>,
    tpu.vector_store %arg6[%swap3A_125, %swap3A_126], %and3A_123 {strides = array<i32>} : memref<2x128xi32, #tpu.memory_space<vmem>>, vector<16xi32>,
    %shift_right_logical3A_128 = arith.constant 16 : i32
    %shift_right_logical3A_129 = vector.broadcast %shift_right_logical3A_128 : i32 to vector<16xi32>
    %shift_right_logical3A_130 = arith.shrui %get3A_120, %shift_right_logical3A_129 : vector<16xi32>
    %swap3A_131 = arith.constant 0 : i32
    %swap3A_132 = arith.index_cast %swap3A_131 : i32 to index
    %swap3A_133 = arith.constant 80 : index
    %swap3A_134 = tpu.vector_load %arg7[%swap3A_132, %swap3A_133] {strides = array<i32>} : memref<2x128xi32, #tpu.memory_space<vmem>>, vector<16xi32>,
    tpu.vector_store %arg7[%swap3A_132, %swap3A_133], %shift_right_logical3A_130 {strides = array<i32>} : memref<2x128xi32, #tpu.memory_space<vmem>>, vector<16xi32>,
    %get3A_135 = arith.constant 0 : i32
    %get3A_136 = arith.index_cast %get3A_135 : i32 to index
    %get3A_137 = arith.constant 96 : index
    %get3A_138 = tpu.vector_load %arg5[%get3A_136, %get3A_137] {strides = array<i32>} : memref<80x128xi32, #tpu.memory_space<vmem>>, vector<16xi32>,
    %and3A_139 = arith.constant 65535 : i32
    %and3A_140 = vector.broadcast %and3A_139 : i32 to vector<16xi32>
    %and3A_141 = arith.andi %get3A_138, %and3A_140 : vector<16xi32>
    %swap3A_142 = arith.constant 0 : i32
    %swap3A_143 = arith.index_cast %swap3A_142 : i32 to index
    %swap3A_144 = arith.constant 96 : index
    %swap3A_145 = tpu.vector_load %arg6[%swap3A_143, %swap3A_144] {strides = array<i32>} : memref<2x128xi32, #tpu.memory_space<vmem>>, vector<16xi32>,
    tpu.vector_store %arg6[%swap3A_143, %swap3A_144], %and3A_141 {strides = array<i32>} : memref<2x128xi32, #tpu.memory_space<vmem>>, vector<16xi32>,
    %shift_right_logical3A_146 = arith.constant 16 : i32
    %shift_right_logical3A_147 = vector.broadcast %shift_right_logical3A_146 : i32 to vector<16xi32>
    %shift_right_logical3A_148 = arith.shrui %get3A_138, %shift_right_logical3A_147 : vector<16xi32>
    %swap3A_149 = arith.constant 0 : i32
    %swap3A_150 = arith.index_cast %swap3A_149 : i32 to index
    %swap3A_151 = arith.constant 96 : index
    %swap3A_152 = tpu.vector_load %arg7[%swap3A_150, %swap3A_151] {strides = array<i32>} : memref<2x128xi32, #tpu.memory_space<vmem>>, vector<16xi32>,
    tpu.vector_store %arg7[%swap3A_150, %swap3A_151], %shift_right_logical3A_148 {strides = array<i32>} : memref<2x128xi32, #tpu.memory_space<vmem>>, vector<16xi32>,
    %get3A_153 = arith.constant 0 : i32
    %get3A_154 = arith.index_cast %get3A_153 : i32 to index
    %get3A_155 = arith.constant 112 : index
    %get3A_156 = tpu.vector_load %arg5[%get3A_154, %get3A_155] {strides = array<i32>} : memref<80x128xi32, #tpu.memory_space<vmem>>, vector<16xi32>,
    %and3A_157 = arith.constant 65535 : i32
    %and3A_158 = vector.broadcast %and3A_157 : i32 to vector<16xi32>
    %and3A_159 = arith.andi %get3A_156, %and3A_158 : vector<16xi32>
    %swap3A_160 = arith.constant 0 : i32
    %swap3A_161 = arith.index_cast %swap3A_160 : i32 to index
    %swap3A_162 = arith.constant 112 : index
    %swap3A_163 = tpu.vector_load %arg6[%swap3A_161, %swap3A_162] {strides = array<i32>} : memref<2x128xi32, #tpu.memory_space<vmem>>, vector<16xi32>,
    tpu.vector_store %arg6[%swap3A_161, %swap3A_162], %and3A_159 {strides = array<i32>} : memref<2x128xi32, #tpu.memory_space<vmem>>, vector<16xi32>,
    %shift_right_logical3A_164 = arith.constant 16 : i32
    %shift_right_logical3A_165 = vector.broadcast %shift_right_logical3A_164 : i32 to vector<16xi32>
    %shift_right_logical3A_166 = arith.shrui %get3A_156, %shift_right_logical3A_165 : vector<16xi32>
    %swap3A_167 = arith.constant 0 : i32
    %swap3A_168 = arith.index_cast %swap3A_167 : i32 to index
    %swap3A_169 = arith.constant 112 : index
    %swap3A_170 = tpu.vector_load %arg7[%swap3A_168, %swap3A_169] {strides = array<i32>} : memref<2x128xi32, #tpu.memory_space<vmem>>, vector<16xi32>,
    tpu.vector_store %arg7[%swap3A_168, %swap3A_169], %shift_right_logical3A_166 {strides = array<i32>} : memref<2x128xi32, #tpu.memory_space<vmem>>, vector<16xi32>,
    %dma_start3A = arith.constant 0 : i32
    %dma_start3A_171 = arith.constant 0 : i32
    %dma_start3A_172 = arith.constant 0 : i32
    %dma_start3A_173 = arith.constant 0 : i32
    %dma_start3A_174 = tpu.memref_slice %arg8[%dma_start3A_171, %dma_start3A_172, %dma_start3A_173] : memref<2x128x128xf32, #tpu.memory_space<vmem>> -> memref<1x128x128xf32, #tpu.memory_space<vmem>>
    %dma_start3A_175 = tpu.memref_squeeze %dma_start3A_174 : memref<1x128x128xf32, #tpu.memory_space<vmem>> -> memref<128x128xf32, #tpu.memory_space<vmem>>
    %dma_start3A_176 = arith.constant 0 : i32
    %dma_start3A_177 = tpu.memref_slice %arg6[%dma_start3A, %dma_start3A_176] : memref<2x128xi32, #tpu.memory_space<vmem>> -> memref<1x128xi32, #tpu.memory_space<vmem>>
    %dma_start3A_178 = tpu.memref_squeeze %dma_start3A_177 : memref<1x128xi32, #tpu.memory_space<vmem>> -> memref<128xi32, #tpu.memory_space<vmem>>
    %dma_start3A_179 = arith.constant 0 : i32
    %dma_start3A_180 = arith.constant 0 : i32
    %dma_start3A_181 = tpu.memref_slice %arg2[%dma_start3A_179, %dma_start3A_180] : memref<10112x128xf32, #tpu.memory_space<hbm>> -> memref<10112x128xf32, #tpu.memory_space<hbm>>
    tpu.enqueue_indirect_dma source(%dma_start3A_181 : memref<10112x128xf32, #tpu.memory_space<hbm>>) target(%dma_start3A_175 : memref<128x128xf32, #tpu.memory_space<vmem>>) offsets(%dma_start3A_178 : memref<128xi32, #tpu.memory_space<vmem>>) semaphore(%arg10 : memref<!tpu.dma_semaphore, #tpu.memory_space<semaphore_mem>>)
    %barrier3A = arith.constant 0 : index
    tpu.barrier barrier_id(%barrier3A)
    %scan3A_182 = arith.constant 0 : i32
    %scan3A_183 = arith.constant 0 : i32
    %scan3A_184 = arith.constant 80 : i32
    %scan3A_185 = arith.addi %scan3A_183, %scan3A_184 : i32
    %scan3A_186 = arith.constant 1 : i32
    scf.for %scan3A_193 = %scan3A_183 to %scan3A_185 step %scan3A_186  : i32 {
      %rem3A = arith.constant 2 : i32
      %rem3A_194 = arith.remsi %scan3A_193, %rem3A : i32
      %add3A_195 = arith.constant 1 : i32
      %add3A_196 = arith.addi %scan3A_193, %add3A_195 : i32
      %lt3A = arith.constant 80 : i32
      %lt3A_197 = arith.cmpi slt, %add3A_196, %lt3A : i32
      %convert_element_type3A = arith.extui %lt3A_197 : i1 to i32
      %cond3A = arith.constant 0 : i32
      %cond3A_198 = arith.cmpi ne, %convert_element_type3A, %cond3A : i32
      scf.if %cond3A_198 {
        %add3A_215 = arith.constant 1 : i32
        %add3A_216 = arith.addi %scan3A_193, %add3A_215 : i32
        %sub3A = arith.constant 1 : i32
        %sub3A_217 = arith.subi %sub3A, %rem3A_194 : i32
        %get3A_218 = arith.index_cast %add3A_216 : i32 to index
        %get3A_219 = arith.constant 0 : index
        %get3A_220 = tpu.vector_load %arg5[%get3A_218, %get3A_219] {strides = array<i32>} : memref<80x128xi32, #tpu.memory_space<vmem>>, vector<16xi32>,
        %and3A_221 = arith.constant 65535 : i32
        %and3A_222 = vector.broadcast %and3A_221 : i32 to vector<16xi32>
        %and3A_223 = arith.andi %get3A_220, %and3A_222 : vector<16xi32>
        %swap3A_224 = arith.index_cast %sub3A_217 : i32 to index
        %swap3A_225 = arith.constant 0 : index
        %swap3A_226 = tpu.vector_load %arg6[%swap3A_224, %swap3A_225] {strides = array<i32>} : memref<2x128xi32, #tpu.memory_space<vmem>>, vector<16xi32>,
        tpu.vector_store %arg6[%swap3A_224, %swap3A_225], %and3A_223 {strides = array<i32>} : memref<2x128xi32, #tpu.memory_space<vmem>>, vector<16xi32>,
        %shift_right_logical3A_227 = arith.constant 16 : i32
        %shift_right_logical3A_228 = vector.broadcast %shift_right_logical3A_227 : i32 to vector<16xi32>
        %shift_right_logical3A_229 = arith.shrui %get3A_220, %shift_right_logical3A_228 : vector<16xi32>
        %swap3A_230 = arith.index_cast %sub3A_217 : i32 to index
        %swap3A_231 = arith.constant 0 : index
        %swap3A_232 = tpu.vector_load %arg7[%swap3A_230, %swap3A_231] {strides = array<i32>} : memref<2x128xi32, #tpu.memory_space<vmem>>, vector<16xi32>,
        tpu.vector_store %arg7[%swap3A_230, %swap3A_231], %shift_right_logical3A_229 {strides = array<i32>} : memref<2x128xi32, #tpu.memory_space<vmem>>, vector<16xi32>,
        %get3A_233 = arith.index_cast %add3A_216 : i32 to index
        %get3A_234 = arith.constant 16 : index
        %get3A_235 = tpu.vector_load %arg5[%get3A_233, %get3A_234] {strides = array<i32>} : memref<80x128xi32, #tpu.memory_space<vmem>>, vector<16xi32>,
        %and3A_236 = arith.constant 65535 : i32
        %and3A_237 = vector.broadcast %and3A_236 : i32 to vector<16xi32>
        %and3A_238 = arith.andi %get3A_235, %and3A_237 : vector<16xi32>
        %swap3A_239 = arith.index_cast %sub3A_217 : i32 to index
        %swap3A_240 = arith.constant 16 : index
        %swap3A_241 = tpu.vector_load %arg6[%swap3A_239, %swap3A_240] {strides = array<i32>} : memref<2x128xi32, #tpu.memory_space<vmem>>, vector<16xi32>,
        tpu.vector_store %arg6[%swap3A_239, %swap3A_240], %and3A_238 {strides = array<i32>} : memref<2x128xi32, #tpu.memory_space<vmem>>, vector<16xi32>,
        %shift_right_logical3A_242 = arith.constant 16 : i32
        %shift_right_logical3A_243 = vector.broadcast %shift_right_logical3A_242 : i32 to vector<16xi32>
        %shift_right_logical3A_244 = arith.shrui %get3A_235, %shift_right_logical3A_243 : vector<16xi32>
        %swap3A_245 = arith.index_cast %sub3A_217 : i32 to index
        %swap3A_246 = arith.constant 16 : index
        %swap3A_247 = tpu.vector_load %arg7[%swap3A_245, %swap3A_246] {strides = array<i32>} : memref<2x128xi32, #tpu.memory_space<vmem>>, vector<16xi32>,
        tpu.vector_store %arg7[%swap3A_245, %swap3A_246], %shift_right_logical3A_244 {strides = array<i32>} : memref<2x128xi32, #tpu.memory_space<vmem>>, vector<16xi32>,
        %get3A_248 = arith.index_cast %add3A_216 : i32 to index
        %get3A_249 = arith.constant 32 : index
        %get3A_250 = tpu.vector_load %arg5[%get3A_248, %get3A_249] {strides = array<i32>} : memref<80x128xi32, #tpu.memory_space<vmem>>, vector<16xi32>,
        %and3A_251 = arith.constant 65535 : i32
        %and3A_252 = vector.broadcast %and3A_251 : i32 to vector<16xi32>
        %and3A_253 = arith.andi %get3A_250, %and3A_252 : vector<16xi32>
        %swap3A_254 = arith.index_cast %sub3A_217 : i32 to index
        %swap3A_255 = arith.constant 32 : index
        %swap3A_256 = tpu.vector_load %arg6[%swap3A_254, %swap3A_255] {strides = array<i32>} : memref<2x128xi32, #tpu.memory_space<vmem>>, vector<16xi32>,
        tpu.vector_store %arg6[%swap3A_254, %swap3A_255], %and3A_253 {strides = array<i32>} : memref<2x128xi32, #tpu.memory_space<vmem>>, vector<16xi32>,
        %shift_right_logical3A_257 = arith.constant 16 : i32
        %shift_right_logical3A_258 = vector.broadcast %shift_right_logical3A_257 : i32 to vector<16xi32>
        %shift_right_logical3A_259 = arith.shrui %get3A_250, %shift_right_logical3A_258 : vector<16xi32>
        %swap3A_260 = arith.index_cast %sub3A_217 : i32 to index
        %swap3A_261 = arith.constant 32 : index
        %swap3A_262 = tpu.vector_load %arg7[%swap3A_260, %swap3A_261] {strides = array<i32>} : memref<2x128xi32, #tpu.memory_space<vmem>>, vector<16xi32>,
        tpu.vector_store %arg7[%swap3A_260, %swap3A_261], %shift_right_logical3A_259 {strides = array<i32>} : memref<2x128xi32, #tpu.memory_space<vmem>>, vector<16xi32>,
        %get3A_263 = arith.index_cast %add3A_216 : i32 to index
        %get3A_264 = arith.constant 48 : index
        %get3A_265 = tpu.vector_load %arg5[%get3A_263, %get3A_264] {strides = array<i32>} : memref<80x128xi32, #tpu.memory_space<vmem>>, vector<16xi32>,
        %and3A_266 = arith.constant 65535 : i32
        %and3A_267 = vector.broadcast %and3A_266 : i32 to vector<16xi32>
        %and3A_268 = arith.andi %get3A_265, %and3A_267 : vector<16xi32>
        %swap3A_269 = arith.index_cast %sub3A_217 : i32 to index
        %swap3A_270 = arith.constant 48 : index
        %swap3A_271 = tpu.vector_load %arg6[%swap3A_269, %swap3A_270] {strides = array<i32>} : memref<2x128xi32, #tpu.memory_space<vmem>>, vector<16xi32>,
        tpu.vector_store %arg6[%swap3A_269, %swap3A_270], %and3A_268 {strides = array<i32>} : memref<2x128xi32, #tpu.memory_space<vmem>>, vector<16xi32>,
        %shift_right_logical3A_272 = arith.constant 16 : i32
        %shift_right_logical3A_273 = vector.broadcast %shift_right_logical3A_272 : i32 to vector<16xi32>
        %shift_right_logical3A_274 = arith.shrui %get3A_265, %shift_right_logical3A_273 : vector<16xi32>
        %swap3A_275 = arith.index_cast %sub3A_217 : i32 to index
        %swap3A_276 = arith.constant 48 : index
        %swap3A_277 = tpu.vector_load %arg7[%swap3A_275, %swap3A_276] {strides = array<i32>} : memref<2x128xi32, #tpu.memory_space<vmem>>, vector<16xi32>,
        tpu.vector_store %arg7[%swap3A_275, %swap3A_276], %shift_right_logical3A_274 {strides = array<i32>} : memref<2x128xi32, #tpu.memory_space<vmem>>, vector<16xi32>,
        %get3A_278 = arith.index_cast %add3A_216 : i32 to index
        %get3A_279 = arith.constant 64 : index
        %get3A_280 = tpu.vector_load %arg5[%get3A_278, %get3A_279] {strides = array<i32>} : memref<80x128xi32, #tpu.memory_space<vmem>>, vector<16xi32>,
        %and3A_281 = arith.constant 65535 : i32
        %and3A_282 = vector.broadcast %and3A_281 : i32 to vector<16xi32>
        %and3A_283 = arith.andi %get3A_280, %and3A_282 : vector<16xi32>
        %swap3A_284 = arith.index_cast %sub3A_217 : i32 to index
        %swap3A_285 = arith.constant 64 : index
        %swap3A_286 = tpu.vector_load %arg6[%swap3A_284, %swap3A_285] {strides = array<i32>} : memref<2x128xi32, #tpu.memory_space<vmem>>, vector<16xi32>,
        tpu.vector_store %arg6[%swap3A_284, %swap3A_285], %and3A_283 {strides = array<i32>} : memref<2x128xi32, #tpu.memory_space<vmem>>, vector<16xi32>,
        %shift_right_logical3A_287 = arith.constant 16 : i32
        %shift_right_logical3A_288 = vector.broadcast %shift_right_logical3A_287 : i32 to vector<16xi32>
        %shift_right_logical3A_289 = arith.shrui %get3A_280, %shift_right_logical3A_288 : vector<16xi32>
        %swap3A_290 = arith.index_cast %sub3A_217 : i32 to index
        %swap3A_291 = arith.constant 64 : index
        %swap3A_292 = tpu.vector_load %arg7[%swap3A_290, %swap3A_291] {strides = array<i32>} : memref<2x128xi32, #tpu.memory_space<vmem>>, vector<16xi32>,
        tpu.vector_store %arg7[%swap3A_290, %swap3A_291], %shift_right_logical3A_289 {strides = array<i32>} : memref<2x128xi32, #tpu.memory_space<vmem>>, vector<16xi32>,
        %get3A_293 = arith.index_cast %add3A_216 : i32 to index
        %get3A_294 = arith.constant 80 : index
        %get3A_295 = tpu.vector_load %arg5[%get3A_293, %get3A_294] {strides = array<i32>} : memref<80x128xi32, #tpu.memory_space<vmem>>, vector<16xi32>,
        %and3A_296 = arith.constant 65535 : i32
        %and3A_297 = vector.broadcast %and3A_296 : i32 to vector<16xi32>
        %and3A_298 = arith.andi %get3A_295, %and3A_297 : vector<16xi32>
        %swap3A_299 = arith.index_cast %sub3A_217 : i32 to index
        %swap3A_300 = arith.constant 80 : index
        %swap3A_301 = tpu.vector_load %arg6[%swap3A_299, %swap3A_300] {strides = array<i32>} : memref<2x128xi32, #tpu.memory_space<vmem>>, vector<16xi32>,
        tpu.vector_store %arg6[%swap3A_299, %swap3A_300], %and3A_298 {strides = array<i32>} : memref<2x128xi32, #tpu.memory_space<vmem>>, vector<16xi32>,
        %shift_right_logical3A_302 = arith.constant 16 : i32
        %shift_right_logical3A_303 = vector.broadcast %shift_right_logical3A_302 : i32 to vector<16xi32>
        %shift_right_logical3A_304 = arith.shrui %get3A_295, %shift_right_logical3A_303 : vector<16xi32>
        %swap3A_305 = arith.index_cast %sub3A_217 : i32 to index
        %swap3A_306 = arith.constant 80 : index
        %swap3A_307 = tpu.vector_load %arg7[%swap3A_305, %swap3A_306] {strides = array<i32>} : memref<2x128xi32, #tpu.memory_space<vmem>>, vector<16xi32>,
        tpu.vector_store %arg7[%swap3A_305, %swap3A_306], %shift_right_logical3A_304 {strides = array<i32>} : memref<2x128xi32, #tpu.memory_space<vmem>>, vector<16xi32>,
        %get3A_308 = arith.index_cast %add3A_216 : i32 to index
        %get3A_309 = arith.constant 96 : index
        %get3A_310 = tpu.vector_load %arg5[%get3A_308, %get3A_309] {strides = array<i32>} : memref<80x128xi32, #tpu.memory_space<vmem>>, vector<16xi32>,
        %and3A_311 = arith.constant 65535 : i32
        %and3A_312 = vector.broadcast %and3A_311 : i32 to vector<16xi32>
        %and3A_313 = arith.andi %get3A_310, %and3A_312 : vector<16xi32>
        %swap3A_314 = arith.index_cast %sub3A_217 : i32 to index
        %swap3A_315 = arith.constant 96 : index
        %swap3A_316 = tpu.vector_load %arg6[%swap3A_314, %swap3A_315] {strides = array<i32>} : memref<2x128xi32, #tpu.memory_space<vmem>>, vector<16xi32>,
        tpu.vector_store %arg6[%swap3A_314, %swap3A_315], %and3A_313 {strides = array<i32>} : memref<2x128xi32, #tpu.memory_space<vmem>>, vector<16xi32>,
        %shift_right_logical3A_317 = arith.constant 16 : i32
        %shift_right_logical3A_318 = vector.broadcast %shift_right_logical3A_317 : i32 to vector<16xi32>
        %shift_right_logical3A_319 = arith.shrui %get3A_310, %shift_right_logical3A_318 : vector<16xi32>
        %swap3A_320 = arith.index_cast %sub3A_217 : i32 to index
        %swap3A_321 = arith.constant 96 : index
        %swap3A_322 = tpu.vector_load %arg7[%swap3A_320, %swap3A_321] {strides = array<i32>} : memref<2x128xi32, #tpu.memory_space<vmem>>, vector<16xi32>,
        tpu.vector_store %arg7[%swap3A_320, %swap3A_321], %shift_right_logical3A_319 {strides = array<i32>} : memref<2x128xi32, #tpu.memory_space<vmem>>, vector<16xi32>,
        %get3A_323 = arith.index_cast %add3A_216 : i32 to index
        %get3A_324 = arith.constant 112 : index
        %get3A_325 = tpu.vector_load %arg5[%get3A_323, %get3A_324] {strides = array<i32>} : memref<80x128xi32, #tpu.memory_space<vmem>>, vector<16xi32>,
        %and3A_326 = arith.constant 65535 : i32
        %and3A_327 = vector.broadcast %and3A_326 : i32 to vector<16xi32>
        %and3A_328 = arith.andi %get3A_325, %and3A_327 : vector<16xi32>
        %swap3A_329 = arith.index_cast %sub3A_217 : i32 to index
        %swap3A_330 = arith.constant 112 : index
        %swap3A_331 = tpu.vector_load %arg6[%swap3A_329, %swap3A_330] {strides = array<i32>} : memref<2x128xi32, #tpu.memory_space<vmem>>, vector<16xi32>,
        tpu.vector_store %arg6[%swap3A_329, %swap3A_330], %and3A_328 {strides = array<i32>} : memref<2x128xi32, #tpu.memory_space<vmem>>, vector<16xi32>,
        %shift_right_logical3A_332 = arith.constant 16 : i32
        %shift_right_logical3A_333 = vector.broadcast %shift_right_logical3A_332 : i32 to vector<16xi32>
        %shift_right_logical3A_334 = arith.shrui %get3A_325, %shift_right_logical3A_333 : vector<16xi32>
        %swap3A_335 = arith.index_cast %sub3A_217 : i32 to index
        %swap3A_336 = arith.constant 112 : index
        %swap3A_337 = tpu.vector_load %arg7[%swap3A_335, %swap3A_336] {strides = array<i32>} : memref<2x128xi32, #tpu.memory_space<vmem>>, vector<16xi32>,
        tpu.vector_store %arg7[%swap3A_335, %swap3A_336], %shift_right_logical3A_334 {strides = array<i32>} : memref<2x128xi32, #tpu.memory_space<vmem>>, vector<16xi32>,
      } else {
      }
      %dma_wait3A = arith.constant 0 : i32
      %dma_wait3A_199 = arith.constant 0 : i32
      %dma_wait3A_200 = tpu.memref_slice %arg8[%rem3A_194, %dma_wait3A, %dma_wait3A_199] : memref<2x128x128xf32, #tpu.memory_space<vmem>> -> memref<1x128x128xf32, #tpu.memory_space<vmem>>
      %dma_wait3A_201 = tpu.memref_squeeze %dma_wait3A_200 : memref<1x128x128xf32, #tpu.memory_space<vmem>> -> memref<128x128xf32, #tpu.memory_space<vmem>>
      %dma_wait3A_202 = arith.constant 0 : i32
      %dma_wait3A_203 = tpu.memref_slice %arg6[%rem3A_194, %dma_wait3A_202] : memref<2x128xi32, #tpu.memory_space<vmem>> -> memref<1x128xi32, #tpu.memory_space<vmem>>
      %dma_wait3A_204 = tpu.memref_squeeze %dma_wait3A_203 : memref<1x128xi32, #tpu.memory_space<vmem>> -> memref<128xi32, #tpu.memory_space<vmem>>
      %dma_wait3A_205 = arith.constant 0 : i32
      %dma_wait3A_206 = arith.constant 0 : i32
      %dma_wait3A_207 = tpu.memref_slice %arg2[%dma_wait3A_205, %dma_wait3A_206] : memref<10112x128xf32, #tpu.memory_space<hbm>> -> memref<10112x128xf32, #tpu.memory_space<hbm>>
      tpu.wait_indirect_dma semaphore(%arg10 : memref<!tpu.dma_semaphore, #tpu.memory_space<semaphore_mem>>) src(%dma_wait3A_207 : memref<10112x128xf32, #tpu.memory_space<hbm>>) dst(%dma_wait3A_201 : memref<128x128xf32, #tpu.memory_space<vmem>>)
      %add3A_208 = arith.constant 1 : i32
      %add3A_209 = arith.addi %scan3A_193, %add3A_208 : i32
      %lt3A_210 = arith.constant 80 : i32
      %lt3A_211 = arith.cmpi slt, %add3A_209, %lt3A_210 : i32
      %convert_element_type3A_212 = arith.extui %lt3A_211 : i1 to i32
      %cond3A_213 = arith.constant 0 : i32
      %cond3A_214 = arith.cmpi ne, %convert_element_type3A_212, %cond3A_213 : i32
      scf.if %cond3A_214 {
        %sub3A = arith.constant 1 : i32
        %sub3A_215 = arith.subi %sub3A, %rem3A_194 : i32
        %sub3A_216 = arith.constant 1 : i32
        %sub3A_217 = arith.subi %sub3A_216, %rem3A_194 : i32
        %dma_start3A_218 = arith.constant 0 : i32
        %dma_start3A_219 = arith.constant 0 : i32
        %dma_start3A_220 = tpu.memref_slice %arg8[%sub3A_217, %dma_start3A_218, %dma_start3A_219] : memref<2x128x128xf32, #tpu.memory_space<vmem>> -> memref<1x128x128xf32, #tpu.memory_space<vmem>>
        %dma_start3A_221 = tpu.memref_squeeze %dma_start3A_220 : memref<1x128x128xf32, #tpu.memory_space<vmem>> -> memref<128x128xf32, #tpu.memory_space<vmem>>
        %dma_start3A_222 = arith.constant 0 : i32
        %dma_start3A_223 = tpu.memref_slice %arg6[%sub3A_215, %dma_start3A_222] : memref<2x128xi32, #tpu.memory_space<vmem>> -> memref<1x128xi32, #tpu.memory_space<vmem>>
        %dma_start3A_224 = tpu.memref_squeeze %dma_start3A_223 : memref<1x128xi32, #tpu.memory_space<vmem>> -> memref<128xi32, #tpu.memory_space<vmem>>
        %dma_start3A_225 = arith.constant 0 : i32
        %dma_start3A_226 = arith.constant 0 : i32
        %dma_start3A_227 = tpu.memref_slice %arg2[%dma_start3A_225, %dma_start3A_226] : memref<10112x128xf32, #tpu.memory_space<hbm>> -> memref<10112x128xf32, #tpu.memory_space<hbm>>
        tpu.enqueue_indirect_dma source(%dma_start3A_227 : memref<10112x128xf32, #tpu.memory_space<hbm>>) target(%dma_start3A_221 : memref<128x128xf32, #tpu.memory_space<vmem>>) offsets(%dma_start3A_224 : memref<128xi32, #tpu.memory_space<vmem>>) semaphore(%arg10 : memref<!tpu.dma_semaphore, #tpu.memory_space<semaphore_mem>>)
      } else {
      }
      "tpu.region"() ({
        %run_scoped3A_215 = tpu.sem_alloc : memref<!tpu.dma_semaphore, #tpu.memory_space<semaphore_mem>>
        %dma_start3A_216 = arith.constant 0 : i32
        %dma_start3A_217 = arith.constant 0 : i32
        %dma_start3A_218 = tpu.memref_slice %arg8[%rem3A_194, %dma_start3A_216, %dma_start3A_217] : memref<2x128x128xf32, #tpu.memory_space<vmem>> -> memref<1x128x128xf32, #tpu.memory_space<vmem>>
        %dma_start3A_219 = tpu.memref_squeeze %dma_start3A_218 : memref<1x128x128xf32, #tpu.memory_space<vmem>> -> memref<128x128xf32, #tpu.memory_space<vmem>>
        %dma_start3A_220 = arith.constant 0 : i32
        %dma_start3A_221 = tpu.memref_slice %arg7[%rem3A_194, %dma_start3A_220] : memref<2x128xi32, #tpu.memory_space<vmem>> -> memref<1x128xi32, #tpu.memory_space<vmem>>
        %dma_start3A_222 = tpu.memref_squeeze %dma_start3A_221 : memref<1x128xi32, #tpu.memory_space<vmem>> -> memref<128xi32, #tpu.memory_space<vmem>>
        %dma_start3A_223 = arith.constant 0 : i32
        %dma_start3A_224 = arith.constant 0 : i32
        %dma_start3A_225 = tpu.memref_slice %arg9[%dma_start3A_223, %dma_start3A_224] : memref<10112x128xf32, #tpu.memory_space<vmem_shared>> -> memref<10112x128xf32, #tpu.memory_space<vmem_shared>>
        tpu.enqueue_indirect_dma source(%dma_start3A_219 : memref<128x128xf32, #tpu.memory_space<vmem>>) target(%dma_start3A_225 : memref<10112x128xf32, #tpu.memory_space<vmem_shared>>) offsets(%dma_start3A_222 : memref<128xi32, #tpu.memory_space<vmem>>) semaphore(%run_scoped3A_215 : memref<!tpu.dma_semaphore, #tpu.memory_space<semaphore_mem>>) {add = true}
        %dma_wait3A_226 = arith.constant 0 : i32
        %dma_wait3A_227 = arith.constant 0 : i32
        %dma_wait3A_228 = tpu.memref_slice %arg8[%rem3A_194, %dma_wait3A_226, %dma_wait3A_227] : memref<2x128x128xf32, #tpu.memory_space<vmem>> -> memref<1x128x128xf32, #tpu.memory_space<vmem>>
        %dma_wait3A_229 = tpu.memref_squeeze %dma_wait3A_228 : memref<1x128x128xf32, #tpu.memory_space<vmem>> -> memref<128x128xf32, #tpu.memory_space<vmem>>
        %dma_wait3A_230 = arith.constant 0 : i32
        %dma_wait3A_231 = tpu.memref_slice %arg7[%rem3A_194, %dma_wait3A_230] : memref<2x128xi32, #tpu.memory_space<vmem>> -> memref<1x128xi32, #tpu.memory_space<vmem>>
        %dma_wait3A_232 = tpu.memref_squeeze %dma_wait3A_231 : memref<1x128xi32, #tpu.memory_space<vmem>> -> memref<128xi32, #tpu.memory_space<vmem>>
        %dma_wait3A_233 = arith.constant 0 : i32
        %dma_wait3A_234 = arith.constant 0 : i32
        %dma_wait3A_235 = tpu.memref_slice %arg9[%dma_wait3A_233, %dma_wait3A_234] : memref<10112x128xf32, #tpu.memory_space<vmem_shared>> -> memref<10112x128xf32, #tpu.memory_space<vmem_shared>>
        tpu.wait_indirect_dma semaphore(%run_scoped3A_215 : memref<!tpu.dma_semaphore, #tpu.memory_space<semaphore_mem>>) src(%dma_wait3A_229 : memref<128x128xf32, #tpu.memory_space<vmem>>) dst(%dma_wait3A_235 : memref<10112x128xf32, #tpu.memory_space<vmem_shared>>)
        tpu.yield
      }) : () -> ()
    }
    %scan3A_187 = arith.constant 80 : i32
    %barrier3A_188 = arith.constant 0 : index
    tpu.barrier barrier_id(%barrier3A_188)
    %mul3A_189 = arith.constant 632 : i32
    %mul3A_190 = arith.muli %arg1, %mul3A_189 : i32
    %mul3A_191 = arith.constant 632 : i32
    %mul3A_192 = arith.muli %arg1, %mul3A_191 : i32
    "tpu.region"() ({
      %run_scoped3A_193 = tpu.sem_alloc : memref<!tpu.dma_semaphore, #tpu.memory_space<semaphore_mem>>
      %dma_start3A_194 = arith.constant 0 : i32
      %dma_start3A_195 = arith.constant 0 : i32
      %dma_start3A_196 = tpu.memref_slice %arg4[%arg0, %dma_start3A_194, %dma_start3A_195] : memref<2x10112x128xf32, #tpu.memory_space<hbm>> -> memref<1x10112x128xf32, #tpu.memory_space<hbm>>
      %dma_start3A_197 = tpu.memref_squeeze %dma_start3A_196 : memref<1x10112x128xf32, #tpu.memory_space<hbm>> -> memref<10112x128xf32, #tpu.memory_space<hbm>>
      %dma_start3A_198 = arith.constant 0 : i32
      %dma_start3A_199 = tpu.memref_slice %dma_start3A_197[%mul3A_192, %dma_start3A_198] : memref<10112x128xf32, #tpu.memory_space<hbm>> -> memref<632x128xf32, #tpu.memory_space<hbm>>
      %dma_start3A_200 = arith.constant 0 : i32
      %dma_start3A_201 = tpu.memref_slice %arg9[%mul3A_190, %dma_start3A_200] : memref<10112x128xf32, #tpu.memory_space<vmem_shared>> -> memref<632x128xf32, #tpu.memory_space<vmem_shared>>
      tpu.enqueue_dma source(%dma_start3A_201 : memref<632x128xf32, #tpu.memory_space<vmem_shared>>) target(%dma_start3A_199 : memref<632x128xf32, #tpu.memory_space<hbm>>) target_semaphore(%run_scoped3A_193 : memref<!tpu.dma_semaphore, #tpu.memory_space<semaphore_mem>>)
      %dma_wait3A = arith.constant 0 : i32
      %dma_wait3A_202 = arith.constant 0 : i32
      %dma_wait3A_203 = tpu.memref_slice %arg4[%arg0, %dma_wait3A, %dma_wait3A_202] : memref<2x10112x128xf32, #tpu.memory_space<hbm>> -> memref<1x10112x128xf32, #tpu.memory_space<hbm>>
      %dma_wait3A_204 = tpu.memref_squeeze %dma_wait3A_203 : memref<1x10112x128xf32, #tpu.memory_space<hbm>> -> memref<10112x128xf32, #tpu.memory_space<hbm>>
      %dma_wait3A_205 = arith.constant 0 : i32
      %dma_wait3A_206 = tpu.memref_slice %dma_wait3A_204[%mul3A_192, %dma_wait3A_205] : memref<10112x128xf32, #tpu.memory_space<hbm>> -> memref<632x128xf32, #tpu.memory_space<hbm>>
      %dma_wait3A_207 = arith.constant 0 : i32
      %dma_wait3A_208 = tpu.memref_slice %arg9[%mul3A_190, %dma_wait3A_207] : memref<10112x128xf32, #tpu.memory_space<vmem_shared>> -> memref<632x128xf32, #tpu.memory_space<vmem_shared>>
      tpu.wait_dma2 semaphore(%run_scoped3A_193 : memref<!tpu.dma_semaphore, #tpu.memory_space<semaphore_mem>>) src(%dma_wait3A_208 : memref<632x128xf32, #tpu.memory_space<vmem_shared>>) dst(%dma_wait3A_206 : memref<632x128xf32, #tpu.memory_space<hbm>>)
      tpu.yield
    }) : () -> ()
    return
  }
}

module attributes {stable_mosaic.version = 14 : i64} {
  func.func @_dis_body(%arg0: memref<32x79x128xf32, #tpu.memory_space<vmem>>, %arg1: memref<128x80xf32, #tpu.memory_space<vmem>>) attributes {dimension_semantics = [], scalar_prefetch = 0 : i64, scratch_operands = 0 : i64, tpu.core_type = #tpu.core_type<tc>} {
    %get3A = arith.constant 0 : index
    %get3A_0 = arith.constant 0 : index
    %get3A_1 = arith.constant 0 : index
    %get3A_2 = vector.load %arg0[%get3A, %get3A_0, %get3A_1] : memref<32x79x128xf32, #tpu.memory_space<vmem>>, vector<32x79x128xf32>
    %reduce_sum3A = arith.constant dense<0.000000e+00> : vector<79x128xf32>
    %reduce_sum3A_3 = vector.multi_reduction <add>, %get3A_2, %reduce_sum3A [0] : vector<32x79x128xf32> to vector<79x128xf32>
    %gt3A = arith.constant 0.000000e+00 : f32
    %gt3A_4 = vector.broadcast %gt3A : f32 to vector<79x128xf32>
    %gt3A_5 = arith.cmpf ogt, %reduce_sum3A_3, %gt3A_4 : vector<79x128xf32>
    %max3A = arith.constant 1.000000e+00 : f32
    %max3A_6 = vector.broadcast %max3A : f32 to vector<79x128xf32>
    %max3A_7 = arith.maximumf %reduce_sum3A_3, %max3A_6 : vector<79x128xf32>
    %rsqrt3A = math.rsqrt %max3A_7 : vector<79x128xf32>
    %jit3A = arith.constant 0.000000e+00 : f32
    %broadcast_in_dim3A = vector.broadcast %jit3A : f32 to vector<79x128xf32>
    %select_n3A = arith.select %gt3A_5, %rsqrt3A, %broadcast_in_dim3A : vector<79x128xi1>, vector<79x128xf32>
    %broadcast_in_dim3A_8 = arith.constant 0.000000e+00 : f32
    %broadcast_in_dim3A_9 = vector.broadcast %broadcast_in_dim3A_8 : f32 to vector<1x128xf32>
    %concatenate3A = tpu.concatenate %select_n3A, %broadcast_in_dim3A_9 in 0 : vector<79x128xf32>, vector<1x128xf32> -> vector<80x128xf32>
    %transpose3A = tpu.transpose %concatenate3A, [1, 0] : vector<80x128xf32> -> vector<128x80xf32>
    %swap3A = arith.constant 0 : index
    %swap3A_10 = arith.constant 0 : index
    %swap3A_11 = vector.load %arg1[%swap3A, %swap3A_10] : memref<128x80xf32, #tpu.memory_space<vmem>>, vector<128x80xf32>
    tpu.vector_store %arg1[%swap3A, %swap3A_10], %transpose3A {strides = array<i32>} : memref<128x80xf32, #tpu.memory_space<vmem>>, vector<128x80xf32>,
    return
  }
}

module attributes {stable_mosaic.version = 14 : i64} {
  func.func @_scale1_body(%arg0: i32, %arg1: memref<128x128xf32, #tpu.memory_space<vmem>>, %arg2: memref<128x80xf32, #tpu.memory_space<vmem>>, %arg3: memref<128x128xf32, #tpu.memory_space<vmem>>, %arg4: memref<128x128xf32, #tpu.memory_space<vmem>>) attributes {dimension_semantics = [#tpu.dimension_semantics<arbitrary>], iteration_bounds = array<i64: 79>, scalar_prefetch = 0 : i64, scratch_operands = 0 : i64, tpu.core_type = #tpu.core_type<tc>, window_params = [{transform_indices = @transform_0, window_bounds = array<i64: 128, 128>}, {pipeline_mode = #tpu.pipeline_mode<synchronous>, transform_indices = @transform_1, window_bounds = array<i64: 128, 80>}, {pipeline_mode = #tpu.pipeline_mode<synchronous>, transform_indices = @transform_2, window_bounds = array<i64: 128, 128>}, {transform_indices = @transform_3, window_bounds = array<i64: 128, 128>}]} {
    %get3A = arith.constant 0 : index
    %get3A_0 = arith.constant 0 : index
    %get3A_1 = vector.load %arg2[%get3A, %get3A_0] : memref<128x80xf32, #tpu.memory_space<vmem>>, vector<128x80xf32>
    %iota3A = tpu.iota {dimensions = array<i32: 1>} : vector<128x80xi32>
    %eq3A = vector.broadcast %arg0 : i32 to vector<128x80xi32>
    %eq3A_2 = arith.cmpi eq, %iota3A, %eq3A : vector<128x80xi32>
    %jit3A = arith.constant 0.000000e+00 : f32
    %broadcast_in_dim3A = vector.broadcast %jit3A : f32 to vector<128x80xf32>
    %select_n3A = arith.select %eq3A_2, %get3A_1, %broadcast_in_dim3A : vector<128x80xi1>, vector<128x80xf32>
    %reduce_sum3A = arith.constant dense<0.000000e+00> : vector<128xf32>
    %reduce_sum3A_3 = vector.multi_reduction <add>, %select_n3A, %reduce_sum3A [1] : vector<128x80xf32> to vector<128xf32>
    %broadcast_in_dim3A_4 = vector.shape_cast %reduce_sum3A_3 : vector<128xf32> to vector<128x1xf32>
    %get3A_5 = arith.constant 0 : index
    %get3A_6 = arith.constant 0 : index
    %get3A_7 = vector.load %arg1[%get3A_5, %get3A_6] : memref<128x128xf32, #tpu.memory_space<vmem>>, vector<128x128xf32>
    %mul3A = vector.broadcast %broadcast_in_dim3A_4 : vector<128x1xf32> to vector<128x128xf32>
    %mul3A_8 = arith.mulf %get3A_7, %mul3A : vector<128x128xf32>
    %get3A_9 = arith.constant 0 : index
    %get3A_10 = arith.constant 0 : index
    %get3A_11 = vector.load %arg3[%get3A_9, %get3A_10] : memref<128x128xf32, #tpu.memory_space<vmem>>, vector<128x128xf32>
    %dot_general3A = arith.constant dense<0.000000e+00> : vector<128x128xf32>
    %dot_general3A_12 = tpu.matmul %mul3A_8, %get3A_11, %dot_general3A {dimension_numbers = #tpu.dot_dimension_numbers<[1], [0], [0], [1], [0, 0, 1, 1], [], []>, transpose_lhs_hint = false} : vector<128x128xf32>, vector<128x128xf32>, vector<128x128xf32> -> vector<128x128xf32>
    %swap3A = arith.constant 0 : index
    %swap3A_13 = arith.constant 0 : index
    %swap3A_14 = vector.load %arg4[%swap3A, %swap3A_13] : memref<128x128xf32, #tpu.memory_space<vmem>>, vector<128x128xf32>
    tpu.vector_store %arg4[%swap3A, %swap3A_13], %dot_general3A_12 {strides = array<i32>} : memref<128x128xf32, #tpu.memory_space<vmem>>, vector<128x128xf32>,
    return
  }
  func.func @transform_0(%arg0: i32) -> (i32, i32) {
    %c0_i32 = arith.constant 0 : i32
    %c0_i32_0 = arith.constant 0 : i32
    return %arg0, %c0_i32 : i32, i32
  }
  func.func @transform_1(%arg0: i32) -> (i32, i32) {
    %c0_i32 = arith.constant 0 : i32
    %c0_i32_0 = arith.constant 0 : i32
    %c0_i32_1 = arith.constant 0 : i32
    return %c0_i32, %c0_i32_0 : i32, i32
  }
  func.func @transform_2(%arg0: i32) -> (i32, i32) {
    %c0_i32 = arith.constant 0 : i32
    %c0_i32_0 = arith.constant 0 : i32
    %c0_i32_1 = arith.constant 0 : i32
    return %c0_i32, %c0_i32_0 : i32, i32
  }
  func.func @transform_3(%arg0: i32) -> (i32, i32) {
    %c0_i32 = arith.constant 0 : i32
    %c0_i32_0 = arith.constant 0 : i32
    return %arg0, %c0_i32 : i32, i32
  }
}

module attributes {stable_mosaic.version = 14 : i64} {
  func.func @_scale2_body(%arg0: i32, %arg1: memref<2x128x128xf32, #tpu.memory_space<vmem>>, %arg2: memref<128x80xf32, #tpu.memory_space<vmem>>, %arg3: memref<128x128xf32, #tpu.memory_space<vmem>>, %arg4: memref<1x128xf32, #tpu.memory_space<vmem>>, %arg5: memref<128x128xf32, #tpu.memory_space<vmem>>) attributes {dimension_semantics = [#tpu.dimension_semantics<arbitrary>], iteration_bounds = array<i64: 79>, scalar_prefetch = 0 : i64, scratch_operands = 0 : i64, tpu.core_type = #tpu.core_type<tc>, window_params = [{transform_indices = @transform_0, window_bounds = array<i64: 2, 128, 128>}, {pipeline_mode = #tpu.pipeline_mode<synchronous>, transform_indices = @transform_1, window_bounds = array<i64: 128, 80>}, {pipeline_mode = #tpu.pipeline_mode<synchronous>, transform_indices = @transform_2, window_bounds = array<i64: 128, 128>}, {pipeline_mode = #tpu.pipeline_mode<synchronous>, transform_indices = @transform_3, window_bounds = array<i64: 1, 128>}, {transform_indices = @transform_4, window_bounds = array<i64: 128, 128>}]} {
    %get3A = arith.constant 0 : index
    %get3A_0 = arith.constant 0 : index
    %get3A_1 = arith.constant 0 : index
    %get3A_2 = vector.load %arg1[%get3A, %get3A_0, %get3A_1] : memref<2x128x128xf32, #tpu.memory_space<vmem>>, vector<2x128x128xf32>
    %get3A_3 = arith.constant 0 : index
    %get3A_4 = arith.constant 0 : index
    %get3A_5 = vector.load %arg2[%get3A_3, %get3A_4] : memref<128x80xf32, #tpu.memory_space<vmem>>, vector<128x80xf32>
    %iota3A = tpu.iota {dimensions = array<i32: 1>} : vector<128x80xi32>
    %eq3A = vector.broadcast %arg0 : i32 to vector<128x80xi32>
    %eq3A_6 = arith.cmpi eq, %iota3A, %eq3A : vector<128x80xi32>
    %jit3A = arith.constant 0.000000e+00 : f32
    %broadcast_in_dim3A = vector.broadcast %jit3A : f32 to vector<128x80xf32>
    %select_n3A = arith.select %eq3A_6, %get3A_5, %broadcast_in_dim3A : vector<128x80xi1>, vector<128x80xf32>
    %reduce_sum3A = arith.constant dense<0.000000e+00> : vector<128xf32>
    %reduce_sum3A_7 = vector.multi_reduction <add>, %select_n3A, %reduce_sum3A [1] : vector<128x80xf32> to vector<128xf32>
    %broadcast_in_dim3A_8 = vector.shape_cast %reduce_sum3A_7 : vector<128xf32> to vector<128x1xf32>
    %slice3A = vector.extract_strided_slice %get3A_2 {offsets = [0, 0, 0], sizes = [1, 128, 128], strides = [1, 1, 1]} : vector<2x128x128xf32> to vector<1x128x128xf32>
    %squeeze3A = vector.shape_cast %slice3A : vector<1x128x128xf32> to vector<128x128xf32>
    %slice3A_9 = vector.extract_strided_slice %get3A_2 {offsets = [1, 0, 0], sizes = [1, 128, 128], strides = [1, 1, 1]} : vector<2x128x128xf32> to vector<1x128x128xf32>
    %squeeze3A_10 = vector.shape_cast %slice3A_9 : vector<1x128x128xf32> to vector<128x128xf32>
    %add3A = arith.addf %squeeze3A, %squeeze3A_10 : vector<128x128xf32>
    %mul3A = vector.broadcast %broadcast_in_dim3A_8 : vector<128x1xf32> to vector<128x128xf32>
    %mul3A_11 = arith.mulf %add3A, %mul3A : vector<128x128xf32>
    %get3A_12 = arith.constant 0 : index
    %get3A_13 = arith.constant 0 : index
    %get3A_14 = vector.load %arg4[%get3A_12, %get3A_13] : memref<1x128xf32, #tpu.memory_space<vmem>>, vector<1x128xf32>
    %add3A_15 = vector.broadcast %get3A_14 : vector<1x128xf32> to vector<128x128xf32>
    %add3A_16 = arith.addf %mul3A_11, %add3A_15 : vector<128x128xf32>
    %mul3A_17 = vector.broadcast %broadcast_in_dim3A_8 : vector<128x1xf32> to vector<128x128xf32>
    %mul3A_18 = arith.mulf %add3A_16, %mul3A_17 : vector<128x128xf32>
    %get3A_19 = arith.constant 0 : index
    %get3A_20 = arith.constant 0 : index
    %get3A_21 = vector.load %arg3[%get3A_19, %get3A_20] : memref<128x128xf32, #tpu.memory_space<vmem>>, vector<128x128xf32>
    %dot_general3A = arith.constant dense<0.000000e+00> : vector<128x128xf32>
    %dot_general3A_22 = tpu.matmul %mul3A_18, %get3A_21, %dot_general3A {dimension_numbers = #tpu.dot_dimension_numbers<[1], [0], [0], [1], [0, 0, 1, 1], [], []>, transpose_lhs_hint = false} : vector<128x128xf32>, vector<128x128xf32>, vector<128x128xf32> -> vector<128x128xf32>
    %swap3A = arith.constant 0 : index
    %swap3A_23 = arith.constant 0 : index
    %swap3A_24 = vector.load %arg5[%swap3A, %swap3A_23] : memref<128x128xf32, #tpu.memory_space<vmem>>, vector<128x128xf32>
    tpu.vector_store %arg5[%swap3A, %swap3A_23], %dot_general3A_22 {strides = array<i32>} : memref<128x128xf32, #tpu.memory_space<vmem>>, vector<128x128xf32>,
    return
  }
  func.func @transform_0(%arg0: i32) -> (i32, i32, i32) {
    %c0_i32 = arith.constant 0 : i32
    %c0_i32_0 = arith.constant 0 : i32
    %c0_i32_1 = arith.constant 0 : i32
    return %c0_i32, %arg0, %c0_i32_0 : i32, i32, i32
  }
  func.func @transform_1(%arg0: i32) -> (i32, i32) {
    %c0_i32 = arith.constant 0 : i32
    %c0_i32_0 = arith.constant 0 : i32
    %c0_i32_1 = arith.constant 0 : i32
    return %c0_i32, %c0_i32_0 : i32, i32
  }
  func.func @transform_2(%arg0: i32) -> (i32, i32) {
    %c0_i32 = arith.constant 0 : i32
    %c0_i32_0 = arith.constant 0 : i32
    %c0_i32_1 = arith.constant 0 : i32
    return %c0_i32, %c0_i32_0 : i32, i32
  }
  func.func @transform_3(%arg0: i32) -> (i32, i32) {
    %c0_i32 = arith.constant 0 : i32
    %c0_i32_0 = arith.constant 0 : i32
    %c0_i32_1 = arith.constant 0 : i32
    return %c0_i32, %c0_i32_0 : i32, i32
  }
  func.func @transform_4(%arg0: i32) -> (i32, i32) {
    %c0_i32 = arith.constant 0 : i32
    %c0_i32_0 = arith.constant 0 : i32
    return %arg0, %c0_i32 : i32, i32
  }
}

module attributes {stable_mosaic.version = 14 : i64} {
  func.func @_final_body(%arg0: i32, %arg1: memref<2x128x128xf32, #tpu.memory_space<vmem>>, %arg2: memref<128x80xf32, #tpu.memory_space<vmem>>, %arg3: memref<1x128xf32, #tpu.memory_space<vmem>>, %arg4: memref<128x128xf32, #tpu.memory_space<vmem>>) attributes {dimension_semantics = [#tpu.dimension_semantics<arbitrary>], iteration_bounds = array<i64: 79>, scalar_prefetch = 0 : i64, scratch_operands = 0 : i64, tpu.core_type = #tpu.core_type<tc>, window_params = [{transform_indices = @transform_0, window_bounds = array<i64: 2, 128, 128>}, {pipeline_mode = #tpu.pipeline_mode<synchronous>, transform_indices = @transform_1, window_bounds = array<i64: 128, 80>}, {pipeline_mode = #tpu.pipeline_mode<synchronous>, transform_indices = @transform_2, window_bounds = array<i64: 1, 128>}, {transform_indices = @transform_3, window_bounds = array<i64: 128, 128>}]} {
    %get3A = arith.constant 0 : index
    %get3A_0 = arith.constant 0 : index
    %get3A_1 = arith.constant 0 : index
    %get3A_2 = vector.load %arg1[%get3A, %get3A_0, %get3A_1] : memref<2x128x128xf32, #tpu.memory_space<vmem>>, vector<2x128x128xf32>
    %get3A_3 = arith.constant 0 : index
    %get3A_4 = arith.constant 0 : index
    %get3A_5 = vector.load %arg2[%get3A_3, %get3A_4] : memref<128x80xf32, #tpu.memory_space<vmem>>, vector<128x80xf32>
    %iota3A = tpu.iota {dimensions = array<i32: 1>} : vector<128x80xi32>
    %eq3A = vector.broadcast %arg0 : i32 to vector<128x80xi32>
    %eq3A_6 = arith.cmpi eq, %iota3A, %eq3A : vector<128x80xi32>
    %jit3A = arith.constant 0.000000e+00 : f32
    %broadcast_in_dim3A = vector.broadcast %jit3A : f32 to vector<128x80xf32>
    %select_n3A = arith.select %eq3A_6, %get3A_5, %broadcast_in_dim3A : vector<128x80xi1>, vector<128x80xf32>
    %reduce_sum3A = arith.constant dense<0.000000e+00> : vector<128xf32>
    %reduce_sum3A_7 = vector.multi_reduction <add>, %select_n3A, %reduce_sum3A [1] : vector<128x80xf32> to vector<128xf32>
    %broadcast_in_dim3A_8 = vector.shape_cast %reduce_sum3A_7 : vector<128xf32> to vector<128x1xf32>
    %slice3A = vector.extract_strided_slice %get3A_2 {offsets = [0, 0, 0], sizes = [1, 128, 128], strides = [1, 1, 1]} : vector<2x128x128xf32> to vector<1x128x128xf32>
    %squeeze3A = vector.shape_cast %slice3A : vector<1x128x128xf32> to vector<128x128xf32>
    %slice3A_9 = vector.extract_strided_slice %get3A_2 {offsets = [1, 0, 0], sizes = [1, 128, 128], strides = [1, 1, 1]} : vector<2x128x128xf32> to vector<1x128x128xf32>
    %squeeze3A_10 = vector.shape_cast %slice3A_9 : vector<1x128x128xf32> to vector<128x128xf32>
    %add3A = arith.addf %squeeze3A, %squeeze3A_10 : vector<128x128xf32>
    %mul3A = vector.broadcast %broadcast_in_dim3A_8 : vector<128x1xf32> to vector<128x128xf32>
    %mul3A_11 = arith.mulf %add3A, %mul3A : vector<128x128xf32>
    %get3A_12 = arith.constant 0 : index
    %get3A_13 = arith.constant 0 : index
    %get3A_14 = vector.load %arg3[%get3A_12, %get3A_13] : memref<1x128xf32, #tpu.memory_space<vmem>>, vector<1x128xf32>
    %add3A_15 = vector.broadcast %get3A_14 : vector<1x128xf32> to vector<128x128xf32>
    %add3A_16 = arith.addf %mul3A_11, %add3A_15 : vector<128x128xf32>
    %swap3A = arith.constant 0 : index
    %swap3A_17 = arith.constant 0 : index
    %swap3A_18 = vector.load %arg4[%swap3A, %swap3A_17] : memref<128x128xf32, #tpu.memory_space<vmem>>, vector<128x128xf32>
    tpu.vector_store %arg4[%swap3A, %swap3A_17], %add3A_16 {strides = array<i32>} : memref<128x128xf32, #tpu.memory_space<vmem>>, vector<128x128xf32>,
    return
  }
  func.func @transform_0(%arg0: i32) -> (i32, i32, i32) {
    %c0_i32 = arith.constant 0 : i32
    %c0_i32_0 = arith.constant 0 : i32
    %c0_i32_1 = arith.constant 0 : i32
    return %c0_i32, %arg0, %c0_i32_0 : i32, i32, i32
  }
  func.func @transform_1(%arg0: i32) -> (i32, i32) {
    %c0_i32 = arith.constant 0 : i32
    %c0_i32_0 = arith.constant 0 : i32
    %c0_i32_1 = arith.constant 0 : i32
    return %c0_i32, %c0_i32_0 : i32, i32
  }
  func.func @transform_2(%arg0: i32) -> (i32, i32) {
    %c0_i32 = arith.constant 0 : i32
    %c0_i32_0 = arith.constant 0 : i32
    %c0_i32_1 = arith.constant 0 : i32
    return %c0_i32, %c0_i32_0 : i32, i32
  }
  func.func @transform_3(%arg0: i32) -> (i32, i32) {
    %c0_i32 = arith.constant 0 : i32
    %c0_i32_0 = arith.constant 0 : i32
    return %arg0, %c0_i32 : i32, i32
  }
}

</mosaic_0001>

<sc_bundles>
// kernel: kernel.12.cloned.1.call-start
scs
__scs_entry_jumppad:
0x0: {  	(pc) =	sbr.rel $0x88, $3  }
0x1: {  	(tag) =	ssettag $0x0;
	lr =	simm.s32 $0x1  }
0x2: {  	[smem:$0x3F9B] =	sst lr;
	_ =	strace $0xD0000000  }
0x3: {  	_ = 	snop  }
0x4: {  	_ = 	snop  }
0x5: {  	_ = 	snop  }
0x6: {  	_ = 	snop  }
0x7: {  	_ = 	snop  }
__scs_overlays_trampoline_lowered:
0x8: {  	[smem:$0x3FAA] =	sst s0  }
0x9: {  	[smem:$0x3FAB] =	sst s1  }
0xa: {  	[smem:$0x3FAC] =	sst s2  }
0xb: {  	[smem:$0x3FAD] =	sst s3  }
0xc: {  	[smem:$0x3FAE] =	sst s4  }
0xd: {  	[smem:$0x3FAF] =	sst s5  }
0xe: {  	[smem:$0x3FB0] =	sst s6  }
0xf: {  	[smem:$0x3FB1] =	sst s7  }
0x10: {  	[smem:$0x3FB2] =	sst s8  }
0x11: {  	[smem:$0x3FB3] =	sst s9;
	s0 =	simm.s32 @!p0 $0x0  }
0x12: {  	s1 =	sld [smem:$0x3F99];
	s0 =	simm.s32 @p0 $0x1  }
0x13: {  	[smem:$0x3FB4] =	sst s0;
	s0 =	simm.s32 @!p1 $0x0  }
0x14: {  	s2 =	sld [smem:$0x3F98];
	s0 =	simm.s32 @p1 $0x1  }
0x15: {  	[smem:$0x3FB5] =	sst s0;
	s0 =	simm.s32 @!p2 $0x0  }
0x16: {  	s3 =	sld [smem:$0x3FDB];
	s0 =	simm.s32 @p2 $0x1  }
0x17: {  	s4 =	simm.s32 $0x1BF5;
	[smem:$0x3FB7] =	sst s0  }
0x18: {  	s0 =	sld [smem:$0x3F9A];
	_ =	swait.ge [sflag:s4], $0x0  }
0x19: {  	s7 =	sld [smem:$0x3F9B]  }
0x1a: {  	s8 =	sadd.s32 $0xFFFFE003, lr  }
0x1b: {  	s9 =	sadd.s32 $0xFFFFFEF7, lr;
	s5 =	simm.s32 $0xFFFFFFFF;
	p2 =	slt.u32 s8, $0xFFFFF086  }
0x1c: {  	p1 =	slt.u32 s9, $0xF7A;
	s5 =	simm.s32 @!p2 $0x0  }
0x1d: {  	s5 =	simm.s32 @p1 $0x1;
	p0 =	seq.s32 s7, s2  }
0x1e: {  	s7 =	smul.u32 @!p0 $0xF7A, s2;
	p2 =	seq.s32 @!p0 s5, $0x0  }
0x1f: {  	s9 =	smul.u32 $0xF7A, s1;
	s8 =	simm.s32 @!p0 $0x1BF5;
	p2 =	por !p2, p0  }
0x20: {  	[sflag:s8] =	ssyncset.s32 @!p0 $0xFFFFF086;
	s6 =	sadd.s32 @!p0 s3, s7;
	s7 =	simm.s32 @!p0 $0x108  }
0x21: {  	s3 =	sadd.s32 s3, s9;
	s6 =	sadd.s32 @!p0 $0x88, s6;
	s7 =	simm.s32 @p2 $0x1082  }
0x22: {  	[simem:s7], [sflag:s8] =	dma.local @!p0 [hbm:s6], $0xF7A  }
0x23: {  	s9 =	sor.u32 $0xD0000000, s2;
	s6 =	simm.s32 $0x108;
	_ =	swait.ge @!p0 [sflag:s8], $0x0  }
0x24: {  	s3 =	sadd.s32 $0x88, s3;
	s6 =	simm.s32 @!p1 $0x1082;
	[sflag:s4] =	ssyncset.s32 $0xFFFFF086  }
0x25: {  	[simem:s6], [sflag:s4] =	dma.local [hbm:s3], $0xF7A  }
0x26: {  	[smem:$0x3F9B] =	sst s1;
	(tag) =	ssettag s2;
	_ =	strace s9  }
0x27: {  	s1 =	sld [smem:$0x3FAB]  }
0x28: {  	s2 =	sld [smem:$0x3FAC]  }
0x29: {  	s4 =	sld [smem:$0x3FAE]  }
0x2a: {  	p0 =	seq.s32 s5, $0x0;
	s5 =	sld [smem:$0x3FAF]  }
0x2b: {  	s6 =	sld [smem:$0x3FB0]  }
0x2c: {  	s7 =	sld [smem:$0x3FB1]  }
0x2d: {  	s3 =	simm.s32 $0x108;
	s8 =	sld [smem:$0x3FB2]  }
0x2e: {  	s3 =	simm.s32 @!p0 $0x1082;
	s9 =	sld [smem:$0x3FB3]  }
0x2f: {  	lr =	sadd.s32 s0, s3;
	s0 =	sld [smem:$0x3FAA]  }
0x30: {  	s3 =	sld [smem:$0x3FAD]  }
0x31: {  	[smem:$0x3FB6] =	sst s10  }
0x32: {  	s10 =	sld [smem:$0x3FB4];
	_ =	sdelay $0x3  }
0x33: {  	p0 =	seq.s32 s10, $0x1;
	s10 =	sld [smem:$0x3FB6];
	_ =	sdelay $0x3  }
0x34: {  	[smem:$0x3FB6] =	sst s10  }
0x35: {  	s10 =	sld [smem:$0x3FB5];
	_ =	sdelay $0x3  }
0x36: {  	p1 =	seq.s32 s10, $0x1;
	s10 =	sld [smem:$0x3FB6];
	_ =	sdelay $0x3  }
0x37: {  	[smem:$0x3FB6] =	sst s10  }
0x38: {  	s10 =	sld [smem:$0x3FB7]  }
0x39: {  	_ = 	snop;
	(pc) =	sbr.ind lr, $3  }
0x3a: {  	_ = 	snop  }
0x3b: {  	_ = 	snop  }
0x3c: {  	p2 =	seq.s32 s10, $0x1;
	s10 =	sld [smem:$0x3FB6]  }
0x3d: {  	_ =	shalt  }
0x3e: {  	_ =	shalt  }
0x3f: {  	_ =	shalt  }
0x40: {  	_ =	shalt  }
0x41: {  	_ =	shalt  }
0x42: {  	_ =	shalt  }
0x43: {  	_ =	shalt  }
0x44: {  	_ =	shalt  }
0x45: {  	_ =	shalt  }
0x46: {  	_ =	shalt  }
0x47: {  	_ =	shalt  }
0x48: {  	_ =	shalt  }
0x49: {  	_ =	shalt  }
0x4a: {  	_ =	shalt  }
0x4b: {  	_ =	shalt  }
0x4c: {  	_ =	shalt  }
0x4d: {  	_ =	shalt  }
0x4e: {  	_ =	shalt  }
0x4f: {  	_ =	shalt  }
0x50: {  	_ =	shalt  }
0x51: {  	_ =	shalt  }
0x52: {  	_ =	shalt  }
0x53: {  	_ =	shalt  }
0x54: {  	_ =	shalt  }
0x55: {  	_ =	shalt  }
0x56: {  	_ =	shalt  }
0x57: {  	_ =	shalt  }
0x58: {  	_ =	shalt  }
0x59: {  	_ =	shalt  }
0x5a: {  	_ =	shalt  }
0x5b: {  	_ =	shalt  }
0x5c: {  	_ =	shalt  }
0x5d: {  	_ =	shalt  }
0x5e: {  	_ =	shalt  }
0x5f: {  	_ =	shalt  }
0x60: {  	_ =	shalt  }
0x61: {  	_ =	shalt  }
0x62: {  	_ =	shalt  }
0x63: {  	_ =	shalt  }
0x64: {  	_ =	shalt  }
0x65: {  	_ =	shalt  }
0x66: {  	_ =	shalt  }
0x67: {  	_ =	shalt  }
0x68: {  	_ =	shalt  }
0x69: {  	_ =	shalt  }
0x6a: {  	_ =	shalt  }
0x6b: {  	_ =	shalt  }
0x6c: {  	_ =	shalt  }
0x6d: {  	_ =	shalt  }
0x6e: {  	_ =	shalt  }
0x6f: {  	_ =	shalt  }
0x70: {  	_ =	shalt  }
0x71: {  	_ =	shalt  }
0x72: {  	_ =	shalt  }
0x73: {  	_ =	shalt  }
0x74: {  	_ =	shalt  }
0x75: {  	_ =	shalt  }
0x76: {  	_ =	shalt  }
0x77: {  	_ =	shalt  }
0x78: {  	_ =	shalt  }
0x79: {  	_ =	shalt  }
0x7a: {  	_ =	shalt  }
0x7b: {  	_ =	shalt  }
0x7c: {  	_ =	shalt  }
0x7d: {  	_ =	shalt  }
0x7e: {  	_ =	shalt  }
0x7f: {  	_ =	shalt  }
0x80: {  	_ =	shalt  }
0x81: {  	_ =	shalt  }
0x82: {  	_ =	shalt  }
0x83: {  	_ =	shalt  }
0x84: {  	_ =	shalt  }
0x85: {  	_ =	shalt  }
0x86: {  	_ =	shalt  }
0x87: {  	_ =	shalt  }
.Lfunc_end0:
.L_simem_size_0:
called_computation.1_lowered:
.L_overlay_start_0:
0x88: {  	s2 =	sld [smem:$0x3FD9]  }
0x89: {  	s3 =	sld [smem:$0x3FFE];
	_ =	sdelay $0x1  }
0x8a: {  	s1 =	srdreg.scid  }
0x8b: {  	s0 =	sand.u32 $0x1, s1  }
0x8c: {  	s16 =	sshll.u32 s0, $0xA;
	s2 =	sadd.s32 s3, s2  }
0x8d: {  	s2 =	sadd.s32 s2, s16  }
0x8e: {  	[smem:$0x3FC2] =	sst s2  }
0x8f: {  	_ = 	snop  }
0x90: {  	(tm) =	ssettm $0x1  }
0x91: {  	s17 =	sld [smem:$0x3FFB];
	_ =	sdelay $0x3  }
0x92: {  	_ =	strace s17  }
0x93: {  	s2 =	sld [smem:$0x3FFC];
	_ =	sdelay $0x3  }
0x94: {  	_ =	strace s2  }
0x95: {  	s2 =	sld [smem:$0x3FFD];
	_ =	sdelay $0x3  }
0x96: {  	_ =	strace s2  }
0x97: {  	_ =	strace $0x8FFFFFFF  }
0x98: {  	s18 =	sld [smem:$0x3FDB];
	_ =	sdelay $0x1  }
0x99: {  	s19 =	simm.s32 $_scs_section_size  }
0x9a: {  	s4 =	simm.s32 $_size__tile_overlayer_lowered;
	s5 =	simm.s32 $_tile_overlayer_lowered  }
0x9b: {  	s22 =	simm.s32 $0x1BFF;
	s21 =	sshll.u32 s5, $0x1;
	s2 =	sadd.s32 s19, s18  }
0x9c: {  	s6 =	simm.s32 $0x0;
	s20 =	sshll.u32 s4, $0x1;
	s4 =	sadd.s32 s21, s2  }
0x9d: {  	[timem:s6], [sflag:s22] =	dma.local [hbm:s4], s20  }
0x9e: {  	_ =	swait.ge [sflag:s22], s20  }
0x9f: {  	s3 =	ssub.s32 $0x0, s20;
	[sflag:s22] =	ssyncset.done $0x0  }
0xa0: {  	[sflag:s22] =	ssyncadd.s32 s3;
	_ =	sdelay $0x1  }
0xa1: {  	s23 =	simm.s32 $0x1B8B  }
0xa2: {  	_ =	swait.ge [sflag:s23], $0x1  }
0xa3: {  	[sflag:s23] =	ssyncset.done $0x0  }
0xa4: {  	s25 =	simm.s32 $0x1B8E;
	s24 =	sld [smem:$0x3FFE];
	[sflag:s23] =	ssyncadd.s32 $0xFFFFFFFF  }
0xa5: {  	s26 =	simm.s32 $execute0_lowered;
	[smem:$0x3FD2] =	sst s25  }
0xa6: {  	s4 =	sshll.u32 s26, $0x1;
	_ =	strace $0x80000049;
	[dreg:$0x1] =	wrdreg $0xFFFFFFFF  }
0xa7: {  	s28 =	simm.s32 $_size_execute0_lowered;
	s2 =	sadd.s32 s2, s4;
	[dreg:$0x0] =	wrdreg $0x0  }
0xa8: {  	s4 =	sshll.u32 s28, $0x1;
	[dreg:$0x2] =	wrdreg s2  }
0xa9: {  	[dreg:$0x3] =	wrdreg s4  }
0xaa: {  	[dreg:$0x4] =	wrdreg $0xC0  }
0xab: {  	_ =	task [dreg:s6], $0x5FFFF  }
0xac: {  	[dreg:$0x1] =	wrdreg $0xFFFFFFFF  }
0xad: {  	[dreg:$0x0] =	wrdreg $0x60  }
0xae: {  	[dreg:$0x2] =	wrdreg s24  }
0xaf: {  	[dreg:$0x3] =	wrdreg $0xAA000  }
0xb0: {  	[dreg:$0x4] =	wrdreg $0x9  }
0xb1: {  	_ =	task.clear_ibuf [dreg:s6], $0x5FFFF;
	_ =	strace $0x90000049  }
0xb2: {  	s29 =	simm.s32 $0x9;
	_ =	strace $0x8000004B  }
0xb3: {  	_ =	swait.ge [sflag:s29], $0x1  }
0xb4: {  	[sflag:s29] =	ssyncadd.s32 $0xFFFFFFFF  }
0xb5: {  	_ =	strace $0x9000004B  }
0xb6: {  	_ =	sfence  }
0xb7: {  	s30 =	sld [smem:$0x0];
	_ =	sdelay $0x2  }
0xb8: {  	s31 =	sshll.u32 s1, $0xD;
	s1 =	sshrl.u32 s1, $0x2  }
0xb9: {  	s3 =	sand.u32 $0x4000, s31;
	s1 =	sadd.s32 s1, s30  }
0xba: {  	s0 =	sor.u32 s3, s0;
	s1 =	sshll.u32 s1, $0x11  }
0xbb: {  	s0 =	sor.u32 s1, s0  }
0xbc: {  	s0 =	sadd.s32 $0x8F2B, s0  }
0xbd: {  	[sflag:s0] =	ssyncadd.remote.s32 $0x1  }
0xbe: {  	_ =	sfence.sel $0xFFFF  }
0xbf: {  	[dreg:$0x0] =	wrdreg $0xFFFFFFFF;
	(pc) =	sbr.abs _section_cstart, $3  }
0xc0: {  	[dreg:$0x1] =	wrdreg $0xFFFFFFFF  }
0xc1: {  	_ =	task.clear_ibuf [dreg:s6], $0x2FFFF;
	_ =	strace $0x9FFFFFFF  }
0xc2: {  	(tm) =	ssettm $0x7FFFFFFF  }
0xc3: {  	_ =	shalt  }
tec
execute0_lowered:
.L_overlay_start_1:
0x0: {  	(tag) =	ssettag $0x1  }
0x1: {  	s1 =	srdreg.scid;
	s5 =	rddreg [dreg:$0x0]  }
0x2: {  	s0 =	stileid.u32;
	s2 =	rddreg [dreg:$0x1];
	s3 =	simm.s32 $0x0  }
0x3: {  	s13 =	simm.s32 $0x2A00;
	s14 =	simm.s32 $0x80;
	s15 =	simm.s32 $0x2800  }
0x4: {  	s6 =	sand.u32 $0x1, s1;
	s1 =	rddreg [dreg:$0x2];
	s9 =	smul.u32 $0x4F000, s0  }
0x5: {  	s29 =	sshll.u32 s0, $0x1;
	[smem:$0x7FF] =	sst s3;
	s17 =	smul.u32 $0x2780, s0  }
0x6: {  	s18 =	sshll.u32 s0, $0x6;
	s4 =	sor.u32 s6, s29;
	s8 =	smul.u32 $0x27800, s6  }
0x7: {  	_ =	strace $0x8000004A;
	s6 =	ssub.s32 $0x2, s6;
	s7 =	smul.u32 $0x500, s4  }
0x8: {  	s4 =	sadd.s32 $0x15C00, s5;
	s30 =	sshrl.u32 s6, $0x1;
	s31 =	sshrl.u32 s9, $0x2  }
0x9: {  	s11 =	sadd.s32 s8, s5;
	s12 =	ssub.s32 s6, s30;
	s6 =	sadd.s32 s31, s2  }
0xa: {  	s7 =	sadd.s32 s7, s5;
	s8 =	sadd.s32 $0x8000, s6;
	s9 =	sadd.s32 $0xC000, s6  }
0xb: {  	s10 =	sadd.s32 $0x10000, s6;
	s16 =	sadd.s32 $0x3D400, s11;
	s11 =	smax.u32 s12, $0x1  }
0xc: {  	s12 =	simm.s32 $0x2;
	s5 =	sadd.s32 $0xBC00, s7;
	s7 =	sadd.s32 $0x4000, s6  }
0xd: {  	v0 =	vimm.f32 $0.0e+00;
	s16 =	sadd.s32 s17, s16;
	s17 =	sor.u32 $0x1C02, s18;
	s18 =	simm.s32 $0x0  }
.LBB2_1:
0xe: {  	[tilespmem:s3], [sflag:$0x2] =	stream.linear.gather [hbm4b:s5+s3], $0x2800, $0x38;
	[tilespmem:$0x1E600] =	vst v63  }
0xf: {  	s19 =	sand.u32 $0xFE00, s3;
	s20 =	sand.u32 $0x70, s3;
	_ =	swait.ge [sflag:s12], $0x2800  }
0x10: {  	s21 =	sshrl.u32 s19, $0x2;
	s19 =	simm.s32 $0x40;
	[sflag:s12] =	ssyncset.done $0x0  }
0x11: {  	s21 =	sor.u32 s20, s21;
	s20 =	simm.s32 $0x0;
	[sflag:s12] =	ssyncadd.s32 $0xFFFFD800  }
.LBB2_2:
0x12: {  	p0 =	sne.s32 s19, $0xFFC0  }
0x13: {  	[tilespmem:s21+$0x2A00] =	vst v0;
	s20 =	sadd.s32 $0x10, s20;
	s21 =	smov.u32 s19;
	s19 =	sadd.s32 $0x40, s19  }
.Ltmp0:
0x14: {  	(pc) =	sbr.rel @p0 .LBB2_2-.Ltmp0, $4  }
0x15: {  	_ = 	snop  }
0x16: {  	s21 =	sand.u32 $0xFE00, s21  }
0x17: {  	s22 =	sand.u32 $0x70, s20;
	s21 =	sshrl.u32 s21, $0x2  }
0x18: {  	s21 =	sor.u32 s22, s21  }
0x19: {  	[tilespmem:s21+$0x2A00] =	vst v0  }
0x1a: {  	[spmem:s6] =	stream.linear.scatter [tilespmem:s13], [sflag:$0x2], $0x4000, $0x38;
	[tilespmem:$0x1E600] =	vst v63  }
0x1b: {  	_ =	swait.ge [sflag:s12], $0x4000  }
0x1c: {  	[sflag:s12] =	ssyncset.done $0x0  }
0x1d: {  	[sflag:s12] =	ssyncadd.s32 $0xFFFFC000  }
0x1e: {  	[spmem:s7] =	stream.linear.scatter [tilespmem:s13], [sflag:$0x2], $0x4000, $0x38;
	[tilespmem:$0x1E600] =	vst v63  }
0x1f: {  	_ =	swait.ge [sflag:s12], $0x4000  }
0x20: {  	[sflag:s12] =	ssyncset.done $0x0  }
0x21: {  	[sflag:s12] =	ssyncadd.s32 $0xFFFFC000  }
0x22: {  	[spmem:s8] =	stream.linear.scatter [tilespmem:s13], [sflag:$0x2], $0x4000, $0x38;
	[tilespmem:$0x1E600] =	vst v63  }
0x23: {  	_ =	swait.ge [sflag:s12], $0x4000  }
0x24: {  	[sflag:s12] =	ssyncset.done $0x0  }
0x25: {  	[sflag:s12] =	ssyncadd.s32 $0xFFFFC000  }
0x26: {  	[spmem:s9] =	stream.linear.scatter [tilespmem:s13], [sflag:$0x2], $0x4000, $0x38;
	[tilespmem:$0x1E600] =	vst v63  }
0x27: {  	_ =	swait.ge [sflag:s12], $0x4000  }
0x28: {  	[sflag:s12] =	ssyncset.done $0x0  }
0x29: {  	[sflag:s12] =	ssyncadd.s32 $0xFFFFC000  }
0x2a: {  	[spmem:s10] =	stream.linear.scatter [tilespmem:s13], [sflag:$0x2], $0x3C00, $0x38;
	[tilespmem:$0x1E600] =	vst v63  }
0x2b: {  	_ =	swait.ge [sflag:s12], $0x3C00  }
0x2c: {  	[sflag:s12] =	ssyncset.done $0x0  }
0x2d: {  	[sflag:s12] =	ssyncadd.s32 $0xFFFFC400  }
0x2e: {  	v1 =	vld [tilespmem:$0x0];
	_ =	sdelay $0x1  }
0x2f: {  	v2 =	vld [tilespmem:$0x10];
	_ =	sdelay $0x1  }
0x30: {  	v3 =	vld [tilespmem:$0x20]  }
0x31: {  	v4 =	vand.u32 $0xFFFF, v1  }
0x32: {  	v62 =	vld [tilespmem:$0x30];
	v1 =	vshrl.u32 v1, $0x10;
	[tilespmem:$0x2800] =	vst v4  }
0x33: {  	[tilespmem:$0x2900] =	vst v1;
	v1 =	vand.u32 $0xFFFF, v2  }
0x34: {  	[tilespmem:$0x2810] =	vst v1;
	v1 =	vshrl.u32 v2, $0x10;
	v2 =	vld [tilespmem:$0x40]  }
0x35: {  	[tilespmem:$0x2910] =	vst v1;
	v1 =	vand.u32 $0xFFFF, v3  }
0x36: {  	[tilespmem:$0x2820] =	vst v1;
	v1 =	vshrl.u32 v3, $0x10;
	v3 =	vld [tilespmem:$0x50]  }
0x37: {  	[tilespmem:$0x2920] =	vst v1;
	v1 =	vand.u32 $0xFFFF, v62  }
0x38: {  	v63 =	vld [tilespmem:$0x60];
	[tilespmem:$0x2830] =	vst v1;
	v1 =	vshrl.u32 v62, $0x10  }
0x39: {  	[tilespmem:$0x2930] =	vst v1;
	v1 =	vand.u32 $0xFFFF, v2  }
0x3a: {  	[tilespmem:$0x2840] =	vst v1;
	v1 =	vshrl.u32 v2, $0x10;
	v2 =	vld [tilespmem:$0x70]  }
0x3b: {  	[tilespmem:$0x2940] =	vst v1;
	v1 =	vand.u32 $0xFFFF, v3  }
0x3c: {  	[tilespmem:$0x2850] =	vst v1;
	v1 =	vshrl.u32 v3, $0x10  }
0x3d: {  	[tilespmem:$0x2950] =	vst v1;
	v1 =	vand.u32 $0xFFFF, v63  }
0x3e: {  	[tilespmem:$0x2860] =	vst v1;
	v1 =	vshrl.u32 v63, $0x10  }
0x3f: {  	[tilespmem:$0x2960] =	vst v1;
	v1 =	vand.u32 $0xFFFF, v2  }
0x40: {  	[tilespmem:$0x2870] =	vst v1;
	v1 =	vshrl.u32 v2, $0x10  }
0x41: {  	p0 =	por $0x0, $0x0;
	[tilespmem:$0x2970] =	vst v1  }
0x42: {  	[tilespmem:s13], [sflag:$0x1] =	stream.indirect.gather [hbm4b:s4+s14], $0x80, s15, s14, $0xb8;
	[tilespmem:$0x1E600] =	vst v63  }
0x43: {  	s20 =	simm.s32 @p0 $0x1;
	[bflag:$0x0] =	sbarrier.arrive $0xFFFF  }
0x44: {  	_ =	swait.ge @p0 [sflag:s20], $0x4000  }
0x45: {  	[sflag:s20] =	ssyncset.done @p0 $0x0  }
0x46: {  	s19 =	simm.s32 $0xF0;
	[sflag:s20] =	ssyncadd.s32 @p0 $0xFFFFC000  }
0x47: {  	v1 =	vld @!p0 [tilespmem:s19+$0xFFFFFF90];
	_ =	sdelay $0x1  }
0x48: {  	s31 =	simm.s32 $0x0  }
0x49: {  	s22 =	sand.u32 $0x1, s31  }
0x4a: {  	s20 =	sxor.u32 @!p0 $0x1, s22  }
0x4b: {  	s25 =	sshll.u32 @!p0 s20, $0x7;
	v2 =	vand.u32 @!p0 $0xFFFF, v1  }
0x4c: {  	v1 =	vshrl.u32 @!p0 v1, $0x10;
	[tilespmem:s25+$0x2800] =	vst @!p0 v2  }
0x4d: {  	[tilespmem:s25+$0x2900] =	vst @!p0 v1  }
0x4e: {  	v1 =	vld @!p0 [tilespmem:s19+$0xFFFFFFA0];
	_ =	sdelay $0x4  }
0x4f: {  	v2 =	vand.u32 @!p0 $0xFFFF, v1  }
0x50: {  	v1 =	vshrl.u32 @!p0 v1, $0x10;
	[tilespmem:s25+$0x2810] =	vst @!p0 v2  }
0x51: {  	[tilespmem:s25+$0x2910] =	vst @!p0 v1  }
0x52: {  	v1 =	vld @!p0 [tilespmem:s19+$0xFFFFFFB0];
	_ =	sdelay $0x4  }
0x53: {  	v2 =	vand.u32 @!p0 $0xFFFF, v1  }
0x54: {  	v1 =	vshrl.u32 @!p0 v1, $0x10;
	[tilespmem:s25+$0x2820] =	vst @!p0 v2  }
0x55: {  	[tilespmem:s25+$0x2920] =	vst @!p0 v1  }
0x56: {  	v1 =	vld @!p0 [tilespmem:s19+$0xFFFFFFC0];
	_ =	sdelay $0x4  }
0x57: {  	v2 =	vand.u32 @!p0 $0xFFFF, v1  }
0x58: {  	v1 =	vshrl.u32 @!p0 v1, $0x10;
	[tilespmem:s25+$0x2830] =	vst @!p0 v2  }
0x59: {  	[tilespmem:s25+$0x2930] =	vst @!p0 v1  }
0x5a: {  	v1 =	vld @!p0 [tilespmem:s19+$0xFFFFFFD0];
	_ =	sdelay $0x4  }
0x5b: {  	v2 =	vand.u32 @!p0 $0xFFFF, v1  }
0x5c: {  	v1 =	vshrl.u32 @!p0 v1, $0x10;
	[tilespmem:s25+$0x2840] =	vst @!p0 v2  }
0x5d: {  	[tilespmem:s25+$0x2940] =	vst @!p0 v1  }
0x5e: {  	v1 =	vld @!p0 [tilespmem:s19+$0xFFFFFFE0];
	_ =	sdelay $0x4  }
0x5f: {  	v2 =	vand.u32 @!p0 $0xFFFF, v1  }
0x60: {  	v1 =	vshrl.u32 @!p0 v1, $0x10;
	[tilespmem:s25+$0x2850] =	vst @!p0 v2  }
0x61: {  	[tilespmem:s25+$0x2950] =	vst @!p0 v1  }
0x62: {  	v1 =	vld @!p0 [tilespmem:s19+$0xFFFFFFF0];
	_ =	sdelay $0x4  }
0x63: {  	v2 =	vand.u32 @!p0 $0xFFFF, v1  }
0x64: {  	v1 =	vshrl.u32 @!p0 v1, $0x10;
	[tilespmem:s25+$0x2860] =	vst @!p0 v2  }
0x65: {  	[tilespmem:s25+$0x2960] =	vst @!p0 v1  }
0x66: {  	v1 =	vld @!p0 [tilespmem:s19+$0x0];
	_ =	sdelay $0x3  }
0x67: {  	s26 =	simm.s32 @!p0 $0x1  }
0x68: {  	s28 =	simm.s32 @!p0 $0x80;
	s23 =	sshll.u32 s22, $0xE;
	s24 =	sshll.u32 s22, $0x7;
	v2 =	vand.u32 @!p0 $0xFFFF, v1  }
0x69: {  	s23 =	sor.u32 $0x2A00, s23;
	s24 =	sor.u32 $0x2900, s24;
	s21 =	sshll.u32 @!p0 s20, $0xE;
	v1 =	vshrl.u32 @!p0 v1, $0x10;
	[tilespmem:s25+$0x2870] =	vst @!p0 v2  }
0x6a: {  	s20 =	simm.s32 $0x1;
	s21 =	sor.u32 @!p0 $0x2A00, s21;
	s22 =	sor.u32 @!p0 $0x2800, s25;
	[tilespmem:s25+$0x2970] =	vst @!p0 v1  }
.LBB2_4:
0x6b: {  	_ =	swait.ge @!p0 [sflag:s26], $0x4000  }
0x6c: {  	s19 =	sadd.s32 $0x80, s19;
	s25 =	smov.u32 s20;
	s20 =	sadd.s32 $0x1, s20  }
0x6d: {  	p1 =	sne.s32 s20, $0x50;
	[sflag:s26] =	ssyncset.done @!p0 $0x0  }
0x6e: {  	[sflag:s26] =	ssyncadd.s32 @!p0 $0xFFFFC000  }
0x6f: {  	[tilespmem:s21], [sflag:$0x1] =	stream.indirect.gather @!p0 [hbm4b:s4+s28], $0x80, s22, s28, $0xb8;
	[tilespmem:$0x1E600] =	vst v63  }
0x70: {  	_ = 	snop  }
0x71: {  	[spmem:s2] =	stream.indirect.scatter.add.f32 [tilespmem:s23], [sflag:$0x2], $0x80, s24, s14, $0xb8;
	[tilespmem:$0x1E600] =	vst v63  }
0x72: {  	_ =	swait.ge [sflag:s12], $0x4000  }
0x73: {  	s22 =	sand.u32 $0x1, s25;
	p0 =	seq.s32 s25, $0x4F;
	[sflag:s12] =	ssyncset.done $0x0  }
0x74: {  	s25 =	simm.s32 @p0 $0x1;
	s26 =	sxor.u32 @!p0 $0x1, s22;
	[sflag:s12] =	ssyncadd.s32 $0xFFFFC000  }
0x75: {  	s21 =	sshll.u32 @!p0 s26, $0xE;
	s23 =	sshll.u32 s22, $0xE;
	_ =	swait.ge @p0 [sflag:s25], $0x4000  }
0x76: {  	s24 =	sshll.u32 s22, $0x7;
	s21 =	sor.u32 @!p0 $0x2A00, s21;
	[sflag:s25] =	ssyncset.done @p0 $0x0  }
0x77: {  	[sflag:s25] =	ssyncadd.s32 @p0 $0xFFFFC000  }
0x78: {  	v1 =	vld @!p0 [tilespmem:s19+$0xFFFFFF90];
	_ =	sdelay $0x4  }
0x79: {  	s25 =	sshll.u32 @!p0 s26, $0x7;
	v2 =	vand.u32 @!p0 $0xFFFF, v1;
	v1 =	vshrl.u32 @!p0 v1, $0x10  }
0x7a: {  	s22 =	sor.u32 @!p0 $0x2800, s25;
	[tilespmem:s25+$0x2800] =	vst @!p0 v2  }
0x7b: {  	[tilespmem:s25+$0x2900] =	vst @!p0 v1  }
0x7c: {  	v1 =	vld @!p0 [tilespmem:s19+$0xFFFFFFA0];
	_ =	sdelay $0x4  }
0x7d: {  	v2 =	vand.u32 @!p0 $0xFFFF, v1;
	v1 =	vshrl.u32 @!p0 v1, $0x10  }
0x7e: {  	[tilespmem:s25+$0x2810] =	vst @!p0 v2  }
0x7f: {  	[tilespmem:s25+$0x2910] =	vst @!p0 v1  }
0x80: {  	v1 =	vld @!p0 [tilespmem:s19+$0xFFFFFFB0];
	_ =	sdelay $0x4  }
0x81: {  	v2 =	vand.u32 @!p0 $0xFFFF, v1;
	v1 =	vshrl.u32 @!p0 v1, $0x10  }
0x82: {  	[tilespmem:s25+$0x2820] =	vst @!p0 v2  }
0x83: {  	[tilespmem:s25+$0x2920] =	vst @!p0 v1  }
0x84: {  	v1 =	vld @!p0 [tilespmem:s19+$0xFFFFFFC0];
	_ =	sdelay $0x4  }
0x85: {  	v2 =	vand.u32 @!p0 $0xFFFF, v1;
	v1 =	vshrl.u32 @!p0 v1, $0x10  }
0x86: {  	[tilespmem:s25+$0x2830] =	vst @!p0 v2  }
0x87: {  	[tilespmem:s25+$0x2930] =	vst @!p0 v1  }
0x88: {  	v1 =	vld @!p0 [tilespmem:s19+$0xFFFFFFD0];
	_ =	sdelay $0x4  }
0x89: {  	v2 =	vand.u32 @!p0 $0xFFFF, v1;
	v1 =	vshrl.u32 @!p0 v1, $0x10  }
0x8a: {  	[tilespmem:s25+$0x2840] =	vst @!p0 v2  }
0x8b: {  	[tilespmem:s25+$0x2940] =	vst @!p0 v1  }
0x8c: {  	v1 =	vld @!p0 [tilespmem:s19+$0xFFFFFFE0];
	_ =	sdelay $0x4  }
0x8d: {  	v2 =	vand.u32 @!p0 $0xFFFF, v1;
	v1 =	vshrl.u32 @!p0 v1, $0x10  }
0x8e: {  	[tilespmem:s25+$0x2850] =	vst @!p0 v2  }
0x8f: {  	[tilespmem:s25+$0x2950] =	vst @!p0 v1  }
0x90: {  	v1 =	vld @!p0 [tilespmem:s19+$0xFFFFFFF0];
	_ =	sdelay $0x4  }
0x91: {  	v2 =	vand.u32 @!p0 $0xFFFF, v1;
	v1 =	vshrl.u32 @!p0 v1, $0x10  }
0x92: {  	[tilespmem:s25+$0x2860] =	vst @!p0 v2  }
0x93: {  	s26 =	simm.s32 @!p0 $0x1;
	[tilespmem:s25+$0x2960] =	vst @!p0 v1  }
0x94: {  	v1 =	vld @!p0 [tilespmem:s19+$0x0];
	_ =	sdelay $0x1  }
0x95: {  	s28 =	simm.s32 @!p0 $0x80  }
.Ltmp1:
0x96: {  	(pc) =	sbr.rel @p1 .LBB2_4-.Ltmp1, $4  }
0x97: {  	s23 =	sor.u32 $0x2A00, s23;
	s24 =	sor.u32 $0x2900, s24  }
0x98: {  	v2 =	vand.u32 @!p0 $0xFFFF, v1;
	v1 =	vshrl.u32 @!p0 v1, $0x10  }
0x99: {  	[tilespmem:s25+$0x2870] =	vst @!p0 v2  }
0x9a: {  	[tilespmem:s25+$0x2970] =	vst @!p0 v1  }
0x9b: {  	_ =	swait.ge @!p0 [sflag:s26], $0x4000  }
0x9c: {  	[sflag:s26] =	ssyncset.done @!p0 $0x0  }
0x9d: {  	[sflag:s26] =	ssyncadd.s32 @!p0 $0xFFFFC000  }
0x9e: {  	[tilespmem:s21], [sflag:$0x1] =	stream.indirect.gather @!p0 [hbm4b:s4+s28], $0x80, s22, s28, $0xb8;
	[tilespmem:$0x1E600] =	vst v63  }
0x9f: {  	_ = 	snop  }
0xa0: {  	[spmem:s2] =	stream.indirect.scatter.add.f32 [tilespmem:s23], [sflag:$0x2], $0x80, s24, s14, $0xb8;
	[tilespmem:$0x1E600] =	vst v63  }
0xa1: {  	_ =	swait.ge [sflag:s12], $0x4000  }
0xa2: {  	s18 =	sadd.s32 $0x1, s18;
	[sflag:s12] =	ssyncset.done $0x0  }
0xa3: {  	p0 =	sne.s32 s18, s11;
	[sflag:s12] =	ssyncadd.s32 $0xFFFFC000  }
.Ltmp2:
0xa4: {  	s19 =	sshrl.u32 s6, $0x3;
	[bflag:$0x0] =	sbarrier.arrive $0xFFFF;
	(pc) =	sbr.rel @p0 .LBB2_1-.Ltmp2, $4  }
0xa5: {  	[hbm:s16], [sflag:s17] =	dma.local [spmem:s19], $0x2780  }
0xa6: {  	_ =	swait.ge [sflag:s12], $0x2780  }
0xa7: {  	[sflag:s12] =	ssyncset.done $0x0  }
0xa8: {  	[sflag:s12] =	ssyncadd.s32 $0xFFFFD880  }
0xa9: {  	_ =	sfence.sel $0x180000  }
0xaa: {  	[bflag:$0x0] =	sbarrier.arrive $0xFFFF  }
0xab: {  	p0 =	sne.s32 s0, $0x0;
	_ =	strace $0x9000004A  }
0xac: {  	s0 =	sadd.s32 @!p0 $0x100000, s1;
	[bflag:$0x2] =	sbarrier.arrive $0xFFFF  }
0xad: {  	[sflag:s0] =	ssyncadd.tile.s32 @!p0 $0x1;
	_ =	shalt  }
.Lfunc_end2:
_tile_overlayer_lowered:
.L_overlay_start_2:
0xae: {  	(tag) =	ssettag $0x2  }
0xaf: {  	s0 =	rddreg [dreg:$0x0];
	s2 =	stileid.u32  }
0xb0: {  	s1 =	rddreg [dreg:$0x1];
	p0 =	sne.s32 s2, $0x0  }
0xb1: {  	s3 =	rddreg [dreg:$0x2];
	[bflag:$0x3] =	sbarrier.arrive $0xFFFF;
	s2 =	simm.s32 @!p0 $0x1C02  }
0xb2: {  	[timem:s3], [sflag:s2] =	dma.local @!p0 [hbm:s0], s1  }
0xb3: {  	s0 =	simm.s32 @!p0 $0x2  }
0xb4: {  	_ =	swait.ge @!p0 [sflag:s0], s1  }
0xb5: {  	s1 =	ssub.s32 @!p0 $0x0, s1;
	[sflag:s0] =	ssyncset.done @!p0 $0x0  }
0xb6: {  	[sflag:s0] =	ssyncadd.s32 @!p0 s1  }
0xb7: {  	[bflag:$0x3] =	sbarrier.arrive $0xFFFF  }
0xb8: {  	_ =	shalt  }

// kernel: kernel.15.cloned.1.call-start
scs
__scs_entry_jumppad:
0x0: {  	(pc) =	sbr.rel $0x88, $3  }
0x1: {  	(tag) =	ssettag $0x0;
	lr =	simm.s32 $0x1  }
0x2: {  	[smem:$0x3F9B] =	sst lr;
	_ =	strace $0xD0000000  }
0x3: {  	_ = 	snop  }
0x4: {  	_ = 	snop  }
0x5: {  	_ = 	snop  }
0x6: {  	_ = 	snop  }
0x7: {  	_ = 	snop  }
__scs_overlays_trampoline_lowered:
0x8: {  	[smem:$0x3FAA] =	sst s0  }
0x9: {  	[smem:$0x3FAB] =	sst s1  }
0xa: {  	[smem:$0x3FAC] =	sst s2  }
0xb: {  	[smem:$0x3FAD] =	sst s3  }
0xc: {  	[smem:$0x3FAE] =	sst s4  }
0xd: {  	[smem:$0x3FAF] =	sst s5  }
0xe: {  	[smem:$0x3FB0] =	sst s6  }
0xf: {  	[smem:$0x3FB1] =	sst s7  }
0x10: {  	[smem:$0x3FB2] =	sst s8  }
0x11: {  	[smem:$0x3FB3] =	sst s9;
	s0 =	simm.s32 @!p0 $0x0  }
0x12: {  	s1 =	sld [smem:$0x3F99];
	s0 =	simm.s32 @p0 $0x1  }
0x13: {  	[smem:$0x3FB4] =	sst s0;
	s0 =	simm.s32 @!p1 $0x0  }
0x14: {  	s2 =	sld [smem:$0x3F98];
	s0 =	simm.s32 @p1 $0x1  }
0x15: {  	[smem:$0x3FB5] =	sst s0;
	s0 =	simm.s32 @!p2 $0x0  }
0x16: {  	s3 =	sld [smem:$0x3FDB];
	s0 =	simm.s32 @p2 $0x1  }
0x17: {  	s4 =	simm.s32 $0x1BF5;
	[smem:$0x3FB7] =	sst s0  }
0x18: {  	s0 =	sld [smem:$0x3F9A];
	_ =	swait.ge [sflag:s4], $0x0  }
0x19: {  	s7 =	sld [smem:$0x3F9B]  }
0x1a: {  	s8 =	sadd.s32 $0xFFFFE003, lr  }
0x1b: {  	s9 =	sadd.s32 $0xFFFFFEF7, lr;
	s5 =	simm.s32 $0xFFFFFFFF;
	p2 =	slt.u32 s8, $0xFFFFF086  }
0x1c: {  	p1 =	slt.u32 s9, $0xF7A;
	s5 =	simm.s32 @!p2 $0x0  }
0x1d: {  	s5 =	simm.s32 @p1 $0x1;
	p0 =	seq.s32 s7, s2  }
0x1e: {  	s7 =	smul.u32 @!p0 $0xF7A, s2;
	p2 =	seq.s32 @!p0 s5, $0x0  }
0x1f: {  	s9 =	smul.u32 $0xF7A, s1;
	s8 =	simm.s32 @!p0 $0x1BF5;
	p2 =	por !p2, p0  }
0x20: {  	[sflag:s8] =	ssyncset.s32 @!p0 $0xFFFFF086;
	s6 =	sadd.s32 @!p0 s3, s7;
	s7 =	simm.s32 @!p0 $0x108  }
0x21: {  	s3 =	sadd.s32 s3, s9;
	s6 =	sadd.s32 @!p0 $0x88, s6;
	s7 =	simm.s32 @p2 $0x1082  }
0x22: {  	[simem:s7], [sflag:s8] =	dma.local @!p0 [hbm:s6], $0xF7A  }
0x23: {  	s9 =	sor.u32 $0xD0000000, s2;
	s6 =	simm.s32 $0x108;
	_ =	swait.ge @!p0 [sflag:s8], $0x0  }
0x24: {  	s3 =	sadd.s32 $0x88, s3;
	s6 =	simm.s32 @!p1 $0x1082;
	[sflag:s4] =	ssyncset.s32 $0xFFFFF086  }
0x25: {  	[simem:s6], [sflag:s4] =	dma.local [hbm:s3], $0xF7A  }
0x26: {  	[smem:$0x3F9B] =	sst s1;
	(tag) =	ssettag s2;
	_ =	strace s9  }
0x27: {  	s1 =	sld [smem:$0x3FAB]  }
0x28: {  	s2 =	sld [smem:$0x3FAC]  }
0x29: {  	s4 =	sld [smem:$0x3FAE]  }
0x2a: {  	p0 =	seq.s32 s5, $0x0;
	s5 =	sld [smem:$0x3FAF]  }
0x2b: {  	s6 =	sld [smem:$0x3FB0]  }
0x2c: {  	s7 =	sld [smem:$0x3FB1]  }
0x2d: {  	s3 =	simm.s32 $0x108;
	s8 =	sld [smem:$0x3FB2]  }
0x2e: {  	s3 =	simm.s32 @!p0 $0x1082;
	s9 =	sld [smem:$0x3FB3]  }
0x2f: {  	lr =	sadd.s32 s0, s3;
	s0 =	sld [smem:$0x3FAA]  }
0x30: {  	s3 =	sld [smem:$0x3FAD]  }
0x31: {  	[smem:$0x3FB6] =	sst s10  }
0x32: {  	s10 =	sld [smem:$0x3FB4];
	_ =	sdelay $0x3  }
0x33: {  	p0 =	seq.s32 s10, $0x1;
	s10 =	sld [smem:$0x3FB6];
	_ =	sdelay $0x3  }
0x34: {  	[smem:$0x3FB6] =	sst s10  }
0x35: {  	s10 =	sld [smem:$0x3FB5];
	_ =	sdelay $0x3  }
0x36: {  	p1 =	seq.s32 s10, $0x1;
	s10 =	sld [smem:$0x3FB6];
	_ =	sdelay $0x3  }
0x37: {  	[smem:$0x3FB6] =	sst s10  }
0x38: {  	s10 =	sld [smem:$0x3FB7]  }
0x39: {  	_ = 	snop;
	(pc) =	sbr.ind lr, $3  }
0x3a: {  	_ = 	snop  }
0x3b: {  	_ = 	snop  }
0x3c: {  	p2 =	seq.s32 s10, $0x1;
	s10 =	sld [smem:$0x3FB6]  }
0x3d: {  	_ =	shalt  }
0x3e: {  	_ =	shalt  }
0x3f: {  	_ =	shalt  }
0x40: {  	_ =	shalt  }
0x41: {  	_ =	shalt  }
0x42: {  	_ =	shalt  }
0x43: {  	_ =	shalt  }
0x44: {  	_ =	shalt  }
0x45: {  	_ =	shalt  }
0x46: {  	_ =	shalt  }
0x47: {  	_ =	shalt  }
0x48: {  	_ =	shalt  }
0x49: {  	_ =	shalt  }
0x4a: {  	_ =	shalt  }
0x4b: {  	_ =	shalt  }
0x4c: {  	_ =	shalt  }
0x4d: {  	_ =	shalt  }
0x4e: {  	_ =	shalt  }
0x4f: {  	_ =	shalt  }
0x50: {  	_ =	shalt  }
0x51: {  	_ =	shalt  }
0x52: {  	_ =	shalt  }
0x53: {  	_ =	shalt  }
0x54: {  	_ =	shalt  }
0x55: {  	_ =	shalt  }
0x56: {  	_ =	shalt  }
0x57: {  	_ =	shalt  }
0x58: {  	_ =	shalt  }
0x59: {  	_ =	shalt  }
0x5a: {  	_ =	shalt  }
0x5b: {  	_ =	shalt  }
0x5c: {  	_ =	shalt  }
0x5d: {  	_ =	shalt  }
0x5e: {  	_ =	shalt  }
0x5f: {  	_ =	shalt  }
0x60: {  	_ =	shalt  }
0x61: {  	_ =	shalt  }
0x62: {  	_ =	shalt  }
0x63: {  	_ =	shalt  }
0x64: {  	_ =	shalt  }
0x65: {  	_ =	shalt  }
0x66: {  	_ =	shalt  }
0x67: {  	_ =	shalt  }
0x68: {  	_ =	shalt  }
0x69: {  	_ =	shalt  }
0x6a: {  	_ =	shalt  }
0x6b: {  	_ =	shalt  }
0x6c: {  	_ =	shalt  }
0x6d: {  	_ =	shalt  }
0x6e: {  	_ =	shalt  }
0x6f: {  	_ =	shalt  }
0x70: {  	_ =	shalt  }
0x71: {  	_ =	shalt  }
0x72: {  	_ =	shalt  }
0x73: {  	_ =	shalt  }
0x74: {  	_ =	shalt  }
0x75: {  	_ =	shalt  }
0x76: {  	_ =	shalt  }
0x77: {  	_ =	shalt  }
0x78: {  	_ =	shalt  }
0x79: {  	_ =	shalt  }
0x7a: {  	_ =	shalt  }
0x7b: {  	_ =	shalt  }
0x7c: {  	_ =	shalt  }
0x7d: {  	_ =	shalt  }
0x7e: {  	_ =	shalt  }
0x7f: {  	_ =	shalt  }
0x80: {  	_ =	shalt  }
0x81: {  	_ =	shalt  }
0x82: {  	_ =	shalt  }
0x83: {  	_ =	shalt  }
0x84: {  	_ =	shalt  }
0x85: {  	_ =	shalt  }
0x86: {  	_ =	shalt  }
0x87: {  	_ =	shalt  }
.Lfunc_end0:
.L_simem_size_0:
called_computation.2_lowered:
.L_overlay_start_0:
0x88: {  	s2 =	sld [smem:$0x3FD9]  }
0x89: {  	s3 =	sld [smem:$0x3FFE];
	_ =	sdelay $0x1  }
0x8a: {  	s1 =	srdreg.scid  }
0x8b: {  	s0 =	sand.u32 $0x1, s1  }
0x8c: {  	s16 =	sshll.u32 s0, $0xA;
	s2 =	sadd.s32 s3, s2  }
0x8d: {  	s2 =	sadd.s32 s2, s16  }
0x8e: {  	[smem:$0x3FC2] =	sst s2  }
0x8f: {  	_ = 	snop  }
0x90: {  	(tm) =	ssettm $0x1  }
0x91: {  	s17 =	sld [smem:$0x3FFB];
	_ =	sdelay $0x3  }
0x92: {  	_ =	strace s17  }
0x93: {  	s2 =	sld [smem:$0x3FFC];
	_ =	sdelay $0x3  }
0x94: {  	_ =	strace s2  }
0x95: {  	s2 =	sld [smem:$0x3FFD];
	_ =	sdelay $0x3  }
0x96: {  	_ =	strace s2  }
0x97: {  	_ =	strace $0x8FFFFFFF  }
0x98: {  	s18 =	sld [smem:$0x3FDB];
	_ =	sdelay $0x1  }
0x99: {  	s19 =	simm.s32 $_scs_section_size  }
0x9a: {  	s4 =	simm.s32 $_size__tile_overlayer_lowered;
	s5 =	simm.s32 $_tile_overlayer_lowered  }
0x9b: {  	s22 =	simm.s32 $0x1BFF;
	s21 =	sshll.u32 s5, $0x1;
	s2 =	sadd.s32 s19, s18  }
0x9c: {  	s6 =	simm.s32 $0x0;
	s20 =	sshll.u32 s4, $0x1;
	s4 =	sadd.s32 s21, s2  }
0x9d: {  	[timem:s6], [sflag:s22] =	dma.local [hbm:s4], s20  }
0x9e: {  	_ =	swait.ge [sflag:s22], s20  }
0x9f: {  	s3 =	ssub.s32 $0x0, s20;
	[sflag:s22] =	ssyncset.done $0x0  }
0xa0: {  	[sflag:s22] =	ssyncadd.s32 s3;
	_ =	sdelay $0x1  }
0xa1: {  	s23 =	simm.s32 $0x1B8B  }
0xa2: {  	_ =	swait.ge [sflag:s23], $0x1  }
0xa3: {  	[sflag:s23] =	ssyncset.done $0x0  }
0xa4: {  	s25 =	simm.s32 $0x1B8E;
	s24 =	sld [smem:$0x3FFE];
	[sflag:s23] =	ssyncadd.s32 $0xFFFFFFFF  }
0xa5: {  	s26 =	simm.s32 $execute0_lowered;
	[smem:$0x3FD2] =	sst s25  }
0xa6: {  	s4 =	sshll.u32 s26, $0x1;
	_ =	strace $0x8000004C;
	[dreg:$0x1] =	wrdreg $0xFFFFFFFF  }
0xa7: {  	s28 =	simm.s32 $_size_execute0_lowered;
	s2 =	sadd.s32 s2, s4;
	[dreg:$0x0] =	wrdreg $0x0  }
0xa8: {  	s4 =	sshll.u32 s28, $0x1;
	[dreg:$0x2] =	wrdreg s2  }
0xa9: {  	[dreg:$0x3] =	wrdreg s4  }
0xaa: {  	[dreg:$0x4] =	wrdreg $0xC0  }
0xab: {  	_ =	task [dreg:s6], $0x5FFFF  }
0xac: {  	[dreg:$0x1] =	wrdreg $0xFFFFFFFF  }
0xad: {  	[dreg:$0x0] =	wrdreg $0x60  }
0xae: {  	[dreg:$0x2] =	wrdreg s24  }
0xaf: {  	[dreg:$0x3] =	wrdreg $0xAA000  }
0xb0: {  	[dreg:$0x4] =	wrdreg $0x9  }
0xb1: {  	_ =	task.clear_ibuf [dreg:s6], $0x5FFFF;
	_ =	strace $0x9000004C  }
0xb2: {  	s29 =	simm.s32 $0x9;
	_ =	strace $0x8000004E  }
0xb3: {  	_ =	swait.ge [sflag:s29], $0x1  }
0xb4: {  	[sflag:s29] =	ssyncadd.s32 $0xFFFFFFFF  }
0xb5: {  	_ =	strace $0x9000004E  }
0xb6: {  	_ =	sfence  }
0xb7: {  	s30 =	sld [smem:$0x0];
	_ =	sdelay $0x2  }
0xb8: {  	s31 =	sshll.u32 s1, $0xD;
	s1 =	sshrl.u32 s1, $0x2  }
0xb9: {  	s3 =	sand.u32 $0x4000, s31;
	s1 =	sadd.s32 s1, s30  }
0xba: {  	s0 =	sor.u32 s3, s0;
	s1 =	sshll.u32 s1, $0x11  }
0xbb: {  	s0 =	sor.u32 s1, s0  }
0xbc: {  	s0 =	sadd.s32 $0x8F2B, s0  }
0xbd: {  	[sflag:s0] =	ssyncadd.remote.s32 $0x1  }
0xbe: {  	_ =	sfence.sel $0xFFFF  }
0xbf: {  	[dreg:$0x0] =	wrdreg $0xFFFFFFFF;
	(pc) =	sbr.abs _section_cstart, $3  }
0xc0: {  	[dreg:$0x1] =	wrdreg $0xFFFFFFFF  }
0xc1: {  	_ =	task.clear_ibuf [dreg:s6], $0x2FFFF;
	_ =	strace $0x9FFFFFFF  }
0xc2: {  	(tm) =	ssettm $0x7FFFFFFF  }
0xc3: {  	_ =	shalt  }
tec
execute0_lowered:
.L_overlay_start_1:
0x0: {  	(tag) =	ssettag $0x1  }
0x1: {  	s1 =	srdreg.scid;
	s5 =	rddreg [dreg:$0x0]  }
0x2: {  	s0 =	stileid.u32;
	s2 =	rddreg [dreg:$0x1];
	s3 =	simm.s32 $0x0  }
0x3: {  	s13 =	simm.s32 $0x2A00;
	s14 =	simm.s32 $0x80;
	s15 =	simm.s32 $0x2800  }
0x4: {  	s6 =	sand.u32 $0x1, s1;
	s1 =	rddreg [dreg:$0x2];
	s9 =	smul.u32 $0x4F000, s0  }
0x5: {  	s29 =	sshll.u32 s0, $0x1;
	[smem:$0x7FF] =	sst s3;
	s17 =	smul.u32 $0x2780, s0  }
0x6: {  	s18 =	sshll.u32 s0, $0x6;
	s4 =	sor.u32 s6, s29;
	s8 =	smul.u32 $0x27800, s6  }
0x7: {  	_ =	strace $0x8000004D;
	s6 =	ssub.s32 $0x2, s6;
	s7 =	smul.u32 $0x500, s4  }
0x8: {  	s4 =	sadd.s32 $0x15C00, s5;
	s30 =	sshrl.u32 s6, $0x1;
	s31 =	sshrl.u32 s9, $0x2  }
0x9: {  	s11 =	sadd.s32 s8, s5;
	s12 =	ssub.s32 s6, s30;
	s6 =	sadd.s32 s31, s2  }
0xa: {  	s7 =	sadd.s32 s7, s5;
	s8 =	sadd.s32 $0x8000, s6;
	s9 =	sadd.s32 $0xC000, s6  }
0xb: {  	s10 =	sadd.s32 $0x10000, s6;
	s16 =	sadd.s32 $0x3D400, s11;
	s11 =	smax.u32 s12, $0x1  }
0xc: {  	s12 =	simm.s32 $0x2;
	s5 =	sadd.s32 $0xBC00, s7;
	s7 =	sadd.s32 $0x4000, s6  }
0xd: {  	v0 =	vimm.f32 $0.0e+00;
	s16 =	sadd.s32 s17, s16;
	s17 =	sor.u32 $0x1C02, s18;
	s18 =	simm.s32 $0x0  }
.LBB2_1:
0xe: {  	[tilespmem:s3], [sflag:$0x2] =	stream.linear.gather [hbm4b:s5+s3], $0x2800, $0x38;
	[tilespmem:$0x1E600] =	vst v63  }
0xf: {  	s19 =	sand.u32 $0xFE00, s3;
	s20 =	sand.u32 $0x70, s3;
	_ =	swait.ge [sflag:s12], $0x2800  }
0x10: {  	s21 =	sshrl.u32 s19, $0x2;
	s19 =	simm.s32 $0x40;
	[sflag:s12] =	ssyncset.done $0x0  }
0x11: {  	s21 =	sor.u32 s20, s21;
	s20 =	simm.s32 $0x0;
	[sflag:s12] =	ssyncadd.s32 $0xFFFFD800  }
.LBB2_2:
0x12: {  	p0 =	sne.s32 s19, $0xFFC0  }
0x13: {  	[tilespmem:s21+$0x2A00] =	vst v0;
	s20 =	sadd.s32 $0x10, s20;
	s21 =	smov.u32 s19;
	s19 =	sadd.s32 $0x40, s19  }
.Ltmp0:
0x14: {  	(pc) =	sbr.rel @p0 .LBB2_2-.Ltmp0, $4  }
0x15: {  	_ = 	snop  }
0x16: {  	s21 =	sand.u32 $0xFE00, s21  }
0x17: {  	s22 =	sand.u32 $0x70, s20;
	s21 =	sshrl.u32 s21, $0x2  }
0x18: {  	s21 =	sor.u32 s22, s21  }
0x19: {  	[tilespmem:s21+$0x2A00] =	vst v0  }
0x1a: {  	[spmem:s6] =	stream.linear.scatter [tilespmem:s13], [sflag:$0x2], $0x4000, $0x38;
	[tilespmem:$0x1E600] =	vst v63  }
0x1b: {  	_ =	swait.ge [sflag:s12], $0x4000  }
0x1c: {  	[sflag:s12] =	ssyncset.done $0x0  }
0x1d: {  	[sflag:s12] =	ssyncadd.s32 $0xFFFFC000  }
0x1e: {  	[spmem:s7] =	stream.linear.scatter [tilespmem:s13], [sflag:$0x2], $0x4000, $0x38;
	[tilespmem:$0x1E600] =	vst v63  }
0x1f: {  	_ =	swait.ge [sflag:s12], $0x4000  }
0x20: {  	[sflag:s12] =	ssyncset.done $0x0  }
0x21: {  	[sflag:s12] =	ssyncadd.s32 $0xFFFFC000  }
0x22: {  	[spmem:s8] =	stream.linear.scatter [tilespmem:s13], [sflag:$0x2], $0x4000, $0x38;
	[tilespmem:$0x1E600] =	vst v63  }
0x23: {  	_ =	swait.ge [sflag:s12], $0x4000  }
0x24: {  	[sflag:s12] =	ssyncset.done $0x0  }
0x25: {  	[sflag:s12] =	ssyncadd.s32 $0xFFFFC000  }
0x26: {  	[spmem:s9] =	stream.linear.scatter [tilespmem:s13], [sflag:$0x2], $0x4000, $0x38;
	[tilespmem:$0x1E600] =	vst v63  }
0x27: {  	_ =	swait.ge [sflag:s12], $0x4000  }
0x28: {  	[sflag:s12] =	ssyncset.done $0x0  }
0x29: {  	[sflag:s12] =	ssyncadd.s32 $0xFFFFC000  }
0x2a: {  	[spmem:s10] =	stream.linear.scatter [tilespmem:s13], [sflag:$0x2], $0x3C00, $0x38;
	[tilespmem:$0x1E600] =	vst v63  }
0x2b: {  	_ =	swait.ge [sflag:s12], $0x3C00  }
0x2c: {  	[sflag:s12] =	ssyncset.done $0x0  }
0x2d: {  	[sflag:s12] =	ssyncadd.s32 $0xFFFFC400  }
0x2e: {  	v1 =	vld [tilespmem:$0x0];
	_ =	sdelay $0x1  }
0x2f: {  	v2 =	vld [tilespmem:$0x10];
	_ =	sdelay $0x1  }
0x30: {  	v3 =	vld [tilespmem:$0x20]  }
0x31: {  	v4 =	vand.u32 $0xFFFF, v1  }
0x32: {  	v62 =	vld [tilespmem:$0x30];
	v1 =	vshrl.u32 v1, $0x10;
	[tilespmem:$0x2800] =	vst v4  }
0x33: {  	[tilespmem:$0x2900] =	vst v1;
	v1 =	vand.u32 $0xFFFF, v2  }
0x34: {  	[tilespmem:$0x2810] =	vst v1;
	v1 =	vshrl.u32 v2, $0x10;
	v2 =	vld [tilespmem:$0x40]  }
0x35: {  	[tilespmem:$0x2910] =	vst v1;
	v1 =	vand.u32 $0xFFFF, v3  }
0x36: {  	[tilespmem:$0x2820] =	vst v1;
	v1 =	vshrl.u32 v3, $0x10;
	v3 =	vld [tilespmem:$0x50]  }
0x37: {  	[tilespmem:$0x2920] =	vst v1;
	v1 =	vand.u32 $0xFFFF, v62  }
0x38: {  	v63 =	vld [tilespmem:$0x60];
	[tilespmem:$0x2830] =	vst v1;
	v1 =	vshrl.u32 v62, $0x10  }
0x39: {  	[tilespmem:$0x2930] =	vst v1;
	v1 =	vand.u32 $0xFFFF, v2  }
0x3a: {  	[tilespmem:$0x2840] =	vst v1;
	v1 =	vshrl.u32 v2, $0x10;
	v2 =	vld [tilespmem:$0x70]  }
0x3b: {  	[tilespmem:$0x2940] =	vst v1;
	v1 =	vand.u32 $0xFFFF, v3  }
0x3c: {  	[tilespmem:$0x2850] =	vst v1;
	v1 =	vshrl.u32 v3, $0x10  }
0x3d: {  	[tilespmem:$0x2950] =	vst v1;
	v1 =	vand.u32 $0xFFFF, v63  }
0x3e: {  	[tilespmem:$0x2860] =	vst v1;
	v1 =	vshrl.u32 v63, $0x10  }
0x3f: {  	[tilespmem:$0x2960] =	vst v1;
	v1 =	vand.u32 $0xFFFF, v2  }
0x40: {  	[tilespmem:$0x2870] =	vst v1;
	v1 =	vshrl.u32 v2, $0x10  }
0x41: {  	p0 =	por $0x0, $0x0;
	[tilespmem:$0x2970] =	vst v1  }
0x42: {  	[tilespmem:s13], [sflag:$0x1] =	stream.indirect.gather [hbm4b:s4+s14], $0x80, s15, s14, $0xb8;
	[tilespmem:$0x1E600] =	vst v63  }
0x43: {  	s20 =	simm.s32 @p0 $0x1;
	[bflag:$0x0] =	sbarrier.arrive $0xFFFF  }
0x44: {  	_ =	swait.ge @p0 [sflag:s20], $0x4000  }
0x45: {  	[sflag:s20] =	ssyncset.done @p0 $0x0  }
0x46: {  	s19 =	simm.s32 $0xF0;
	[sflag:s20] =	ssyncadd.s32 @p0 $0xFFFFC000  }
0x47: {  	v1 =	vld @!p0 [tilespmem:s19+$0xFFFFFF90];
	_ =	sdelay $0x1  }
0x48: {  	s31 =	simm.s32 $0x0  }
0x49: {  	s22 =	sand.u32 $0x1, s31  }
0x4a: {  	s20 =	sxor.u32 @!p0 $0x1, s22  }
0x4b: {  	s25 =	sshll.u32 @!p0 s20, $0x7;
	v2 =	vand.u32 @!p0 $0xFFFF, v1  }
0x4c: {  	v1 =	vshrl.u32 @!p0 v1, $0x10;
	[tilespmem:s25+$0x2800] =	vst @!p0 v2  }
0x4d: {  	[tilespmem:s25+$0x2900] =	vst @!p0 v1  }
0x4e: {  	v1 =	vld @!p0 [tilespmem:s19+$0xFFFFFFA0];
	_ =	sdelay $0x4  }
0x4f: {  	v2 =	vand.u32 @!p0 $0xFFFF, v1  }
0x50: {  	v1 =	vshrl.u32 @!p0 v1, $0x10;
	[tilespmem:s25+$0x2810] =	vst @!p0 v2  }
0x51: {  	[tilespmem:s25+$0x2910] =	vst @!p0 v1  }
0x52: {  	v1 =	vld @!p0 [tilespmem:s19+$0xFFFFFFB0];
	_ =	sdelay $0x4  }
0x53: {  	v2 =	vand.u32 @!p0 $0xFFFF, v1  }
0x54: {  	v1 =	vshrl.u32 @!p0 v1, $0x10;
	[tilespmem:s25+$0x2820] =	vst @!p0 v2  }
0x55: {  	[tilespmem:s25+$0x2920] =	vst @!p0 v1  }
0x56: {  	v1 =	vld @!p0 [tilespmem:s19+$0xFFFFFFC0];
	_ =	sdelay $0x4  }
0x57: {  	v2 =	vand.u32 @!p0 $0xFFFF, v1  }
0x58: {  	v1 =	vshrl.u32 @!p0 v1, $0x10;
	[tilespmem:s25+$0x2830] =	vst @!p0 v2  }
0x59: {  	[tilespmem:s25+$0x2930] =	vst @!p0 v1  }
0x5a: {  	v1 =	vld @!p0 [tilespmem:s19+$0xFFFFFFD0];
	_ =	sdelay $0x4  }
0x5b: {  	v2 =	vand.u32 @!p0 $0xFFFF, v1  }
0x5c: {  	v1 =	vshrl.u32 @!p0 v1, $0x10;
	[tilespmem:s25+$0x2840] =	vst @!p0 v2  }
0x5d: {  	[tilespmem:s25+$0x2940] =	vst @!p0 v1  }
0x5e: {  	v1 =	vld @!p0 [tilespmem:s19+$0xFFFFFFE0];
	_ =	sdelay $0x4  }
0x5f: {  	v2 =	vand.u32 @!p0 $0xFFFF, v1  }
0x60: {  	v1 =	vshrl.u32 @!p0 v1, $0x10;
	[tilespmem:s25+$0x2850] =	vst @!p0 v2  }
0x61: {  	[tilespmem:s25+$0x2950] =	vst @!p0 v1  }
0x62: {  	v1 =	vld @!p0 [tilespmem:s19+$0xFFFFFFF0];
	_ =	sdelay $0x4  }
0x63: {  	v2 =	vand.u32 @!p0 $0xFFFF, v1  }
0x64: {  	v1 =	vshrl.u32 @!p0 v1, $0x10;
	[tilespmem:s25+$0x2860] =	vst @!p0 v2  }
0x65: {  	[tilespmem:s25+$0x2960] =	vst @!p0 v1  }
0x66: {  	v1 =	vld @!p0 [tilespmem:s19+$0x0];
	_ =	sdelay $0x3  }
0x67: {  	s26 =	simm.s32 @!p0 $0x1  }
0x68: {  	s28 =	simm.s32 @!p0 $0x80;
	s23 =	sshll.u32 s22, $0xE;
	s24 =	sshll.u32 s22, $0x7;
	v2 =	vand.u32 @!p0 $0xFFFF, v1  }
0x69: {  	s23 =	sor.u32 $0x2A00, s23;
	s24 =	sor.u32 $0x2900, s24;
	s21 =	sshll.u32 @!p0 s20, $0xE;
	v1 =	vshrl.u32 @!p0 v1, $0x10;
	[tilespmem:s25+$0x2870] =	vst @!p0 v2  }
0x6a: {  	s20 =	simm.s32 $0x1;
	s21 =	sor.u32 @!p0 $0x2A00, s21;
	s22 =	sor.u32 @!p0 $0x2800, s25;
	[tilespmem:s25+$0x2970] =	vst @!p0 v1  }
.LBB2_4:
0x6b: {  	_ =	swait.ge @!p0 [sflag:s26], $0x4000  }
0x6c: {  	s19 =	sadd.s32 $0x80, s19;
	s25 =	smov.u32 s20;
	s20 =	sadd.s32 $0x1, s20  }
0x6d: {  	p1 =	sne.s32 s20, $0x50;
	[sflag:s26] =	ssyncset.done @!p0 $0x0  }
0x6e: {  	[sflag:s26] =	ssyncadd.s32 @!p0 $0xFFFFC000  }
0x6f: {  	[tilespmem:s21], [sflag:$0x1] =	stream.indirect.gather @!p0 [hbm4b:s4+s28], $0x80, s22, s28, $0xb8;
	[tilespmem:$0x1E600] =	vst v63  }
0x70: {  	_ = 	snop  }
0x71: {  	[spmem:s2] =	stream.indirect.scatter.add.f32 [tilespmem:s23], [sflag:$0x2], $0x80, s24, s14, $0xb8;
	[tilespmem:$0x1E600] =	vst v63  }
0x72: {  	_ =	swait.ge [sflag:s12], $0x4000  }
0x73: {  	s22 =	sand.u32 $0x1, s25;
	p0 =	seq.s32 s25, $0x4F;
	[sflag:s12] =	ssyncset.done $0x0  }
0x74: {  	s25 =	simm.s32 @p0 $0x1;
	s26 =	sxor.u32 @!p0 $0x1, s22;
	[sflag:s12] =	ssyncadd.s32 $0xFFFFC000  }
0x75: {  	s21 =	sshll.u32 @!p0 s26, $0xE;
	s23 =	sshll.u32 s22, $0xE;
	_ =	swait.ge @p0 [sflag:s25], $0x4000  }
0x76: {  	s24 =	sshll.u32 s22, $0x7;
	s21 =	sor.u32 @!p0 $0x2A00, s21;
	[sflag:s25] =	ssyncset.done @p0 $0x0  }
0x77: {  	[sflag:s25] =	ssyncadd.s32 @p0 $0xFFFFC000  }
0x78: {  	v1 =	vld @!p0 [tilespmem:s19+$0xFFFFFF90];
	_ =	sdelay $0x4  }
0x79: {  	s25 =	sshll.u32 @!p0 s26, $0x7;
	v2 =	vand.u32 @!p0 $0xFFFF, v1;
	v1 =	vshrl.u32 @!p0 v1, $0x10  }
0x7a: {  	s22 =	sor.u32 @!p0 $0x2800, s25;
	[tilespmem:s25+$0x2800] =	vst @!p0 v2  }
0x7b: {  	[tilespmem:s25+$0x2900] =	vst @!p0 v1  }
0x7c: {  	v1 =	vld @!p0 [tilespmem:s19+$0xFFFFFFA0];
	_ =	sdelay $0x4  }
0x7d: {  	v2 =	vand.u32 @!p0 $0xFFFF, v1;
	v1 =	vshrl.u32 @!p0 v1, $0x10  }
0x7e: {  	[tilespmem:s25+$0x2810] =	vst @!p0 v2  }
0x7f: {  	[tilespmem:s25+$0x2910] =	vst @!p0 v1  }
0x80: {  	v1 =	vld @!p0 [tilespmem:s19+$0xFFFFFFB0];
	_ =	sdelay $0x4  }
0x81: {  	v2 =	vand.u32 @!p0 $0xFFFF, v1;
	v1 =	vshrl.u32 @!p0 v1, $0x10  }
0x82: {  	[tilespmem:s25+$0x2820] =	vst @!p0 v2  }
0x83: {  	[tilespmem:s25+$0x2920] =	vst @!p0 v1  }
0x84: {  	v1 =	vld @!p0 [tilespmem:s19+$0xFFFFFFC0];
	_ =	sdelay $0x4  }
0x85: {  	v2 =	vand.u32 @!p0 $0xFFFF, v1;
	v1 =	vshrl.u32 @!p0 v1, $0x10  }
0x86: {  	[tilespmem:s25+$0x2830] =	vst @!p0 v2  }
0x87: {  	[tilespmem:s25+$0x2930] =	vst @!p0 v1  }
0x88: {  	v1 =	vld @!p0 [tilespmem:s19+$0xFFFFFFD0];
	_ =	sdelay $0x4  }
0x89: {  	v2 =	vand.u32 @!p0 $0xFFFF, v1;
	v1 =	vshrl.u32 @!p0 v1, $0x10  }
0x8a: {  	[tilespmem:s25+$0x2840] =	vst @!p0 v2  }
0x8b: {  	[tilespmem:s25+$0x2940] =	vst @!p0 v1  }
0x8c: {  	v1 =	vld @!p0 [tilespmem:s19+$0xFFFFFFE0];
	_ =	sdelay $0x4  }
0x8d: {  	v2 =	vand.u32 @!p0 $0xFFFF, v1;
	v1 =	vshrl.u32 @!p0 v1, $0x10  }
0x8e: {  	[tilespmem:s25+$0x2850] =	vst @!p0 v2  }
0x8f: {  	[tilespmem:s25+$0x2950] =	vst @!p0 v1  }
0x90: {  	v1 =	vld @!p0 [tilespmem:s19+$0xFFFFFFF0];
	_ =	sdelay $0x4  }
0x91: {  	v2 =	vand.u32 @!p0 $0xFFFF, v1;
	v1 =	vshrl.u32 @!p0 v1, $0x10  }
0x92: {  	[tilespmem:s25+$0x2860] =	vst @!p0 v2  }
0x93: {  	s26 =	simm.s32 @!p0 $0x1;
	[tilespmem:s25+$0x2960] =	vst @!p0 v1  }
0x94: {  	v1 =	vld @!p0 [tilespmem:s19+$0x0];
	_ =	sdelay $0x1  }
0x95: {  	s28 =	simm.s32 @!p0 $0x80  }
.Ltmp1:
0x96: {  	(pc) =	sbr.rel @p1 .LBB2_4-.Ltmp1, $4  }
0x97: {  	s23 =	sor.u32 $0x2A00, s23;
	s24 =	sor.u32 $0x2900, s24  }
0x98: {  	v2 =	vand.u32 @!p0 $0xFFFF, v1;
	v1 =	vshrl.u32 @!p0 v1, $0x10  }
0x99: {  	[tilespmem:s25+$0x2870] =	vst @!p0 v2  }
0x9a: {  	[tilespmem:s25+$0x2970] =	vst @!p0 v1  }
0x9b: {  	_ =	swait.ge @!p0 [sflag:s26], $0x4000  }
0x9c: {  	[sflag:s26] =	ssyncset.done @!p0 $0x0  }
0x9d: {  	[sflag:s26] =	ssyncadd.s32 @!p0 $0xFFFFC000  }
0x9e: {  	[tilespmem:s21], [sflag:$0x1] =	stream.indirect.gather @!p0 [hbm4b:s4+s28], $0x80, s22, s28, $0xb8;
	[tilespmem:$0x1E600] =	vst v63  }
0x9f: {  	_ = 	snop  }
0xa0: {  	[spmem:s2] =	stream.indirect.scatter.add.f32 [tilespmem:s23], [sflag:$0x2], $0x80, s24, s14, $0xb8;
	[tilespmem:$0x1E600] =	vst v63  }
0xa1: {  	_ =	swait.ge [sflag:s12], $0x4000  }
0xa2: {  	s18 =	sadd.s32 $0x1, s18;
	[sflag:s12] =	ssyncset.done $0x0  }
0xa3: {  	p0 =	sne.s32 s18, s11;
	[sflag:s12] =	ssyncadd.s32 $0xFFFFC000  }
.Ltmp2:
0xa4: {  	s19 =	sshrl.u32 s6, $0x3;
	[bflag:$0x0] =	sbarrier.arrive $0xFFFF;
	(pc) =	sbr.rel @p0 .LBB2_1-.Ltmp2, $4  }
0xa5: {  	[hbm:s16], [sflag:s17] =	dma.local [spmem:s19], $0x2780  }
0xa6: {  	_ =	swait.ge [sflag:s12], $0x2780  }
0xa7: {  	[sflag:s12] =	ssyncset.done $0x0  }
0xa8: {  	[sflag:s12] =	ssyncadd.s32 $0xFFFFD880  }
0xa9: {  	_ =	sfence.sel $0x180000  }
0xaa: {  	[bflag:$0x0] =	sbarrier.arrive $0xFFFF  }
0xab: {  	p0 =	sne.s32 s0, $0x0;
	_ =	strace $0x9000004D  }
0xac: {  	s0 =	sadd.s32 @!p0 $0x100000, s1;
	[bflag:$0x2] =	sbarrier.arrive $0xFFFF  }
0xad: {  	[sflag:s0] =	ssyncadd.tile.s32 @!p0 $0x1;
	_ =	shalt  }
.Lfunc_end2:
_tile_overlayer_lowered:
.L_overlay_start_2:
0xae: {  	(tag) =	ssettag $0x2  }
0xaf: {  	s0 =	rddreg [dreg:$0x0];
	s2 =	stileid.u32  }
0xb0: {  	s1 =	rddreg [dreg:$0x1];
	p0 =	sne.s32 s2, $0x0  }
0xb1: {  	s3 =	rddreg [dreg:$0x2];
	[bflag:$0x3] =	sbarrier.arrive $0xFFFF;
	s2 =	simm.s32 @!p0 $0x1C02  }
0xb2: {  	[timem:s3], [sflag:s2] =	dma.local @!p0 [hbm:s0], s1  }
0xb3: {  	s0 =	simm.s32 @!p0 $0x2  }
0xb4: {  	_ =	swait.ge @!p0 [sflag:s0], s1  }
0xb5: {  	s1 =	ssub.s32 @!p0 $0x0, s1;
	[sflag:s0] =	ssyncset.done @!p0 $0x0  }
0xb6: {  	[sflag:s0] =	ssyncadd.s32 @!p0 s1  }
0xb7: {  	[bflag:$0x3] =	sbarrier.arrive $0xFFFF  }
0xb8: {  	_ =	shalt  }

// kernel: kernel.9.cloned.1.call-start
scs
__scs_entry_jumppad:
0x0: {  	(pc) =	sbr.rel $0x88, $3  }
0x1: {  	(tag) =	ssettag $0x0;
	lr =	simm.s32 $0x1  }
0x2: {  	[smem:$0x3F9B] =	sst lr;
	_ =	strace $0xD0000000  }
0x3: {  	_ = 	snop  }
0x4: {  	_ = 	snop  }
0x5: {  	_ = 	snop  }
0x6: {  	_ = 	snop  }
0x7: {  	_ = 	snop  }
__scs_overlays_trampoline_lowered:
0x8: {  	[smem:$0x3FAA] =	sst s0  }
0x9: {  	[smem:$0x3FAB] =	sst s1  }
0xa: {  	[smem:$0x3FAC] =	sst s2  }
0xb: {  	[smem:$0x3FAD] =	sst s3  }
0xc: {  	[smem:$0x3FAE] =	sst s4  }
0xd: {  	[smem:$0x3FAF] =	sst s5  }
0xe: {  	[smem:$0x3FB0] =	sst s6  }
0xf: {  	[smem:$0x3FB1] =	sst s7  }
0x10: {  	[smem:$0x3FB2] =	sst s8  }
0x11: {  	[smem:$0x3FB3] =	sst s9;
	s0 =	simm.s32 @!p0 $0x0  }
0x12: {  	s1 =	sld [smem:$0x3F99];
	s0 =	simm.s32 @p0 $0x1  }
0x13: {  	[smem:$0x3FB4] =	sst s0;
	s0 =	simm.s32 @!p1 $0x0  }
0x14: {  	s2 =	sld [smem:$0x3F98];
	s0 =	simm.s32 @p1 $0x1  }
0x15: {  	[smem:$0x3FB5] =	sst s0;
	s0 =	simm.s32 @!p2 $0x0  }
0x16: {  	s3 =	sld [smem:$0x3FDB];
	s0 =	simm.s32 @p2 $0x1  }
0x17: {  	s4 =	simm.s32 $0x1BF5;
	[smem:$0x3FB7] =	sst s0  }
0x18: {  	s0 =	sld [smem:$0x3F9A];
	_ =	swait.ge [sflag:s4], $0x0  }
0x19: {  	s7 =	sld [smem:$0x3F9B]  }
0x1a: {  	s8 =	sadd.s32 $0xFFFFE003, lr  }
0x1b: {  	s9 =	sadd.s32 $0xFFFFFEF7, lr;
	s5 =	simm.s32 $0xFFFFFFFF;
	p2 =	slt.u32 s8, $0xFFFFF086  }
0x1c: {  	p1 =	slt.u32 s9, $0xF7A;
	s5 =	simm.s32 @!p2 $0x0  }
0x1d: {  	s5 =	simm.s32 @p1 $0x1;
	p0 =	seq.s32 s7, s2  }
0x1e: {  	s7 =	smul.u32 @!p0 $0xF7A, s2;
	p2 =	seq.s32 @!p0 s5, $0x0  }
0x1f: {  	s9 =	smul.u32 $0xF7A, s1;
	s8 =	simm.s32 @!p0 $0x1BF5;
	p2 =	por !p2, p0  }
0x20: {  	[sflag:s8] =	ssyncset.s32 @!p0 $0xFFFFF086;
	s6 =	sadd.s32 @!p0 s3, s7;
	s7 =	simm.s32 @!p0 $0x108  }
0x21: {  	s3 =	sadd.s32 s3, s9;
	s6 =	sadd.s32 @!p0 $0x88, s6;
	s7 =	simm.s32 @p2 $0x1082  }
0x22: {  	[simem:s7], [sflag:s8] =	dma.local @!p0 [hbm:s6], $0xF7A  }
0x23: {  	s9 =	sor.u32 $0xD0000000, s2;
	s6 =	simm.s32 $0x108;
	_ =	swait.ge @!p0 [sflag:s8], $0x0  }
0x24: {  	s3 =	sadd.s32 $0x88, s3;
	s6 =	simm.s32 @!p1 $0x1082;
	[sflag:s4] =	ssyncset.s32 $0xFFFFF086  }
0x25: {  	[simem:s6], [sflag:s4] =	dma.local [hbm:s3], $0xF7A  }
0x26: {  	[smem:$0x3F9B] =	sst s1;
	(tag) =	ssettag s2;
	_ =	strace s9  }
0x27: {  	s1 =	sld [smem:$0x3FAB]  }
0x28: {  	s2 =	sld [smem:$0x3FAC]  }
0x29: {  	s4 =	sld [smem:$0x3FAE]  }
0x2a: {  	p0 =	seq.s32 s5, $0x0;
	s5 =	sld [smem:$0x3FAF]  }
0x2b: {  	s6 =	sld [smem:$0x3FB0]  }
0x2c: {  	s7 =	sld [smem:$0x3FB1]  }
0x2d: {  	s3 =	simm.s32 $0x108;
	s8 =	sld [smem:$0x3FB2]  }
0x2e: {  	s3 =	simm.s32 @!p0 $0x1082;
	s9 =	sld [smem:$0x3FB3]  }
0x2f: {  	lr =	sadd.s32 s0, s3;
	s0 =	sld [smem:$0x3FAA]  }
0x30: {  	s3 =	sld [smem:$0x3FAD]  }
0x31: {  	[smem:$0x3FB6] =	sst s10  }
0x32: {  	s10 =	sld [smem:$0x3FB4];
	_ =	sdelay $0x3  }
0x33: {  	p0 =	seq.s32 s10, $0x1;
	s10 =	sld [smem:$0x3FB6];
	_ =	sdelay $0x3  }
0x34: {  	[smem:$0x3FB6] =	sst s10  }
0x35: {  	s10 =	sld [smem:$0x3FB5];
	_ =	sdelay $0x3  }
0x36: {  	p1 =	seq.s32 s10, $0x1;
	s10 =	sld [smem:$0x3FB6];
	_ =	sdelay $0x3  }
0x37: {  	[smem:$0x3FB6] =	sst s10  }
0x38: {  	s10 =	sld [smem:$0x3FB7]  }
0x39: {  	_ = 	snop;
	(pc) =	sbr.ind lr, $3  }
0x3a: {  	_ = 	snop  }
0x3b: {  	_ = 	snop  }
0x3c: {  	p2 =	seq.s32 s10, $0x1;
	s10 =	sld [smem:$0x3FB6]  }
0x3d: {  	_ =	shalt  }
0x3e: {  	_ =	shalt  }
0x3f: {  	_ =	shalt  }
0x40: {  	_ =	shalt  }
0x41: {  	_ =	shalt  }
0x42: {  	_ =	shalt  }
0x43: {  	_ =	shalt  }
0x44: {  	_ =	shalt  }
0x45: {  	_ =	shalt  }
0x46: {  	_ =	shalt  }
0x47: {  	_ =	shalt  }
0x48: {  	_ =	shalt  }
0x49: {  	_ =	shalt  }
0x4a: {  	_ =	shalt  }
0x4b: {  	_ =	shalt  }
0x4c: {  	_ =	shalt  }
0x4d: {  	_ =	shalt  }
0x4e: {  	_ =	shalt  }
0x4f: {  	_ =	shalt  }
0x50: {  	_ =	shalt  }
0x51: {  	_ =	shalt  }
0x52: {  	_ =	shalt  }
0x53: {  	_ =	shalt  }
0x54: {  	_ =	shalt  }
0x55: {  	_ =	shalt  }
0x56: {  	_ =	shalt  }
0x57: {  	_ =	shalt  }
0x58: {  	_ =	shalt  }
0x59: {  	_ =	shalt  }
0x5a: {  	_ =	shalt  }
0x5b: {  	_ =	shalt  }
0x5c: {  	_ =	shalt  }
0x5d: {  	_ =	shalt  }
0x5e: {  	_ =	shalt  }
0x5f: {  	_ =	shalt  }
0x60: {  	_ =	shalt  }
0x61: {  	_ =	shalt  }
0x62: {  	_ =	shalt  }
0x63: {  	_ =	shalt  }
0x64: {  	_ =	shalt  }
0x65: {  	_ =	shalt  }
0x66: {  	_ =	shalt  }
0x67: {  	_ =	shalt  }
0x68: {  	_ =	shalt  }
0x69: {  	_ =	shalt  }
0x6a: {  	_ =	shalt  }
0x6b: {  	_ =	shalt  }
0x6c: {  	_ =	shalt  }
0x6d: {  	_ =	shalt  }
0x6e: {  	_ =	shalt  }
0x6f: {  	_ =	shalt  }
0x70: {  	_ =	shalt  }
0x71: {  	_ =	shalt  }
0x72: {  	_ =	shalt  }
0x73: {  	_ =	shalt  }
0x74: {  	_ =	shalt  }
0x75: {  	_ =	shalt  }
0x76: {  	_ =	shalt  }
0x77: {  	_ =	shalt  }
0x78: {  	_ =	shalt  }
0x79: {  	_ =	shalt  }
0x7a: {  	_ =	shalt  }
0x7b: {  	_ =	shalt  }
0x7c: {  	_ =	shalt  }
0x7d: {  	_ =	shalt  }
0x7e: {  	_ =	shalt  }
0x7f: {  	_ =	shalt  }
0x80: {  	_ =	shalt  }
0x81: {  	_ =	shalt  }
0x82: {  	_ =	shalt  }
0x83: {  	_ =	shalt  }
0x84: {  	_ =	shalt  }
0x85: {  	_ =	shalt  }
0x86: {  	_ =	shalt  }
0x87: {  	_ =	shalt  }
.Lfunc_end0:
.L_simem_size_0:
called_computation_lowered:
.L_overlay_start_0:
0x88: {  	s2 =	sld [smem:$0x3FD9]  }
0x89: {  	s3 =	sld [smem:$0x3FFE];
	_ =	sdelay $0x1  }
0x8a: {  	s1 =	srdreg.scid  }
0x8b: {  	s0 =	sand.u32 $0x1, s1  }
0x8c: {  	s17 =	sshll.u32 s0, $0xA;
	s2 =	sadd.s32 s3, s2  }
0x8d: {  	s2 =	sadd.s32 s2, s17  }
0x8e: {  	[smem:$0x3FC2] =	sst s2  }
0x8f: {  	_ = 	snop  }
0x90: {  	s2 =	sld [smem:$0x3FD0];
	(tm) =	ssettm $0x1  }
0x91: {  	s18 =	sld [smem:$0x3FFB];
	_ =	sdelay $0x3  }
0x92: {  	_ =	strace s18  }
0x93: {  	s3 =	sld [smem:$0x3FFC];
	_ =	sdelay $0x3  }
0x94: {  	_ =	strace s3  }
0x95: {  	s3 =	sld [smem:$0x3FFD];
	_ =	sdelay $0x3  }
0x96: {  	_ =	strace s3  }
0x97: {  	_ =	strace $0x8FFFFFFF  }
0x98: {  	s19 =	sld [smem:$0x3FDB];
	_ =	sdelay $0x1  }
0x99: {  	s4 =	simm.s32 $_scs_section_size  }
0x9a: {  	s5 =	simm.s32 $_size__tile_overlayer_lowered;
	s6 =	simm.s32 $_tile_overlayer_lowered  }
0x9b: {  	s22 =	simm.s32 $0x1BFF;
	s21 =	sshll.u32 s6, $0x1;
	s3 =	sadd.s32 s4, s19  }
0x9c: {  	s7 =	simm.s32 $0x0;
	s20 =	sshll.u32 s5, $0x1;
	s5 =	sadd.s32 s21, s3  }
0x9d: {  	[timem:s7], [sflag:s22] =	dma.local [hbm:s5], s20  }
0x9e: {  	_ =	swait.ge [sflag:s22], s20  }
0x9f: {  	s4 =	ssub.s32 $0x0, s20;
	[sflag:s22] =	ssyncset.done $0x0  }
0xa0: {  	[sflag:s22] =	ssyncadd.s32 s4;
	_ =	sdelay $0x1  }
0xa1: {  	s23 =	simm.s32 $0x1B8B  }
0xa2: {  	_ =	swait.ge [sflag:s23], $0x1  }
0xa3: {  	[sflag:s23] =	ssyncset.done $0x0  }
0xa4: {  	s25 =	simm.s32 $0x1B8E;
	s24 =	sld [smem:$0x3FFE];
	[sflag:s23] =	ssyncadd.s32 $0xFFFFFFFF  }
0xa5: {  	s26 =	simm.s32 $execute0_lowered;
	[smem:$0x3FD2] =	sst s25  }
0xa6: {  	s5 =	sshll.u32 s26, $0x1;
	_ =	strace $0x80000046;
	[dreg:$0x1] =	wrdreg $0xFFFFFFFF  }
0xa7: {  	s28 =	simm.s32 $_size_execute0_lowered;
	s3 =	sadd.s32 s3, s5;
	[dreg:$0x0] =	wrdreg $0x0  }
0xa8: {  	s5 =	sshll.u32 s28, $0x1;
	[dreg:$0x2] =	wrdreg s3  }
0xa9: {  	[dreg:$0x3] =	wrdreg s5  }
0xaa: {  	[dreg:$0x4] =	wrdreg $0xC0  }
0xab: {  	_ =	task [dreg:s7], $0x5FFFF  }
0xac: {  	[dreg:$0x1] =	wrdreg $0xFFFFFFFF  }
0xad: {  	[dreg:$0x0] =	wrdreg $0x60  }
0xae: {  	[dreg:$0x2] =	wrdreg s2  }
0xaf: {  	[dreg:$0x3] =	wrdreg s24  }
0xb0: {  	[dreg:$0x4] =	wrdreg $0x9  }
0xb1: {  	_ =	task.clear_ibuf [dreg:s7], $0x5FFFF;
	_ =	strace $0x90000046  }
0xb2: {  	s29 =	simm.s32 $0x9;
	_ =	strace $0x80000048  }
0xb3: {  	_ =	swait.ge [sflag:s29], $0x1  }
0xb4: {  	[sflag:s29] =	ssyncadd.s32 $0xFFFFFFFF  }
0xb5: {  	_ =	strace $0x90000048  }
0xb6: {  	_ =	sfence  }
0xb7: {  	s30 =	sld [smem:$0x0];
	_ =	sdelay $0x2  }
0xb8: {  	s31 =	sshll.u32 s1, $0xD;
	s1 =	sshrl.u32 s1, $0x2  }
0xb9: {  	s3 =	sand.u32 $0x4000, s31;
	s1 =	sadd.s32 s1, s30  }
0xba: {  	s0 =	sor.u32 s3, s0;
	s1 =	sshll.u32 s1, $0x11  }
0xbb: {  	s0 =	sor.u32 s1, s0  }
0xbc: {  	s0 =	sadd.s32 $0x8F2B, s0  }
0xbd: {  	[sflag:s0] =	ssyncadd.remote.s32 $0x1  }
0xbe: {  	_ =	sfence.sel $0xFFFF  }
0xbf: {  	[dreg:$0x0] =	wrdreg $0xFFFFFFFF;
	(pc) =	sbr.abs _section_cstart, $3  }
0xc0: {  	[dreg:$0x1] =	wrdreg $0xFFFFFFFF  }
0xc1: {  	_ =	task.clear_ibuf [dreg:s7], $0x2FFFF;
	_ =	strace $0x9FFFFFFF  }
0xc2: {  	(tm) =	ssettm $0x7FFFFFFF  }
0xc3: {  	_ =	shalt  }
tec
execute0_lowered:
.L_overlay_start_1:
0x0: {  	(tag) =	ssettag $0x1  }
0x1: {  	s3 =	rddreg [dreg:$0x0]  }
0x2: {  	s4 =	rddreg [dreg:$0x1]  }
0x3: {  	s0 =	rddreg [dreg:$0x2];
	s2 =	simm.s32 $0x0;
	s5 =	srdreg.scid  }
0x4: {  	s1 =	stileid.u32;
	s10 =	simm.s32 $0x0;
	s5 =	sand.u32 $0x1, s5  }
0x5: {  	s6 =	sshrl.u32 s1, $0x2;
	s7 =	sshll.u32 s1, $0x8;
	[smem:$0x7FF] =	sst s2  }
0x6: {  	s8 =	sshll.u32 s5, $0x7;
	s7 =	sand.u32 $0x300, s7;
	s9 =	smul.u32 $0x13C00, s6  }
0x7: {  	s6 =	smul.u32 $0x14000, s6;
	s5 =	ssub.s32 $0x2, s5;
	s7 =	sor.u32 s8, s7  }
0x8: {  	_ =	strace $0x80000047;
	s31 =	sshrl.u32 s5, $0x1;
	s8 =	sor.u32 s9, s7  }
0x9: {  	s6 =	sor.u32 s6, s7;
	s5 =	ssub.s32 s5, s31;
	s7 =	simm.s32 $0x400  }
0xa: {  	s9 =	simm.s32 $0x2800;
	s8 =	sshrl.u32 s8, $0x3;
	s6 =	sshrl.u32 s6, $0x3  }
0xb: {  	s5 =	smax.u32 s5, $0x1;
	s4 =	sadd.s32 s8, s4;
	s3 =	sadd.s32 s3, s6  }
0xc: {  	v0 =	vimm.f32 $0.0e+00;
	v1 =	vimm.f32 $1.000000000e+00;
	s6 =	simm.s32 $0x80;
	s8 =	simm.s32 $0x1;
	s4 =	sadd.s32 $0x1E00, s4  }
.LBB2_1:
0xd: {  	[tilespmem:s2], [sflag:$0x1] =	stream.strided.gather [hbm4b:s3+s6], $0x2800, s7, s6, $0x38;
	[tilespmem:$0x4F80] =	vst v63  }
0xe: {  	_ =	swait.ge [sflag:s8], $0x2800  }
0xf: {  	[sflag:s8] =	ssyncset.done $0x0  }
0x10: {  	s11 =	simm.s32 $0x0;
	[sflag:s8] =	ssyncadd.s32 $0xFFFFD800  }
.LBB2_2:
0x11: {  	p0 =	sne.s32 s11, $0x9DC0  }
.Ltmp0:
0x12: {  	_ = 	snop;
	(pc) =	sbr.rel @p0 .LBB2_2-.Ltmp0, $3  }
0x13: {  	_ =	sdelay $0x1  }
0x14: {  	s12 =	sshra.s32 s11, $0x2  }
0x15: {  	s11 =	sadd.s32 $0x40, s11;
	[tilespmem:s12+$0x2800] =	vst v0  }
0x16: {  	s12 =	simm.s32 $0x0;
	s11 =	simm.s32 $0x40  }
.LBB2_4:
0x17: {  	p0 =	sne.s32 s11, $0x9FC0;
	v2 =	vld [tilespmem:s12+$0x0];
	_ =	sdelay $0x3  }
.Ltmp1:
0x18: {  	(pc) =	sbr.rel @p0 .LBB2_4-.Ltmp1, $2  }
0x19: {  	_ =	sdelay $0x2  }
0x1a: {  	s12 =	sshra.s32 s11, $0x2;
	s11 =	sadd.s32 $0x40, s11;
	[tilespmem:v2+s9+$0x0] =	vst.idx.add.f32.msk $0xffff, v1  }
0x1b: {  	v2 =	vld [tilespmem:s12+$0x0];
	_ =	sdelay $0x5  }
0x1c: {  	s10 =	sadd.s32 $0x1, s10  }
0x1d: {  	p0 =	sne.s32 s10, s5  }
.Ltmp2:
0x1e: {  	[tilespmem:v2+s9+$0x0] =	vst.idx.add.f32.msk $0xffff, v1;
	(pc) =	sbr.rel @p0 .LBB2_1-.Ltmp2, $4  }
0x1f: {  	[hbm4b:s4+s6] =	stream.strided.scatter [tilespmem:s9], [sflag:$0x1], $0x2780, s7, s6, $0x38;
	[tilespmem:$0x4F80] =	vst v63  }
0x20: {  	_ =	swait.ge [sflag:s8], $0x2780  }
0x21: {  	[sflag:s8] =	ssyncset.done $0x0  }
0x22: {  	[sflag:s8] =	ssyncadd.s32 $0xFFFFD880  }
0x23: {  	_ =	sfence.sel $0x180000  }
0x24: {  	[bflag:$0x0] =	sbarrier.arrive $0xFFFF  }
0x25: {  	p0 =	sne.s32 s1, $0x0;
	_ =	strace $0x90000047  }
0x26: {  	s0 =	sadd.s32 @!p0 $0x100000, s0;
	[bflag:$0x2] =	sbarrier.arrive $0xFFFF  }
0x27: {  	[sflag:s0] =	ssyncadd.tile.s32 @!p0 $0x1;
	_ =	shalt  }
.Lfunc_end2:
_tile_overlayer_lowered:
.L_overlay_start_2:
0x28: {  	(tag) =	ssettag $0x2  }
0x29: {  	s0 =	rddreg [dreg:$0x0];
	s2 =	stileid.u32  }
0x2a: {  	s1 =	rddreg [dreg:$0x1];
	p0 =	sne.s32 s2, $0x0  }
0x2b: {  	s3 =	rddreg [dreg:$0x2];
	[bflag:$0x3] =	sbarrier.arrive $0xFFFF;
	s2 =	simm.s32 @!p0 $0x1C01  }
0x2c: {  	[timem:s3], [sflag:s2] =	dma.local @!p0 [hbm:s0], s1  }
0x2d: {  	s0 =	simm.s32 @!p0 $0x1  }
0x2e: {  	_ =	swait.ge @!p0 [sflag:s0], s1  }
0x2f: {  	s1 =	ssub.s32 @!p0 $0x0, s1;
	[sflag:s0] =	ssyncset.done @!p0 $0x0  }
0x30: {  	[sflag:s0] =	ssyncadd.s32 @!p0 s1  }
0x31: {  	[bflag:$0x3] =	sbarrier.arrive $0xFFFF  }
0x32: {  	_ =	shalt  }

</sc_bundles>
